<compile_context>
chip_gen: v7x
topology: tpu7x:2x2x1
jax: 0.10.2.dev20260603
libtpu: 0.0.44.dev20260713+nightly
codegen_flags: <defaults>
</compile_context>

<pallas_src>
import functools

import jax
import jax.numpy as jnp
from jax import lax
from jax.experimental import pallas as pl
from jax.experimental.pallas import tpu as pltpu
from jax.experimental.pallas import tpu_sc as plsc

B = 16384
F = 26
D = 16
V = 1000000
EMB = F * D
EMBP = 512
EPS = 1e-5
H1, H2, H3 = 256, 128, 64

NC = 2
NS = 16
NW = NC * NS
N = B * F
PER_W = N // NW
CHUNK = 1664
NI = PER_W // CHUNK

NROW = B * EMBP // D



NTILE = 7813
VP = NTILE * 128
RP_FULL = NTILE // NW
RP_REM = NTILE % NW


def _make_repack():
    mesh = plsc.VectorSubcoreMesh(core_axis_name="c", subcore_axis_name="s")

    @functools.partial(
        pl.kernel,
        mesh=mesh,
        out_type=jax.ShapeDtypeStruct((VP * D,), jnp.float32),
        scratch_types=[
            pltpu.VMEM((16, 128), jnp.float32),
            pltpu.VMEM((16, 128), jnp.float32),
            pltpu.VMEM((2048,), jnp.float32),
            pltpu.VMEM((2048,), jnp.float32),
            pltpu.SemaphoreType.DMA,
            pltpu.SemaphoreType.DMA,
        ],
        compiler_params=pltpu.CompilerParams(needs_layout_passes=False),
    )
    def repack(tT_hbm, out_hbm, ina, inb, outa, outb, sem_in, sem_out):
        wid = lax.axis_index("s") * NC + lax.axis_index("c")
        ins = (ina, inb)
        outs = (outa, outb)
        lane = lax.iota(jnp.int32, 16)

        def shuffle_block(in16, out_v):
            base16 = lane * 16
            @plsc.parallel_loop(0, 16, unroll=8)
            def _body(c):
                for k in range(8):
                    vals = in16[c, pl.ds(k * 16, 16)]
                    idx = base16 + (256 * k + c)
                    plsc.store_scatter(out_v, [idx], vals)

        def start_in(t, buf):
            rb = t * NW + wid
            pltpu.async_copy(tT_hbm.at[:, pl.ds(rb * 128, 128)], buf, sem_in)

        def drain_in(buf):
            pltpu.make_async_copy(tT_hbm.at[:, pl.ds(0, 128)], buf,
                                  sem_in).wait()

        def drain_out(buf):
            pltpu.make_async_copy(buf, out_hbm.at[pl.ds(0, 2048)],
                                  sem_out).wait()

        start_in(0, ina)
        start_in(1, inb)

        def body(i, carry):
            for bslot in range(2):
                t = 2 * i + bslot
                buf = ins[bslot]
                obuf = outs[bslot]
                drain_in(buf)

                @pl.when(i > 0)
                def _():
                    drain_out(obuf)

                shuffle_block(buf, obuf)
                rb = t * NW + wid
                pltpu.async_copy(obuf, out_hbm.at[pl.ds(rb * 2048, 2048)],
                                 sem_out)

                @pl.when(i <= RP_FULL // 2 - 2)
                def _():
                    start_in(t + 2, buf)
            return carry

        lax.fori_loop(0, RP_FULL // 2, body, 0)
        drain_out(outa)
        drain_out(outb)

        @pl.when(wid < RP_REM)
        def _tail():
            rb = RP_FULL * NW + wid
            pltpu.sync_copy(tT_hbm.at[:, pl.ds(rb * 128, 128)], ina)
            shuffle_block(ina, outa)
            pltpu.sync_copy(outa, out_hbm.at[pl.ds(rb * 2048, 2048)])

    return repack


_repack = _make_repack()



def _make_gather():
    mesh = plsc.VectorSubcoreMesh(core_axis_name="c", subcore_axis_name="s")

    @functools.partial(
        pl.kernel,
        mesh=mesh,
        out_type=jax.ShapeDtypeStruct((NROW, D), jnp.float32),
        scratch_types=[
            pltpu.VMEM((CHUNK,), jnp.int32),
            pltpu.VMEM((CHUNK,), jnp.int32),
            pltpu.VMEM((CHUNK,), jnp.int32),
            pltpu.VMEM((CHUNK,), jnp.int32),
            pltpu.VMEM((CHUNK,), jnp.int32),
            pltpu.VMEM((CHUNK,), jnp.int32),
            pltpu.VMEM((CHUNK, D), jnp.float32),
            pltpu.VMEM((CHUNK, D), jnp.float32),
            pltpu.SemaphoreType.DMA((3,)),
            pltpu.SemaphoreType.DMA((2,)),
            pltpu.SemaphoreType.DMA((2,)),
        ],
        compiler_params=pltpu.CompilerParams(use_tc_tiling_on_sc=False),
    )
    def gather(table_hbm, idx_hbm, dst_hbm, out_hbm,
               idx_a, idx_b, idx_c, dst_a, dst_b, dst_c, rows_a, rows_b,
               sem_i, sem_g, sem_s):
        wid = lax.axis_index("s") * NC + lax.axis_index("c")
        base = wid * PER_W
        idxs = (idx_a, idx_b, idx_c)
        dsts = (dst_a, dst_b, dst_c)
        rows = (rows_a, rows_b)

        idx_h = [None] * NI
        gat_h = [None] * NI
        sca_h = [None] * NI

        def start_idx(t):
            off = base + t * CHUNK
            h1 = pltpu.async_copy(idx_hbm.at[pl.ds(off, CHUNK)], idxs[t % 3],
                                  sem_i.at[t % 3])
            h2 = pltpu.async_copy(dst_hbm.at[pl.ds(off, CHUNK)], dsts[t % 3],
                                  sem_i.at[t % 3])
            idx_h[t] = (h1, h2)

        def wait_idx(t):
            idx_h[t][0].wait()
            idx_h[t][1].wait()

        def start_gather(t):
            gat_h[t] = pltpu.async_copy(table_hbm.at[idxs[t % 3]],
                                        rows[t % 2], sem_g.at[t % 2])

        def start_scatter(t):
            sca_h[t] = pltpu.async_copy(rows[t % 2], out_hbm.at[dsts[t % 3]],
                                        sem_s.at[t % 2])

        start_idx(0)
        start_idx(1)
        wait_idx(0)
        start_gather(0)
        for t in range(NI):
            if t >= 1:
                sca_h[t - 1].wait()
            if t + 1 < NI:
                wait_idx(t + 1)
                start_gather(t + 1)
            gat_h[t].wait()
            start_scatter(t)
            if t + 2 < NI:
                start_idx(t + 2)
        sca_h[NI - 1].wait()

    return gather


_gather = _make_gather()



STATS_TB = 2048
STATS_NB = B // STATS_TB


def _stats_kernel(h_ref, gamma_ref, beta_ref, scale_ref, shift_ref,
                  sum_ref, sumsq_ref):
    i = pl.program_id(0)
    x = h_ref[...].reshape(STATS_TB // 8, 4, 8, 128)
    s = jnp.sum(x, axis=(0, 2))
    s2 = jnp.sum(x * x, axis=(0, 2))

    @pl.when(i == 0)
    def _init():
        sum_ref[...] = s
        sumsq_ref[...] = s2

    @pl.when(i > 0)
    def _acc():
        sum_ref[...] += s
        sumsq_ref[...] += s2

    @pl.when(i == STATS_NB - 1)
    def _finish():
        mean = sum_ref[...] * (1.0 / B)
        var = sumsq_ref[...] * (1.0 / B) - mean * mean
        rstd = lax.rsqrt(var + EPS)
        scl = gamma_ref[...] * rstd
        scale_ref[...] = scl
        shift_ref[...] = beta_ref[...] - mean * scl


def _stats(h_lin, gamma4, beta4):
    return pl.pallas_call(
        _stats_kernel,
        grid=(STATS_NB,),
        in_specs=[
            pl.BlockSpec((STATS_TB * 4, 128), lambda i: (i, 0)),
            pl.BlockSpec((4, 128), lambda i: (0, 0)),
            pl.BlockSpec((4, 128), lambda i: (0, 0)),
        ],
        out_specs=[
            pl.BlockSpec((4, 128), lambda i: (0, 0)),
            pl.BlockSpec((4, 128), lambda i: (0, 0)),
        ],
        out_shape=[
            jax.ShapeDtypeStruct((4, 128), jnp.float32),
            jax.ShapeDtypeStruct((4, 128), jnp.float32),
        ],
        scratch_shapes=[
            pltpu.VMEM((4, 128), jnp.float32),
            pltpu.VMEM((4, 128), jnp.float32),
        ],
    )(h_lin, gamma4, beta4)



MLP_TB = 1024
MLP_NB = B // MLP_TB


def _mlp_kernel(h_ref, scale_ref, shift_ref, W1_ref, b1_ref, W2_ref, b2_ref,
                W3_ref, b3_ref, out_ref):
    x = h_ref[...].reshape(MLP_TB // 8, 4, 8, 128)
    y = x * scale_ref[...][None, :, None, :] + shift_ref[...][None, :, None, :]
    a = jnp.dot(y[:, 0].reshape(MLP_TB, 128), W1_ref[0:128],
                preferred_element_type=jnp.float32)
    a += jnp.dot(y[:, 1].reshape(MLP_TB, 128), W1_ref[128:256],
                 preferred_element_type=jnp.float32)
    a += jnp.dot(y[:, 2].reshape(MLP_TB, 128), W1_ref[256:384],
                 preferred_element_type=jnp.float32)
    a += jnp.dot(y[:, 3].reshape(MLP_TB, 128)[:, 0:32], W1_ref[384:416],
                 preferred_element_type=jnp.float32)
    a = jnp.maximum(a + b1_ref[...], 0.0)
    a = jnp.maximum(jnp.dot(a, W2_ref[...],
                            preferred_element_type=jnp.float32)
                    + b2_ref[...], 0.0)
    out_ref[...] = jnp.dot(a, W3_ref[...],
                           preferred_element_type=jnp.float32) + b3_ref[...]


def _mlp(h_lin, scale, shift, W1, b1, W2, b2, W3, b3):
    return pl.pallas_call(
        _mlp_kernel,
        grid=(MLP_NB,),
        in_specs=[
            pl.BlockSpec((MLP_TB * 4, 128), lambda i: (i, 0)),
            pl.BlockSpec((4, 128), lambda i: (0, 0)),
            pl.BlockSpec((4, 128), lambda i: (0, 0)),
            pl.BlockSpec((EMB, H1), lambda i: (0, 0)),
            pl.BlockSpec((1, H1), lambda i: (0, 0)),
            pl.BlockSpec((H1, H2), lambda i: (0, 0)),
            pl.BlockSpec((1, H2), lambda i: (0, 0)),
            pl.BlockSpec((H2, H3), lambda i: (0, 0)),
            pl.BlockSpec((1, H3), lambda i: (0, 0)),
        ],
        out_specs=pl.BlockSpec((MLP_TB, H3), lambda i: (i, 0)),
        out_shape=jax.ShapeDtypeStruct((B, H3), jnp.float32),
    )(h_lin, scale, shift, W1, b1.reshape(1, H1), W2, b2.reshape(1, H2),
      W3, b3.reshape(1, H3))


@jax.jit
def kernel(x, table, gamma, beta, W1, b1, W2, b2, W3, b3):
    table_lin = _repack(table.T).reshape(VP, D)
    flat_idx = x.reshape(N)
    j = jnp.arange(N, dtype=jnp.int32)
    b_i = j // F
    f_i = j % F
    dst = ((b_i >> 3) * 4 + (f_i >> 3)) * 64 + (b_i & 7) * 8 + (f_i & 7)
    h_flat = _gather(table_lin, flat_idx, dst)
    h_lin = h_flat.reshape(B * EMBP // 128, 128)
    gamma4 = jnp.pad(gamma, (0, EMBP - EMB)).reshape(4, 128)
    beta4 = jnp.pad(beta, (0, EMBP - EMB)).reshape(4, 128)
    scale, shift = _stats(h_lin, gamma4, beta4)
    return _mlp(h_lin, scale, shift, W1, b1, W2, b2, W3, b3)

# --- scband reference (transcript-rebuilt; emitter-appended) ---
"""Pipeline reference for scband-user-module-3607772528806 (READ-ONLY COPY).

The authoritative reference and input builder live on the scoring server;
editing this copy changes nothing except your own understanding.
"""

import jax, jax.numpy as jnp
import numpy as np

B = 16384
F = 26
D = 16
V = 1000000
EMB_OUT = F * D  # 416 = feature_count * embedding_size
H1, H2, H3 = 256, 128, 64
EPS = 1e-5


def setup_inputs(seed: int = 0) -> dict:
    key = jax.random.key(seed)
    ks = jax.random.split(key, 10)
    x = jax.random.randint(ks[0], (B, F), 0, V, dtype=jnp.int32)
    # embedding table, NormalTensorInitializer(var=0.0001) -> std=0.01
    table = jax.random.normal(ks[1], (V, D), dtype=jnp.float32) * 0.01
    # batch-norm affine params
    gamma = jnp.ones((EMB_OUT,), dtype=jnp.float32)
    beta = jnp.zeros((EMB_OUT,), dtype=jnp.float32)
    # dense tower weights
    W1 = jax.random.normal(ks[2], (EMB_OUT, H1), dtype=jnp.float32) * (1.0 / np.sqrt(EMB_OUT))
    b1 = jnp.zeros((H1,), dtype=jnp.float32)
    W2 = jax.random.normal(ks[3], (H1, H2), dtype=jnp.float32) * (1.0 / np.sqrt(H1))
    b2 = jnp.zeros((H2,), dtype=jnp.float32)
    W3 = jax.random.normal(ks[4], (H2, H3), dtype=jnp.float32) * (1.0 / np.sqrt(H2))
    b3 = jnp.zeros((H3,), dtype=jnp.float32)
    return {"x": x, "table": table, "gamma": gamma, "beta": beta,
            "W1": W1, "b1": b1, "W2": W2, "b2": b2, "W3": W3, "b3": b3}


def reference(x, table, gamma, beta, W1, b1, W2, b2, W3, b3):
    # EmbeddingSumConcat: per-field embedding lookup (sum-pooled), concat across fields
    emb = jnp.take(table, x, axis=0)            # [B, F, D]
    h = emb.reshape(emb.shape[0], -1)           # [B, F*D]
    # Normalization (batch-norm, training-mode batch statistics)
    mean = jnp.mean(h, axis=0)
    var = jnp.var(h, axis=0)
    h = (h - mean) / jnp.sqrt(var + EPS) * gamma + beta
    # DSSMDense tower
    h = jax.nn.relu(h @ W1 + b1)
    h = jax.nn.relu(h @ W2 + b2)
    out = h @ W3 + b3
    return out

if __name__ == "__main__":
    import jax
    _d = setup_inputs()
    print(jax.jit(kernel)(*tuple(_d.values())))

</pallas_src>

<mosaic_0001>
#map = affine_map<(d0, d1) -> (0, 0)>
#map1 = affine_map<(d0, d1) -> (0)>
module attributes {stable_mosaic.version = 14 : i64} {
  func.func @gather(%arg0: i32, %arg1: i32, %arg2: memref<1000064x16xf32, #tpu.memory_space<hbm>>, %arg3: memref<425984xi32, #tpu.memory_space<hbm>>, %arg4: memref<425984xi32, #tpu.memory_space<hbm>>, %arg5: memref<524288x16xf32, #tpu.memory_space<hbm>>, %arg6: memref<1664xi32, #tpu.memory_space<vmem>>, %arg7: memref<1664xi32, #tpu.memory_space<vmem>>, %arg8: memref<1664xi32, #tpu.memory_space<vmem>>, %arg9: memref<1664xi32, #tpu.memory_space<vmem>>, %arg10: memref<1664xi32, #tpu.memory_space<vmem>>, %arg11: memref<1664xi32, #tpu.memory_space<vmem>>, %arg12: memref<1664x16xf32, #tpu.memory_space<vmem>>, %arg13: memref<1664x16xf32, #tpu.memory_space<vmem>>, %arg14: memref<3x!tpu.dma_semaphore, #tpu.memory_space<semaphore_mem>>, %arg15: memref<2x!tpu.dma_semaphore, #tpu.memory_space<semaphore_mem>>, %arg16: memref<2x!tpu.dma_semaphore, #tpu.memory_space<semaphore_mem>>) attributes {dimension_semantics = [#tpu.dimension_semantics<core_parallel>, #tpu.dimension_semantics<subcore_parallel>], iteration_bounds = array<i64: 2, 16>, scalar_prefetch = 0 : i64, scratch_operands = 11 : i64, tpu.core_type = #tpu.core_type<sc_vector_subcore>, window_params = [{transform_indices = #map}, {transform_indices = #map1}, {transform_indices = #map1}, {transform_indices = #map}]} {
    %mul3A = arith.constant 2 : i32
    %mul3A_0 = arith.muli %arg1, %mul3A : i32
    %add3A = arith.addi %mul3A_0, %arg0 : i32
    %mul3A_1 = arith.constant 13312 : i32
    %mul3A_2 = arith.muli %add3A, %mul3A_1 : i32
    %add3A_3 = arith.constant 0 : i32
    %add3A_4 = arith.addi %mul3A_2, %add3A_3 : i32
    %dma_start3A = arith.constant 0 : i32
    %dma_start3A_5 = tpu.memref_slice %arg3[%add3A_4] : memref<425984xi32, #tpu.memory_space<hbm>> -> memref<1664xi32, #tpu.memory_space<hbm>>
    %dma_start3A_6 = tpu.memref_slice %arg14[%dma_start3A] : memref<3x!tpu.dma_semaphore, #tpu.memory_space<semaphore_mem>> -> memref<1x!tpu.dma_semaphore, #tpu.memory_space<semaphore_mem>>
    %dma_start3A_7 = tpu.memref_squeeze %dma_start3A_6 : memref<1x!tpu.dma_semaphore, #tpu.memory_space<semaphore_mem>> -> memref<!tpu.dma_semaphore, #tpu.memory_space<semaphore_mem>>
    %dma_start3A_8 = tpu.memref_slice %arg3[%add3A_4] : memref<425984xi32, #tpu.memory_space<hbm>> -> memref<1664xi32, #tpu.memory_space<hbm>>
    tpu.enqueue_dma source(%dma_start3A_8 : memref<1664xi32, #tpu.memory_space<hbm>>) target(%arg6 : memref<1664xi32, #tpu.memory_space<vmem>>) target_semaphore(%dma_start3A_7 : memref<!tpu.dma_semaphore, #tpu.memory_space<semaphore_mem>>)
    %dma_start3A_9 = arith.constant 0 : i32
    %dma_start3A_10 = tpu.memref_slice %arg4[%add3A_4] : memref<425984xi32, #tpu.memory_space<hbm>> -> memref<1664xi32, #tpu.memory_space<hbm>>
    %dma_start3A_11 = tpu.memref_slice %arg14[%dma_start3A_9] : memref<3x!tpu.dma_semaphore, #tpu.memory_space<semaphore_mem>> -> memref<1x!tpu.dma_semaphore, #tpu.memory_space<semaphore_mem>>
    %dma_start3A_12 = tpu.memref_squeeze %dma_start3A_11 : memref<1x!tpu.dma_semaphore, #tpu.memory_space<semaphore_mem>> -> memref<!tpu.dma_semaphore, #tpu.memory_space<semaphore_mem>>
    %dma_start3A_13 = tpu.memref_slice %arg4[%add3A_4] : memref<425984xi32, #tpu.memory_space<hbm>> -> memref<1664xi32, #tpu.memory_space<hbm>>
    tpu.enqueue_dma source(%dma_start3A_13 : memref<1664xi32, #tpu.memory_space<hbm>>) target(%arg9 : memref<1664xi32, #tpu.memory_space<vmem>>) target_semaphore(%dma_start3A_12 : memref<!tpu.dma_semaphore, #tpu.memory_space<semaphore_mem>>)
    %add3A_14 = arith.constant 1664 : i32
    %add3A_15 = arith.addi %mul3A_2, %add3A_14 : i32
    %dma_start3A_16 = arith.constant 1 : i32
    %dma_start3A_17 = tpu.memref_slice %arg3[%add3A_15] : memref<425984xi32, #tpu.memory_space<hbm>> -> memref<1664xi32, #tpu.memory_space<hbm>>
    %dma_start3A_18 = tpu.memref_slice %arg14[%dma_start3A_16] : memref<3x!tpu.dma_semaphore, #tpu.memory_space<semaphore_mem>> -> memref<1x!tpu.dma_semaphore, #tpu.memory_space<semaphore_mem>>
    %dma_start3A_19 = tpu.memref_squeeze %dma_start3A_18 : memref<1x!tpu.dma_semaphore, #tpu.memory_space<semaphore_mem>> -> memref<!tpu.dma_semaphore, #tpu.memory_space<semaphore_mem>>
    %dma_start3A_20 = tpu.memref_slice %arg3[%add3A_15] : memref<425984xi32, #tpu.memory_space<hbm>> -> memref<1664xi32, #tpu.memory_space<hbm>>
    tpu.enqueue_dma source(%dma_start3A_20 : memref<1664xi32, #tpu.memory_space<hbm>>) target(%arg7 : memref<1664xi32, #tpu.memory_space<vmem>>) target_semaphore(%dma_start3A_19 : memref<!tpu.dma_semaphore, #tpu.memory_space<semaphore_mem>>)
    %dma_start3A_21 = arith.constant 1 : i32
    %dma_start3A_22 = tpu.memref_slice %arg4[%add3A_15] : memref<425984xi32, #tpu.memory_space<hbm>> -> memref<1664xi32, #tpu.memory_space<hbm>>
    %dma_start3A_23 = tpu.memref_slice %arg14[%dma_start3A_21] : memref<3x!tpu.dma_semaphore, #tpu.memory_space<semaphore_mem>> -> memref<1x!tpu.dma_semaphore, #tpu.memory_space<semaphore_mem>>
    %dma_start3A_24 = tpu.memref_squeeze %dma_start3A_23 : memref<1x!tpu.dma_semaphore, #tpu.memory_space<semaphore_mem>> -> memref<!tpu.dma_semaphore, #tpu.memory_space<semaphore_mem>>
    %dma_start3A_25 = tpu.memref_slice %arg4[%add3A_15] : memref<425984xi32, #tpu.memory_space<hbm>> -> memref<1664xi32, #tpu.memory_space<hbm>>
    tpu.enqueue_dma source(%dma_start3A_25 : memref<1664xi32, #tpu.memory_space<hbm>>) target(%arg10 : memref<1664xi32, #tpu.memory_space<vmem>>) target_semaphore(%dma_start3A_24 : memref<!tpu.dma_semaphore, #tpu.memory_space<semaphore_mem>>)
    %dma_wait3A = arith.constant 0 : i32
    %dma_wait3A_26 = tpu.memref_slice %arg3[%add3A_4] : memref<425984xi32, #tpu.memory_space<hbm>> -> memref<1664xi32, #tpu.memory_space<hbm>>
    %dma_wait3A_27 = tpu.memref_slice %arg14[%dma_wait3A] : memref<3x!tpu.dma_semaphore, #tpu.memory_space<semaphore_mem>> -> memref<1x!tpu.dma_semaphore, #tpu.memory_space<semaphore_mem>>
    %dma_wait3A_28 = tpu.memref_squeeze %dma_wait3A_27 : memref<1x!tpu.dma_semaphore, #tpu.memory_space<semaphore_mem>> -> memref<!tpu.dma_semaphore, #tpu.memory_space<semaphore_mem>>
    %dma_wait3A_29 = tpu.memref_slice %arg3[%add3A_4] : memref<425984xi32, #tpu.memory_space<hbm>> -> memref<1664xi32, #tpu.memory_space<hbm>>
    tpu.wait_dma2 semaphore(%dma_wait3A_28 : memref<!tpu.dma_semaphore, #tpu.memory_space<semaphore_mem>>) src(%dma_wait3A_29 : memref<1664xi32, #tpu.memory_space<hbm>>) dst(%arg6 : memref<1664xi32, #tpu.memory_space<vmem>>)
    %dma_wait3A_30 = arith.constant 0 : i32
    %dma_wait3A_31 = tpu.memref_slice %arg4[%add3A_4] : memref<425984xi32, #tpu.memory_space<hbm>> -> memref<1664xi32, #tpu.memory_space<hbm>>
    %dma_wait3A_32 = tpu.memref_slice %arg14[%dma_wait3A_30] : memref<3x!tpu.dma_semaphore, #tpu.memory_space<semaphore_mem>> -> memref<1x!tpu.dma_semaphore, #tpu.memory_space<semaphore_mem>>
    %dma_wait3A_33 = tpu.memref_squeeze %dma_wait3A_32 : memref<1x!tpu.dma_semaphore, #tpu.memory_space<semaphore_mem>> -> memref<!tpu.dma_semaphore, #tpu.memory_space<semaphore_mem>>
    %dma_wait3A_34 = tpu.memref_slice %arg4[%add3A_4] : memref<425984xi32, #tpu.memory_space<hbm>> -> memref<1664xi32, #tpu.memory_space<hbm>>
    tpu.wait_dma2 semaphore(%dma_wait3A_33 : memref<!tpu.dma_semaphore, #tpu.memory_space<semaphore_mem>>) src(%dma_wait3A_34 : memref<1664xi32, #tpu.memory_space<hbm>>) dst(%arg9 : memref<1664xi32, #tpu.memory_space<vmem>>)
    %dma_start3A_35 = arith.constant 0 : i32
    %dma_start3A_36 = arith.constant 0 : i32
    %dma_start3A_37 = arith.constant 0 : i32
    %dma_start3A_38 = tpu.memref_slice %arg2[%dma_start3A_36, %dma_start3A_37] : memref<1000064x16xf32, #tpu.memory_space<hbm>> -> memref<1000064x16xf32, #tpu.memory_space<hbm>>
    %dma_start3A_39 = tpu.memref_slice %arg15[%dma_start3A_35] : memref<2x!tpu.dma_semaphore, #tpu.memory_space<semaphore_mem>> -> memref<1x!tpu.dma_semaphore, #tpu.memory_space<semaphore_mem>>
    %dma_start3A_40 = tpu.memref_squeeze %dma_start3A_39 : memref<1x!tpu.dma_semaphore, #tpu.memory_space<semaphore_mem>> -> memref<!tpu.dma_semaphore, #tpu.memory_space<semaphore_mem>>
    tpu.enqueue_indirect_dma source(%dma_start3A_38 : memref<1000064x16xf32, #tpu.memory_space<hbm>>) target(%arg12 : memref<1664x16xf32, #tpu.memory_space<vmem>>) offsets(%arg6 : memref<1664xi32, #tpu.memory_space<vmem>>) semaphore(%dma_start3A_40 : memref<!tpu.dma_semaphore, #tpu.memory_space<semaphore_mem>>)
    %dma_wait3A_41 = arith.constant 1 : i32
    %dma_wait3A_42 = tpu.memref_slice %arg3[%add3A_15] : memref<425984xi32, #tpu.memory_space<hbm>> -> memref<1664xi32, #tpu.memory_space<hbm>>
    %dma_wait3A_43 = tpu.memref_slice %arg14[%dma_wait3A_41] : memref<3x!tpu.dma_semaphore, #tpu.memory_space<semaphore_mem>> -> memref<1x!tpu.dma_semaphore, #tpu.memory_space<semaphore_mem>>
    %dma_wait3A_44 = tpu.memref_squeeze %dma_wait3A_43 : memref<1x!tpu.dma_semaphore, #tpu.memory_space<semaphore_mem>> -> memref<!tpu.dma_semaphore, #tpu.memory_space<semaphore_mem>>
    %dma_wait3A_45 = tpu.memref_slice %arg3[%add3A_15] : memref<425984xi32, #tpu.memory_space<hbm>> -> memref<1664xi32, #tpu.memory_space<hbm>>
    tpu.wait_dma2 semaphore(%dma_wait3A_44 : memref<!tpu.dma_semaphore, #tpu.memory_space<semaphore_mem>>) src(%dma_wait3A_45 : memref<1664xi32, #tpu.memory_space<hbm>>) dst(%arg7 : memref<1664xi32, #tpu.memory_space<vmem>>)
    %dma_wait3A_46 = arith.constant 1 : i32
    %dma_wait3A_47 = tpu.memref_slice %arg4[%add3A_15] : memref<425984xi32, #tpu.memory_space<hbm>> -> memref<1664xi32, #tpu.memory_space<hbm>>
    %dma_wait3A_48 = tpu.memref_slice %arg14[%dma_wait3A_46] : memref<3x!tpu.dma_semaphore, #tpu.memory_space<semaphore_mem>> -> memref<1x!tpu.dma_semaphore, #tpu.memory_space<semaphore_mem>>
    %dma_wait3A_49 = tpu.memref_squeeze %dma_wait3A_48 : memref<1x!tpu.dma_semaphore, #tpu.memory_space<semaphore_mem>> -> memref<!tpu.dma_semaphore, #tpu.memory_space<semaphore_mem>>
    %dma_wait3A_50 = tpu.memref_slice %arg4[%add3A_15] : memref<425984xi32, #tpu.memory_space<hbm>> -> memref<1664xi32, #tpu.memory_space<hbm>>
    tpu.wait_dma2 semaphore(%dma_wait3A_49 : memref<!tpu.dma_semaphore, #tpu.memory_space<semaphore_mem>>) src(%dma_wait3A_50 : memref<1664xi32, #tpu.memory_space<hbm>>) dst(%arg10 : memref<1664xi32, #tpu.memory_space<vmem>>)
    %dma_start3A_51 = arith.constant 1 : i32
    %dma_start3A_52 = arith.constant 0 : i32
    %dma_start3A_53 = arith.constant 0 : i32
    %dma_start3A_54 = tpu.memref_slice %arg2[%dma_start3A_52, %dma_start3A_53] : memref<1000064x16xf32, #tpu.memory_space<hbm>> -> memref<1000064x16xf32, #tpu.memory_space<hbm>>
    %dma_start3A_55 = tpu.memref_slice %arg15[%dma_start3A_51] : memref<2x!tpu.dma_semaphore, #tpu.memory_space<semaphore_mem>> -> memref<1x!tpu.dma_semaphore, #tpu.memory_space<semaphore_mem>>
    %dma_start3A_56 = tpu.memref_squeeze %dma_start3A_55 : memref<1x!tpu.dma_semaphore, #tpu.memory_space<semaphore_mem>> -> memref<!tpu.dma_semaphore, #tpu.memory_space<semaphore_mem>>
    tpu.enqueue_indirect_dma source(%dma_start3A_54 : memref<1000064x16xf32, #tpu.memory_space<hbm>>) target(%arg13 : memref<1664x16xf32, #tpu.memory_space<vmem>>) offsets(%arg7 : memref<1664xi32, #tpu.memory_space<vmem>>) semaphore(%dma_start3A_56 : memref<!tpu.dma_semaphore, #tpu.memory_space<semaphore_mem>>)
    %dma_wait3A_57 = arith.constant 0 : i32
    %dma_wait3A_58 = arith.constant 0 : i32
    %dma_wait3A_59 = arith.constant 0 : i32
    %dma_wait3A_60 = tpu.memref_slice %arg2[%dma_wait3A_58, %dma_wait3A_59] : memref<1000064x16xf32, #tpu.memory_space<hbm>> -> memref<1000064x16xf32, #tpu.memory_space<hbm>>
    %dma_wait3A_61 = tpu.memref_slice %arg15[%dma_wait3A_57] : memref<2x!tpu.dma_semaphore, #tpu.memory_space<semaphore_mem>> -> memref<1x!tpu.dma_semaphore, #tpu.memory_space<semaphore_mem>>
    %dma_wait3A_62 = tpu.memref_squeeze %dma_wait3A_61 : memref<1x!tpu.dma_semaphore, #tpu.memory_space<semaphore_mem>> -> memref<!tpu.dma_semaphore, #tpu.memory_space<semaphore_mem>>
    tpu.wait_indirect_dma semaphore(%dma_wait3A_62 : memref<!tpu.dma_semaphore, #tpu.memory_space<semaphore_mem>>) src(%dma_wait3A_60 : memref<1000064x16xf32, #tpu.memory_space<hbm>>) dst(%arg12 : memref<1664x16xf32, #tpu.memory_space<vmem>>)
    %dma_start3A_63 = arith.constant 0 : i32
    %dma_start3A_64 = arith.constant 0 : i32
    %dma_start3A_65 = arith.constant 0 : i32
    %dma_start3A_66 = tpu.memref_slice %arg5[%dma_start3A_64, %dma_start3A_65] : memref<524288x16xf32, #tpu.memory_space<hbm>> -> memref<524288x16xf32, #tpu.memory_space<hbm>>
    %dma_start3A_67 = tpu.memref_slice %arg16[%dma_start3A_63] : memref<2x!tpu.dma_semaphore, #tpu.memory_space<semaphore_mem>> -> memref<1x!tpu.dma_semaphore, #tpu.memory_space<semaphore_mem>>
    %dma_start3A_68 = tpu.memref_squeeze %dma_start3A_67 : memref<1x!tpu.dma_semaphore, #tpu.memory_space<semaphore_mem>> -> memref<!tpu.dma_semaphore, #tpu.memory_space<semaphore_mem>>
    tpu.enqueue_indirect_dma source(%arg12 : memref<1664x16xf32, #tpu.memory_space<vmem>>) target(%dma_start3A_66 : memref<524288x16xf32, #tpu.memory_space<hbm>>) offsets(%arg9 : memref<1664xi32, #tpu.memory_space<vmem>>) semaphore(%dma_start3A_68 : memref<!tpu.dma_semaphore, #tpu.memory_space<semaphore_mem>>)
    %add3A_69 = arith.constant 3328 : i32
    %add3A_70 = arith.addi %mul3A_2, %add3A_69 : i32
    %dma_start3A_71 = arith.constant 2 : i32
    %dma_start3A_72 = tpu.memref_slice %arg3[%add3A_70] : memref<425984xi32, #tpu.memory_space<hbm>> -> memref<1664xi32, #tpu.memory_space<hbm>>
    %dma_start3A_73 = tpu.memref_slice %arg14[%dma_start3A_71] : memref<3x!tpu.dma_semaphore, #tpu.memory_space<semaphore_mem>> -> memref<1x!tpu.dma_semaphore, #tpu.memory_space<semaphore_mem>>
    %dma_start3A_74 = tpu.memref_squeeze %dma_start3A_73 : memref<1x!tpu.dma_semaphore, #tpu.memory_space<semaphore_mem>> -> memref<!tpu.dma_semaphore, #tpu.memory_space<semaphore_mem>>
    %dma_start3A_75 = tpu.memref_slice %arg3[%add3A_70] : memref<425984xi32, #tpu.memory_space<hbm>> -> memref<1664xi32, #tpu.memory_space<hbm>>
    tpu.enqueue_dma source(%dma_start3A_75 : memref<1664xi32, #tpu.memory_space<hbm>>) target(%arg8 : memref<1664xi32, #tpu.memory_space<vmem>>) target_semaphore(%dma_start3A_74 : memref<!tpu.dma_semaphore, #tpu.memory_space<semaphore_mem>>)
    %dma_start3A_76 = arith.constant 2 : i32
    %dma_start3A_77 = tpu.memref_slice %arg4[%add3A_70] : memref<425984xi32, #tpu.memory_space<hbm>> -> memref<1664xi32, #tpu.memory_space<hbm>>
    %dma_start3A_78 = tpu.memref_slice %arg14[%dma_start3A_76] : memref<3x!tpu.dma_semaphore, #tpu.memory_space<semaphore_mem>> -> memref<1x!tpu.dma_semaphore, #tpu.memory_space<semaphore_mem>>
    %dma_start3A_79 = tpu.memref_squeeze %dma_start3A_78 : memref<1x!tpu.dma_semaphore, #tpu.memory_space<semaphore_mem>> -> memref<!tpu.dma_semaphore, #tpu.memory_space<semaphore_mem>>
    %dma_start3A_80 = tpu.memref_slice %arg4[%add3A_70] : memref<425984xi32, #tpu.memory_space<hbm>> -> memref<1664xi32, #tpu.memory_space<hbm>>
    tpu.enqueue_dma source(%dma_start3A_80 : memref<1664xi32, #tpu.memory_space<hbm>>) target(%arg11 : memref<1664xi32, #tpu.memory_space<vmem>>) target_semaphore(%dma_start3A_79 : memref<!tpu.dma_semaphore, #tpu.memory_space<semaphore_mem>>)
    %dma_wait3A_81 = arith.constant 0 : i32
    %dma_wait3A_82 = arith.constant 0 : i32
    %dma_wait3A_83 = arith.constant 0 : i32
    %dma_wait3A_84 = tpu.memref_slice %arg5[%dma_wait3A_82, %dma_wait3A_83] : memref<524288x16xf32, #tpu.memory_space<hbm>> -> memref<524288x16xf32, #tpu.memory_space<hbm>>
    %dma_wait3A_85 = tpu.memref_slice %arg16[%dma_wait3A_81] : memref<2x!tpu.dma_semaphore, #tpu.memory_space<semaphore_mem>> -> memref<1x!tpu.dma_semaphore, #tpu.memory_space<semaphore_mem>>
    %dma_wait3A_86 = tpu.memref_squeeze %dma_wait3A_85 : memref<1x!tpu.dma_semaphore, #tpu.memory_space<semaphore_mem>> -> memref<!tpu.dma_semaphore, #tpu.memory_space<semaphore_mem>>
    tpu.wait_indirect_dma semaphore(%dma_wait3A_86 : memref<!tpu.dma_semaphore, #tpu.memory_space<semaphore_mem>>) src(%arg12 : memref<1664x16xf32, #tpu.memory_space<vmem>>) dst(%dma_wait3A_84 : memref<524288x16xf32, #tpu.memory_space<hbm>>)
    %dma_wait3A_87 = arith.constant 2 : i32
    %dma_wait3A_88 = tpu.memref_slice %arg3[%add3A_70] : memref<425984xi32, #tpu.memory_space<hbm>> -> memref<1664xi32, #tpu.memory_space<hbm>>
    %dma_wait3A_89 = tpu.memref_slice %arg14[%dma_wait3A_87] : memref<3x!tpu.dma_semaphore, #tpu.memory_space<semaphore_mem>> -> memref<1x!tpu.dma_semaphore, #tpu.memory_space<semaphore_mem>>
    %dma_wait3A_90 = tpu.memref_squeeze %dma_wait3A_89 : memref<1x!tpu.dma_semaphore, #tpu.memory_space<semaphore_mem>> -> memref<!tpu.dma_semaphore, #tpu.memory_space<semaphore_mem>>
    %dma_wait3A_91 = tpu.memref_slice %arg3[%add3A_70] : memref<425984xi32, #tpu.memory_space<hbm>> -> memref<1664xi32, #tpu.memory_space<hbm>>
    tpu.wait_dma2 semaphore(%dma_wait3A_90 : memref<!tpu.dma_semaphore, #tpu.memory_space<semaphore_mem>>) src(%dma_wait3A_91 : memref<1664xi32, #tpu.memory_space<hbm>>) dst(%arg8 : memref<1664xi32, #tpu.memory_space<vmem>>)
    %dma_wait3A_92 = arith.constant 2 : i32
    %dma_wait3A_93 = tpu.memref_slice %arg4[%add3A_70] : memref<425984xi32, #tpu.memory_space<hbm>> -> memref<1664xi32, #tpu.memory_space<hbm>>
    %dma_wait3A_94 = tpu.memref_slice %arg14[%dma_wait3A_92] : memref<3x!tpu.dma_semaphore, #tpu.memory_space<semaphore_mem>> -> memref<1x!tpu.dma_semaphore, #tpu.memory_space<semaphore_mem>>
    %dma_wait3A_95 = tpu.memref_squeeze %dma_wait3A_94 : memref<1x!tpu.dma_semaphore, #tpu.memory_space<semaphore_mem>> -> memref<!tpu.dma_semaphore, #tpu.memory_space<semaphore_mem>>
    %dma_wait3A_96 = tpu.memref_slice %arg4[%add3A_70] : memref<425984xi32, #tpu.memory_space<hbm>> -> memref<1664xi32, #tpu.memory_space<hbm>>
    tpu.wait_dma2 semaphore(%dma_wait3A_95 : memref<!tpu.dma_semaphore, #tpu.memory_space<semaphore_mem>>) src(%dma_wait3A_96 : memref<1664xi32, #tpu.memory_space<hbm>>) dst(%arg11 : memref<1664xi32, #tpu.memory_space<vmem>>)
    %dma_start3A_97 = arith.constant 0 : i32
    %dma_start3A_98 = arith.constant 0 : i32
    %dma_start3A_99 = arith.constant 0 : i32
    %dma_start3A_100 = tpu.memref_slice %arg2[%dma_start3A_98, %dma_start3A_99] : memref<1000064x16xf32, #tpu.memory_space<hbm>> -> memref<1000064x16xf32, #tpu.memory_space<hbm>>
    %dma_start3A_101 = tpu.memref_slice %arg15[%dma_start3A_97] : memref<2x!tpu.dma_semaphore, #tpu.memory_space<semaphore_mem>> -> memref<1x!tpu.dma_semaphore, #tpu.memory_space<semaphore_mem>>
    %dma_start3A_102 = tpu.memref_squeeze %dma_start3A_101 : memref<1x!tpu.dma_semaphore, #tpu.memory_space<semaphore_mem>> -> memref<!tpu.dma_semaphore, #tpu.memory_space<semaphore_mem>>
    tpu.enqueue_indirect_dma source(%dma_start3A_100 : memref<1000064x16xf32, #tpu.memory_space<hbm>>) target(%arg12 : memref<1664x16xf32, #tpu.memory_space<vmem>>) offsets(%arg8 : memref<1664xi32, #tpu.memory_space<vmem>>) semaphore(%dma_start3A_102 : memref<!tpu.dma_semaphore, #tpu.memory_space<semaphore_mem>>)
    %dma_wait3A_103 = arith.constant 1 : i32
    %dma_wait3A_104 = arith.constant 0 : i32
    %dma_wait3A_105 = arith.constant 0 : i32
    %dma_wait3A_106 = tpu.memref_slice %arg2[%dma_wait3A_104, %dma_wait3A_105] : memref<1000064x16xf32, #tpu.memory_space<hbm>> -> memref<1000064x16xf32, #tpu.memory_space<hbm>>
    %dma_wait3A_107 = tpu.memref_slice %arg15[%dma_wait3A_103] : memref<2x!tpu.dma_semaphore, #tpu.memory_space<semaphore_mem>> -> memref<1x!tpu.dma_semaphore, #tpu.memory_space<semaphore_mem>>
    %dma_wait3A_108 = tpu.memref_squeeze %dma_wait3A_107 : memref<1x!tpu.dma_semaphore, #tpu.memory_space<semaphore_mem>> -> memref<!tpu.dma_semaphore, #tpu.memory_space<semaphore_mem>>
    tpu.wait_indirect_dma semaphore(%dma_wait3A_108 : memref<!tpu.dma_semaphore, #tpu.memory_space<semaphore_mem>>) src(%dma_wait3A_106 : memref<1000064x16xf32, #tpu.memory_space<hbm>>) dst(%arg13 : memref<1664x16xf32, #tpu.memory_space<vmem>>)
    %dma_start3A_109 = arith.constant 1 : i32
    %dma_start3A_110 = arith.constant 0 : i32
    %dma_start3A_111 = arith.constant 0 : i32
    %dma_start3A_112 = tpu.memref_slice %arg5[%dma_start3A_110, %dma_start3A_111] : memref<524288x16xf32, #tpu.memory_space<hbm>> -> memref<524288x16xf32, #tpu.memory_space<hbm>>
    %dma_start3A_113 = tpu.memref_slice %arg16[%dma_start3A_109] : memref<2x!tpu.dma_semaphore, #tpu.memory_space<semaphore_mem>> -> memref<1x!tpu.dma_semaphore, #tpu.memory_space<semaphore_mem>>
    %dma_start3A_114 = tpu.memref_squeeze %dma_start3A_113 : memref<1x!tpu.dma_semaphore, #tpu.memory_space<semaphore_mem>> -> memref<!tpu.dma_semaphore, #tpu.memory_space<semaphore_mem>>
    tpu.enqueue_indirect_dma source(%arg13 : memref<1664x16xf32, #tpu.memory_space<vmem>>) target(%dma_start3A_112 : memref<524288x16xf32, #tpu.memory_space<hbm>>) offsets(%arg10 : memref<1664xi32, #tpu.memory_space<vmem>>) semaphore(%dma_start3A_114 : memref<!tpu.dma_semaphore, #tpu.memory_space<semaphore_mem>>)
    %add3A_115 = arith.constant 4992 : i32
    %add3A_116 = arith.addi %mul3A_2, %add3A_115 : i32
    %dma_start3A_117 = arith.constant 0 : i32
    %dma_start3A_118 = tpu.memref_slice %arg3[%add3A_116] : memref<425984xi32, #tpu.memory_space<hbm>> -> memref<1664xi32, #tpu.memory_space<hbm>>
    %dma_start3A_119 = tpu.memref_slice %arg14[%dma_start3A_117] : memref<3x!tpu.dma_semaphore, #tpu.memory_space<semaphore_mem>> -> memref<1x!tpu.dma_semaphore, #tpu.memory_space<semaphore_mem>>
    %dma_start3A_120 = tpu.memref_squeeze %dma_start3A_119 : memref<1x!tpu.dma_semaphore, #tpu.memory_space<semaphore_mem>> -> memref<!tpu.dma_semaphore, #tpu.memory_space<semaphore_mem>>
    %dma_start3A_121 = tpu.memref_slice %arg3[%add3A_116] : memref<425984xi32, #tpu.memory_space<hbm>> -> memref<1664xi32, #tpu.memory_space<hbm>>
    tpu.enqueue_dma source(%dma_start3A_121 : memref<1664xi32, #tpu.memory_space<hbm>>) target(%arg6 : memref<1664xi32, #tpu.memory_space<vmem>>) target_semaphore(%dma_start3A_120 : memref<!tpu.dma_semaphore, #tpu.memory_space<semaphore_mem>>)
    %dma_start3A_122 = arith.constant 0 : i32
    %dma_start3A_123 = tpu.memref_slice %arg4[%add3A_116] : memref<425984xi32, #tpu.memory_space<hbm>> -> memref<1664xi32, #tpu.memory_space<hbm>>
    %dma_start3A_124 = tpu.memref_slice %arg14[%dma_start3A_122] : memref<3x!tpu.dma_semaphore, #tpu.memory_space<semaphore_mem>> -> memref<1x!tpu.dma_semaphore, #tpu.memory_space<semaphore_mem>>
    %dma_start3A_125 = tpu.memref_squeeze %dma_start3A_124 : memref<1x!tpu.dma_semaphore, #tpu.memory_space<semaphore_mem>> -> memref<!tpu.dma_semaphore, #tpu.memory_space<semaphore_mem>>
    %dma_start3A_126 = tpu.memref_slice %arg4[%add3A_116] : memref<425984xi32, #tpu.memory_space<hbm>> -> memref<1664xi32, #tpu.memory_space<hbm>>
    tpu.enqueue_dma source(%dma_start3A_126 : memref<1664xi32, #tpu.memory_space<hbm>>) target(%arg9 : memref<1664xi32, #tpu.memory_space<vmem>>) target_semaphore(%dma_start3A_125 : memref<!tpu.dma_semaphore, #tpu.memory_space<semaphore_mem>>)
    %dma_wait3A_127 = arith.constant 1 : i32
    %dma_wait3A_128 = arith.constant 0 : i32
    %dma_wait3A_129 = arith.constant 0 : i32
    %dma_wait3A_130 = tpu.memref_slice %arg5[%dma_wait3A_128, %dma_wait3A_129] : memref<524288x16xf32, #tpu.memory_space<hbm>> -> memref<524288x16xf32, #tpu.memory_space<hbm>>
    %dma_wait3A_131 = tpu.memref_slice %arg16[%dma_wait3A_127] : memref<2x!tpu.dma_semaphore, #tpu.memory_space<semaphore_mem>> -> memref<1x!tpu.dma_semaphore, #tpu.memory_space<semaphore_mem>>
    %dma_wait3A_132 = tpu.memref_squeeze %dma_wait3A_131 : memref<1x!tpu.dma_semaphore, #tpu.memory_space<semaphore_mem>> -> memref<!tpu.dma_semaphore, #tpu.memory_space<semaphore_mem>>
    tpu.wait_indirect_dma semaphore(%dma_wait3A_132 : memref<!tpu.dma_semaphore, #tpu.memory_space<semaphore_mem>>) src(%arg13 : memref<1664x16xf32, #tpu.memory_space<vmem>>) dst(%dma_wait3A_130 : memref<524288x16xf32, #tpu.memory_space<hbm>>)
    %dma_wait3A_133 = arith.constant 0 : i32
    %dma_wait3A_134 = tpu.memref_slice %arg3[%add3A_116] : memref<425984xi32, #tpu.memory_space<hbm>> -> memref<1664xi32, #tpu.memory_space<hbm>>
    %dma_wait3A_135 = tpu.memref_slice %arg14[%dma_wait3A_133] : memref<3x!tpu.dma_semaphore, #tpu.memory_space<semaphore_mem>> -> memref<1x!tpu.dma_semaphore, #tpu.memory_space<semaphore_mem>>
    %dma_wait3A_136 = tpu.memref_squeeze %dma_wait3A_135 : memref<1x!tpu.dma_semaphore, #tpu.memory_space<semaphore_mem>> -> memref<!tpu.dma_semaphore, #tpu.memory_space<semaphore_mem>>
    %dma_wait3A_137 = tpu.memref_slice %arg3[%add3A_116] : memref<425984xi32, #tpu.memory_space<hbm>> -> memref<1664xi32, #tpu.memory_space<hbm>>
    tpu.wait_dma2 semaphore(%dma_wait3A_136 : memref<!tpu.dma_semaphore, #tpu.memory_space<semaphore_mem>>) src(%dma_wait3A_137 : memref<1664xi32, #tpu.memory_space<hbm>>) dst(%arg6 : memref<1664xi32, #tpu.memory_space<vmem>>)
    %dma_wait3A_138 = arith.constant 0 : i32
    %dma_wait3A_139 = tpu.memref_slice %arg4[%add3A_116] : memref<425984xi32, #tpu.memory_space<hbm>> -> memref<1664xi32, #tpu.memory_space<hbm>>
    %dma_wait3A_140 = tpu.memref_slice %arg14[%dma_wait3A_138] : memref<3x!tpu.dma_semaphore, #tpu.memory_space<semaphore_mem>> -> memref<1x!tpu.dma_semaphore, #tpu.memory_space<semaphore_mem>>
    %dma_wait3A_141 = tpu.memref_squeeze %dma_wait3A_140 : memref<1x!tpu.dma_semaphore, #tpu.memory_space<semaphore_mem>> -> memref<!tpu.dma_semaphore, #tpu.memory_space<semaphore_mem>>
    %dma_wait3A_142 = tpu.memref_slice %arg4[%add3A_116] : memref<425984xi32, #tpu.memory_space<hbm>> -> memref<1664xi32, #tpu.memory_space<hbm>>
    tpu.wait_dma2 semaphore(%dma_wait3A_141 : memref<!tpu.dma_semaphore, #tpu.memory_space<semaphore_mem>>) src(%dma_wait3A_142 : memref<1664xi32, #tpu.memory_space<hbm>>) dst(%arg9 : memref<1664xi32, #tpu.memory_space<vmem>>)
    %dma_start3A_143 = arith.constant 1 : i32
    %dma_start3A_144 = arith.constant 0 : i32
    %dma_start3A_145 = arith.constant 0 : i32
    %dma_start3A_146 = tpu.memref_slice %arg2[%dma_start3A_144, %dma_start3A_145] : memref<1000064x16xf32, #tpu.memory_space<hbm>> -> memref<1000064x16xf32, #tpu.memory_space<hbm>>
    %dma_start3A_147 = tpu.memref_slice %arg15[%dma_start3A_143] : memref<2x!tpu.dma_semaphore, #tpu.memory_space<semaphore_mem>> -> memref<1x!tpu.dma_semaphore, #tpu.memory_space<semaphore_mem>>
    %dma_start3A_148 = tpu.memref_squeeze %dma_start3A_147 : memref<1x!tpu.dma_semaphore, #tpu.memory_space<semaphore_mem>> -> memref<!tpu.dma_semaphore, #tpu.memory_space<semaphore_mem>>
    tpu.enqueue_indirect_dma source(%dma_start3A_146 : memref<1000064x16xf32, #tpu.memory_space<hbm>>) target(%arg13 : memref<1664x16xf32, #tpu.memory_space<vmem>>) offsets(%arg6 : memref<1664xi32, #tpu.memory_space<vmem>>) semaphore(%dma_start3A_148 : memref<!tpu.dma_semaphore, #tpu.memory_space<semaphore_mem>>)
    %dma_wait3A_149 = arith.constant 0 : i32
    %dma_wait3A_150 = arith.constant 0 : i32
    %dma_wait3A_151 = arith.constant 0 : i32
    %dma_wait3A_152 = tpu.memref_slice %arg2[%dma_wait3A_150, %dma_wait3A_151] : memref<1000064x16xf32, #tpu.memory_space<hbm>> -> memref<1000064x16xf32, #tpu.memory_space<hbm>>
    %dma_wait3A_153 = tpu.memref_slice %arg15[%dma_wait3A_149] : memref<2x!tpu.dma_semaphore, #tpu.memory_space<semaphore_mem>> -> memref<1x!tpu.dma_semaphore, #tpu.memory_space<semaphore_mem>>
    %dma_wait3A_154 = tpu.memref_squeeze %dma_wait3A_153 : memref<1x!tpu.dma_semaphore, #tpu.memory_space<semaphore_mem>> -> memref<!tpu.dma_semaphore, #tpu.memory_space<semaphore_mem>>
    tpu.wait_indirect_dma semaphore(%dma_wait3A_154 : memref<!tpu.dma_semaphore, #tpu.memory_space<semaphore_mem>>) src(%dma_wait3A_152 : memref<1000064x16xf32, #tpu.memory_space<hbm>>) dst(%arg12 : memref<1664x16xf32, #tpu.memory_space<vmem>>)
    %dma_start3A_155 = arith.constant 0 : i32
    %dma_start3A_156 = arith.constant 0 : i32
    %dma_start3A_157 = arith.constant 0 : i32
    %dma_start3A_158 = tpu.memref_slice %arg5[%dma_start3A_156, %dma_start3A_157] : memref<524288x16xf32, #tpu.memory_space<hbm>> -> memref<524288x16xf32, #tpu.memory_space<hbm>>
    %dma_start3A_159 = tpu.memref_slice %arg16[%dma_start3A_155] : memref<2x!tpu.dma_semaphore, #tpu.memory_space<semaphore_mem>> -> memref<1x!tpu.dma_semaphore, #tpu.memory_space<semaphore_mem>>
    %dma_start3A_160 = tpu.memref_squeeze %dma_start3A_159 : memref<1x!tpu.dma_semaphore, #tpu.memory_space<semaphore_mem>> -> memref<!tpu.dma_semaphore, #tpu.memory_space<semaphore_mem>>
    tpu.enqueue_indirect_dma source(%arg12 : memref<1664x16xf32, #tpu.memory_space<vmem>>) target(%dma_start3A_158 : memref<524288x16xf32, #tpu.memory_space<hbm>>) offsets(%arg11 : memref<1664xi32, #tpu.memory_space<vmem>>) semaphore(%dma_start3A_160 : memref<!tpu.dma_semaphore, #tpu.memory_space<semaphore_mem>>)
    %add3A_161 = arith.constant 6656 : i32
    %add3A_162 = arith.addi %mul3A_2, %add3A_161 : i32
    %dma_start3A_163 = arith.constant 1 : i32
    %dma_start3A_164 = tpu.memref_slice %arg3[%add3A_162] : memref<425984xi32, #tpu.memory_space<hbm>> -> memref<1664xi32, #tpu.memory_space<hbm>>
    %dma_start3A_165 = tpu.memref_slice %arg14[%dma_start3A_163] : memref<3x!tpu.dma_semaphore, #tpu.memory_space<semaphore_mem>> -> memref<1x!tpu.dma_semaphore, #tpu.memory_space<semaphore_mem>>
    %dma_start3A_166 = tpu.memref_squeeze %dma_start3A_165 : memref<1x!tpu.dma_semaphore, #tpu.memory_space<semaphore_mem>> -> memref<!tpu.dma_semaphore, #tpu.memory_space<semaphore_mem>>
    %dma_start3A_167 = tpu.memref_slice %arg3[%add3A_162] : memref<425984xi32, #tpu.memory_space<hbm>> -> memref<1664xi32, #tpu.memory_space<hbm>>
    tpu.enqueue_dma source(%dma_start3A_167 : memref<1664xi32, #tpu.memory_space<hbm>>) target(%arg7 : memref<1664xi32, #tpu.memory_space<vmem>>) target_semaphore(%dma_start3A_166 : memref<!tpu.dma_semaphore, #tpu.memory_space<semaphore_mem>>)
    %dma_start3A_168 = arith.constant 1 : i32
    %dma_start3A_169 = tpu.memref_slice %arg4[%add3A_162] : memref<425984xi32, #tpu.memory_space<hbm>> -> memref<1664xi32, #tpu.memory_space<hbm>>
    %dma_start3A_170 = tpu.memref_slice %arg14[%dma_start3A_168] : memref<3x!tpu.dma_semaphore, #tpu.memory_space<semaphore_mem>> -> memref<1x!tpu.dma_semaphore, #tpu.memory_space<semaphore_mem>>
    %dma_start3A_171 = tpu.memref_squeeze %dma_start3A_170 : memref<1x!tpu.dma_semaphore, #tpu.memory_space<semaphore_mem>> -> memref<!tpu.dma_semaphore, #tpu.memory_space<semaphore_mem>>
    %dma_start3A_172 = tpu.memref_slice %arg4[%add3A_162] : memref<425984xi32, #tpu.memory_space<hbm>> -> memref<1664xi32, #tpu.memory_space<hbm>>
    tpu.enqueue_dma source(%dma_start3A_172 : memref<1664xi32, #tpu.memory_space<hbm>>) target(%arg10 : memref<1664xi32, #tpu.memory_space<vmem>>) target_semaphore(%dma_start3A_171 : memref<!tpu.dma_semaphore, #tpu.memory_space<semaphore_mem>>)
    %dma_wait3A_173 = arith.constant 0 : i32
    %dma_wait3A_174 = arith.constant 0 : i32
    %dma_wait3A_175 = arith.constant 0 : i32
    %dma_wait3A_176 = tpu.memref_slice %arg5[%dma_wait3A_174, %dma_wait3A_175] : memref<524288x16xf32, #tpu.memory_space<hbm>> -> memref<524288x16xf32, #tpu.memory_space<hbm>>
    %dma_wait3A_177 = tpu.memref_slice %arg16[%dma_wait3A_173] : memref<2x!tpu.dma_semaphore, #tpu.memory_space<semaphore_mem>> -> memref<1x!tpu.dma_semaphore, #tpu.memory_space<semaphore_mem>>
    %dma_wait3A_178 = tpu.memref_squeeze %dma_wait3A_177 : memref<1x!tpu.dma_semaphore, #tpu.memory_space<semaphore_mem>> -> memref<!tpu.dma_semaphore, #tpu.memory_space<semaphore_mem>>
    tpu.wait_indirect_dma semaphore(%dma_wait3A_178 : memref<!tpu.dma_semaphore, #tpu.memory_space<semaphore_mem>>) src(%arg12 : memref<1664x16xf32, #tpu.memory_space<vmem>>) dst(%dma_wait3A_176 : memref<524288x16xf32, #tpu.memory_space<hbm>>)
    %dma_wait3A_179 = arith.constant 1 : i32
    %dma_wait3A_180 = tpu.memref_slice %arg3[%add3A_162] : memref<425984xi32, #tpu.memory_space<hbm>> -> memref<1664xi32, #tpu.memory_space<hbm>>
    %dma_wait3A_181 = tpu.memref_slice %arg14[%dma_wait3A_179] : memref<3x!tpu.dma_semaphore, #tpu.memory_space<semaphore_mem>> -> memref<1x!tpu.dma_semaphore, #tpu.memory_space<semaphore_mem>>
    %dma_wait3A_182 = tpu.memref_squeeze %dma_wait3A_181 : memref<1x!tpu.dma_semaphore, #tpu.memory_space<semaphore_mem>> -> memref<!tpu.dma_semaphore, #tpu.memory_space<semaphore_mem>>
    %dma_wait3A_183 = tpu.memref_slice %arg3[%add3A_162] : memref<425984xi32, #tpu.memory_space<hbm>> -> memref<1664xi32, #tpu.memory_space<hbm>>
    tpu.wait_dma2 semaphore(%dma_wait3A_182 : memref<!tpu.dma_semaphore, #tpu.memory_space<semaphore_mem>>) src(%dma_wait3A_183 : memref<1664xi32, #tpu.memory_space<hbm>>) dst(%arg7 : memref<1664xi32, #tpu.memory_space<vmem>>)
    %dma_wait3A_184 = arith.constant 1 : i32
    %dma_wait3A_185 = tpu.memref_slice %arg4[%add3A_162] : memref<425984xi32, #tpu.memory_space<hbm>> -> memref<1664xi32, #tpu.memory_space<hbm>>
    %dma_wait3A_186 = tpu.memref_slice %arg14[%dma_wait3A_184] : memref<3x!tpu.dma_semaphore, #tpu.memory_space<semaphore_mem>> -> memref<1x!tpu.dma_semaphore, #tpu.memory_space<semaphore_mem>>
    %dma_wait3A_187 = tpu.memref_squeeze %dma_wait3A_186 : memref<1x!tpu.dma_semaphore, #tpu.memory_space<semaphore_mem>> -> memref<!tpu.dma_semaphore, #tpu.memory_space<semaphore_mem>>
    %dma_wait3A_188 = tpu.memref_slice %arg4[%add3A_162] : memref<425984xi32, #tpu.memory_space<hbm>> -> memref<1664xi32, #tpu.memory_space<hbm>>
    tpu.wait_dma2 semaphore(%dma_wait3A_187 : memref<!tpu.dma_semaphore, #tpu.memory_space<semaphore_mem>>) src(%dma_wait3A_188 : memref<1664xi32, #tpu.memory_space<hbm>>) dst(%arg10 : memref<1664xi32, #tpu.memory_space<vmem>>)
    %dma_start3A_189 = arith.constant 0 : i32
    %dma_start3A_190 = arith.constant 0 : i32
    %dma_start3A_191 = arith.constant 0 : i32
    %dma_start3A_192 = tpu.memref_slice %arg2[%dma_start3A_190, %dma_start3A_191] : memref<1000064x16xf32, #tpu.memory_space<hbm>> -> memref<1000064x16xf32, #tpu.memory_space<hbm>>
    %dma_start3A_193 = tpu.memref_slice %arg15[%dma_start3A_189] : memref<2x!tpu.dma_semaphore, #tpu.memory_space<semaphore_mem>> -> memref<1x!tpu.dma_semaphore, #tpu.memory_space<semaphore_mem>>
    %dma_start3A_194 = tpu.memref_squeeze %dma_start3A_193 : memref<1x!tpu.dma_semaphore, #tpu.memory_space<semaphore_mem>> -> memref<!tpu.dma_semaphore, #tpu.memory_space<semaphore_mem>>
    tpu.enqueue_indirect_dma source(%dma_start3A_192 : memref<1000064x16xf32, #tpu.memory_space<hbm>>) target(%arg12 : memref<1664x16xf32, #tpu.memory_space<vmem>>) offsets(%arg7 : memref<1664xi32, #tpu.memory_space<vmem>>) semaphore(%dma_start3A_194 : memref<!tpu.dma_semaphore, #tpu.memory_space<semaphore_mem>>)
    %dma_wait3A_195 = arith.constant 1 : i32
    %dma_wait3A_196 = arith.constant 0 : i32
    %dma_wait3A_197 = arith.constant 0 : i32
    %dma_wait3A_198 = tpu.memref_slice %arg2[%dma_wait3A_196, %dma_wait3A_197] : memref<1000064x16xf32, #tpu.memory_space<hbm>> -> memref<1000064x16xf32, #tpu.memory_space<hbm>>
    %dma_wait3A_199 = tpu.memref_slice %arg15[%dma_wait3A_195] : memref<2x!tpu.dma_semaphore, #tpu.memory_space<semaphore_mem>> -> memref<1x!tpu.dma_semaphore, #tpu.memory_space<semaphore_mem>>
    %dma_wait3A_200 = tpu.memref_squeeze %dma_wait3A_199 : memref<1x!tpu.dma_semaphore, #tpu.memory_space<semaphore_mem>> -> memref<!tpu.dma_semaphore, #tpu.memory_space<semaphore_mem>>
    tpu.wait_indirect_dma semaphore(%dma_wait3A_200 : memref<!tpu.dma_semaphore, #tpu.memory_space<semaphore_mem>>) src(%dma_wait3A_198 : memref<1000064x16xf32, #tpu.memory_space<hbm>>) dst(%arg13 : memref<1664x16xf32, #tpu.memory_space<vmem>>)
    %dma_start3A_201 = arith.constant 1 : i32
    %dma_start3A_202 = arith.constant 0 : i32
    %dma_start3A_203 = arith.constant 0 : i32
    %dma_start3A_204 = tpu.memref_slice %arg5[%dma_start3A_202, %dma_start3A_203] : memref<524288x16xf32, #tpu.memory_space<hbm>> -> memref<524288x16xf32, #tpu.memory_space<hbm>>
    %dma_start3A_205 = tpu.memref_slice %arg16[%dma_start3A_201] : memref<2x!tpu.dma_semaphore, #tpu.memory_space<semaphore_mem>> -> memref<1x!tpu.dma_semaphore, #tpu.memory_space<semaphore_mem>>
    %dma_start3A_206 = tpu.memref_squeeze %dma_start3A_205 : memref<1x!tpu.dma_semaphore, #tpu.memory_space<semaphore_mem>> -> memref<!tpu.dma_semaphore, #tpu.memory_space<semaphore_mem>>
    tpu.enqueue_indirect_dma source(%arg13 : memref<1664x16xf32, #tpu.memory_space<vmem>>) target(%dma_start3A_204 : memref<524288x16xf32, #tpu.memory_space<hbm>>) offsets(%arg9 : memref<1664xi32, #tpu.memory_space<vmem>>) semaphore(%dma_start3A_206 : memref<!tpu.dma_semaphore, #tpu.memory_space<semaphore_mem>>)
    %add3A_207 = arith.constant 8320 : i32
    %add3A_208 = arith.addi %mul3A_2, %add3A_207 : i32
    %dma_start3A_209 = arith.constant 2 : i32
    %dma_start3A_210 = tpu.memref_slice %arg3[%add3A_208] : memref<425984xi32, #tpu.memory_space<hbm>> -> memref<1664xi32, #tpu.memory_space<hbm>>
    %dma_start3A_211 = tpu.memref_slice %arg14[%dma_start3A_209] : memref<3x!tpu.dma_semaphore, #tpu.memory_space<semaphore_mem>> -> memref<1x!tpu.dma_semaphore, #tpu.memory_space<semaphore_mem>>
    %dma_start3A_212 = tpu.memref_squeeze %dma_start3A_211 : memref<1x!tpu.dma_semaphore, #tpu.memory_space<semaphore_mem>> -> memref<!tpu.dma_semaphore, #tpu.memory_space<semaphore_mem>>
    %dma_start3A_213 = tpu.memref_slice %arg3[%add3A_208] : memref<425984xi32, #tpu.memory_space<hbm>> -> memref<1664xi32, #tpu.memory_space<hbm>>
    tpu.enqueue_dma source(%dma_start3A_213 : memref<1664xi32, #tpu.memory_space<hbm>>) target(%arg8 : memref<1664xi32, #tpu.memory_space<vmem>>) target_semaphore(%dma_start3A_212 : memref<!tpu.dma_semaphore, #tpu.memory_space<semaphore_mem>>)
    %dma_start3A_214 = arith.constant 2 : i32
    %dma_start3A_215 = tpu.memref_slice %arg4[%add3A_208] : memref<425984xi32, #tpu.memory_space<hbm>> -> memref<1664xi32, #tpu.memory_space<hbm>>
    %dma_start3A_216 = tpu.memref_slice %arg14[%dma_start3A_214] : memref<3x!tpu.dma_semaphore, #tpu.memory_space<semaphore_mem>> -> memref<1x!tpu.dma_semaphore, #tpu.memory_space<semaphore_mem>>
    %dma_start3A_217 = tpu.memref_squeeze %dma_start3A_216 : memref<1x!tpu.dma_semaphore, #tpu.memory_space<semaphore_mem>> -> memref<!tpu.dma_semaphore, #tpu.memory_space<semaphore_mem>>
    %dma_start3A_218 = tpu.memref_slice %arg4[%add3A_208] : memref<425984xi32, #tpu.memory_space<hbm>> -> memref<1664xi32, #tpu.memory_space<hbm>>
    tpu.enqueue_dma source(%dma_start3A_218 : memref<1664xi32, #tpu.memory_space<hbm>>) target(%arg11 : memref<1664xi32, #tpu.memory_space<vmem>>) target_semaphore(%dma_start3A_217 : memref<!tpu.dma_semaphore, #tpu.memory_space<semaphore_mem>>)
    %dma_wait3A_219 = arith.constant 1 : i32
    %dma_wait3A_220 = arith.constant 0 : i32
    %dma_wait3A_221 = arith.constant 0 : i32
    %dma_wait3A_222 = tpu.memref_slice %arg5[%dma_wait3A_220, %dma_wait3A_221] : memref<524288x16xf32, #tpu.memory_space<hbm>> -> memref<524288x16xf32, #tpu.memory_space<hbm>>
    %dma_wait3A_223 = tpu.memref_slice %arg16[%dma_wait3A_219] : memref<2x!tpu.dma_semaphore, #tpu.memory_space<semaphore_mem>> -> memref<1x!tpu.dma_semaphore, #tpu.memory_space<semaphore_mem>>
    %dma_wait3A_224 = tpu.memref_squeeze %dma_wait3A_223 : memref<1x!tpu.dma_semaphore, #tpu.memory_space<semaphore_mem>> -> memref<!tpu.dma_semaphore, #tpu.memory_space<semaphore_mem>>
    tpu.wait_indirect_dma semaphore(%dma_wait3A_224 : memref<!tpu.dma_semaphore, #tpu.memory_space<semaphore_mem>>) src(%arg13 : memref<1664x16xf32, #tpu.memory_space<vmem>>) dst(%dma_wait3A_222 : memref<524288x16xf32, #tpu.memory_space<hbm>>)
    %dma_wait3A_225 = arith.constant 2 : i32
    %dma_wait3A_226 = tpu.memref_slice %arg3[%add3A_208] : memref<425984xi32, #tpu.memory_space<hbm>> -> memref<1664xi32, #tpu.memory_space<hbm>>
    %dma_wait3A_227 = tpu.memref_slice %arg14[%dma_wait3A_225] : memref<3x!tpu.dma_semaphore, #tpu.memory_space<semaphore_mem>> -> memref<1x!tpu.dma_semaphore, #tpu.memory_space<semaphore_mem>>
    %dma_wait3A_228 = tpu.memref_squeeze %dma_wait3A_227 : memref<1x!tpu.dma_semaphore, #tpu.memory_space<semaphore_mem>> -> memref<!tpu.dma_semaphore, #tpu.memory_space<semaphore_mem>>
    %dma_wait3A_229 = tpu.memref_slice %arg3[%add3A_208] : memref<425984xi32, #tpu.memory_space<hbm>> -> memref<1664xi32, #tpu.memory_space<hbm>>
    tpu.wait_dma2 semaphore(%dma_wait3A_228 : memref<!tpu.dma_semaphore, #tpu.memory_space<semaphore_mem>>) src(%dma_wait3A_229 : memref<1664xi32, #tpu.memory_space<hbm>>) dst(%arg8 : memref<1664xi32, #tpu.memory_space<vmem>>)
    %dma_wait3A_230 = arith.constant 2 : i32
    %dma_wait3A_231 = tpu.memref_slice %arg4[%add3A_208] : memref<425984xi32, #tpu.memory_space<hbm>> -> memref<1664xi32, #tpu.memory_space<hbm>>
    %dma_wait3A_232 = tpu.memref_slice %arg14[%dma_wait3A_230] : memref<3x!tpu.dma_semaphore, #tpu.memory_space<semaphore_mem>> -> memref<1x!tpu.dma_semaphore, #tpu.memory_space<semaphore_mem>>
    %dma_wait3A_233 = tpu.memref_squeeze %dma_wait3A_232 : memref<1x!tpu.dma_semaphore, #tpu.memory_space<semaphore_mem>> -> memref<!tpu.dma_semaphore, #tpu.memory_space<semaphore_mem>>
    %dma_wait3A_234 = tpu.memref_slice %arg4[%add3A_208] : memref<425984xi32, #tpu.memory_space<hbm>> -> memref<1664xi32, #tpu.memory_space<hbm>>
    tpu.wait_dma2 semaphore(%dma_wait3A_233 : memref<!tpu.dma_semaphore, #tpu.memory_space<semaphore_mem>>) src(%dma_wait3A_234 : memref<1664xi32, #tpu.memory_space<hbm>>) dst(%arg11 : memref<1664xi32, #tpu.memory_space<vmem>>)
    %dma_start3A_235 = arith.constant 1 : i32
    %dma_start3A_236 = arith.constant 0 : i32
    %dma_start3A_237 = arith.constant 0 : i32
    %dma_start3A_238 = tpu.memref_slice %arg2[%dma_start3A_236, %dma_start3A_237] : memref<1000064x16xf32, #tpu.memory_space<hbm>> -> memref<1000064x16xf32, #tpu.memory_space<hbm>>
    %dma_start3A_239 = tpu.memref_slice %arg15[%dma_start3A_235] : memref<2x!tpu.dma_semaphore, #tpu.memory_space<semaphore_mem>> -> memref<1x!tpu.dma_semaphore, #tpu.memory_space<semaphore_mem>>
    %dma_start3A_240 = tpu.memref_squeeze %dma_start3A_239 : memref<1x!tpu.dma_semaphore, #tpu.memory_space<semaphore_mem>> -> memref<!tpu.dma_semaphore, #tpu.memory_space<semaphore_mem>>
    tpu.enqueue_indirect_dma source(%dma_start3A_238 : memref<1000064x16xf32, #tpu.memory_space<hbm>>) target(%arg13 : memref<1664x16xf32, #tpu.memory_space<vmem>>) offsets(%arg8 : memref<1664xi32, #tpu.memory_space<vmem>>) semaphore(%dma_start3A_240 : memref<!tpu.dma_semaphore, #tpu.memory_space<semaphore_mem>>)
    %dma_wait3A_241 = arith.constant 0 : i32
    %dma_wait3A_242 = arith.constant 0 : i32
    %dma_wait3A_243 = arith.constant 0 : i32
    %dma_wait3A_244 = tpu.memref_slice %arg2[%dma_wait3A_242, %dma_wait3A_243] : memref<1000064x16xf32, #tpu.memory_space<hbm>> -> memref<1000064x16xf32, #tpu.memory_space<hbm>>
    %dma_wait3A_245 = tpu.memref_slice %arg15[%dma_wait3A_241] : memref<2x!tpu.dma_semaphore, #tpu.memory_space<semaphore_mem>> -> memref<1x!tpu.dma_semaphore, #tpu.memory_space<semaphore_mem>>
    %dma_wait3A_246 = tpu.memref_squeeze %dma_wait3A_245 : memref<1x!tpu.dma_semaphore, #tpu.memory_space<semaphore_mem>> -> memref<!tpu.dma_semaphore, #tpu.memory_space<semaphore_mem>>
    tpu.wait_indirect_dma semaphore(%dma_wait3A_246 : memref<!tpu.dma_semaphore, #tpu.memory_space<semaphore_mem>>) src(%dma_wait3A_244 : memref<1000064x16xf32, #tpu.memory_space<hbm>>) dst(%arg12 : memref<1664x16xf32, #tpu.memory_space<vmem>>)
    %dma_start3A_247 = arith.constant 0 : i32
    %dma_start3A_248 = arith.constant 0 : i32
    %dma_start3A_249 = arith.constant 0 : i32
    %dma_start3A_250 = tpu.memref_slice %arg5[%dma_start3A_248, %dma_start3A_249] : memref<524288x16xf32, #tpu.memory_space<hbm>> -> memref<524288x16xf32, #tpu.memory_space<hbm>>
    %dma_start3A_251 = tpu.memref_slice %arg16[%dma_start3A_247] : memref<2x!tpu.dma_semaphore, #tpu.memory_space<semaphore_mem>> -> memref<1x!tpu.dma_semaphore, #tpu.memory_space<semaphore_mem>>
    %dma_start3A_252 = tpu.memref_squeeze %dma_start3A_251 : memref<1x!tpu.dma_semaphore, #tpu.memory_space<semaphore_mem>> -> memref<!tpu.dma_semaphore, #tpu.memory_space<semaphore_mem>>
    tpu.enqueue_indirect_dma source(%arg12 : memref<1664x16xf32, #tpu.memory_space<vmem>>) target(%dma_start3A_250 : memref<524288x16xf32, #tpu.memory_space<hbm>>) offsets(%arg10 : memref<1664xi32, #tpu.memory_space<vmem>>) semaphore(%dma_start3A_252 : memref<!tpu.dma_semaphore, #tpu.memory_space<semaphore_mem>>)
    %add3A_253 = arith.constant 9984 : i32
    %add3A_254 = arith.addi %mul3A_2, %add3A_253 : i32
    %dma_start3A_255 = arith.constant 0 : i32
    %dma_start3A_256 = tpu.memref_slice %arg3[%add3A_254] : memref<425984xi32, #tpu.memory_space<hbm>> -> memref<1664xi32, #tpu.memory_space<hbm>>
    %dma_start3A_257 = tpu.memref_slice %arg14[%dma_start3A_255] : memref<3x!tpu.dma_semaphore, #tpu.memory_space<semaphore_mem>> -> memref<1x!tpu.dma_semaphore, #tpu.memory_space<semaphore_mem>>
    %dma_start3A_258 = tpu.memref_squeeze %dma_start3A_257 : memref<1x!tpu.dma_semaphore, #tpu.memory_space<semaphore_mem>> -> memref<!tpu.dma_semaphore, #tpu.memory_space<semaphore_mem>>
    %dma_start3A_259 = tpu.memref_slice %arg3[%add3A_254] : memref<425984xi32, #tpu.memory_space<hbm>> -> memref<1664xi32, #tpu.memory_space<hbm>>
    tpu.enqueue_dma source(%dma_start3A_259 : memref<1664xi32, #tpu.memory_space<hbm>>) target(%arg6 : memref<1664xi32, #tpu.memory_space<vmem>>) target_semaphore(%dma_start3A_258 : memref<!tpu.dma_semaphore, #tpu.memory_space<semaphore_mem>>)
    %dma_start3A_260 = arith.constant 0 : i32
    %dma_start3A_261 = tpu.memref_slice %arg4[%add3A_254] : memref<425984xi32, #tpu.memory_space<hbm>> -> memref<1664xi32, #tpu.memory_space<hbm>>
    %dma_start3A_262 = tpu.memref_slice %arg14[%dma_start3A_260] : memref<3x!tpu.dma_semaphore, #tpu.memory_space<semaphore_mem>> -> memref<1x!tpu.dma_semaphore, #tpu.memory_space<semaphore_mem>>
    %dma_start3A_263 = tpu.memref_squeeze %dma_start3A_262 : memref<1x!tpu.dma_semaphore, #tpu.memory_space<semaphore_mem>> -> memref<!tpu.dma_semaphore, #tpu.memory_space<semaphore_mem>>
    %dma_start3A_264 = tpu.memref_slice %arg4[%add3A_254] : memref<425984xi32, #tpu.memory_space<hbm>> -> memref<1664xi32, #tpu.memory_space<hbm>>
    tpu.enqueue_dma source(%dma_start3A_264 : memref<1664xi32, #tpu.memory_space<hbm>>) target(%arg9 : memref<1664xi32, #tpu.memory_space<vmem>>) target_semaphore(%dma_start3A_263 : memref<!tpu.dma_semaphore, #tpu.memory_space<semaphore_mem>>)
    %dma_wait3A_265 = arith.constant 0 : i32
    %dma_wait3A_266 = arith.constant 0 : i32
    %dma_wait3A_267 = arith.constant 0 : i32
    %dma_wait3A_268 = tpu.memref_slice %arg5[%dma_wait3A_266, %dma_wait3A_267] : memref<524288x16xf32, #tpu.memory_space<hbm>> -> memref<524288x16xf32, #tpu.memory_space<hbm>>
    %dma_wait3A_269 = tpu.memref_slice %arg16[%dma_wait3A_265] : memref<2x!tpu.dma_semaphore, #tpu.memory_space<semaphore_mem>> -> memref<1x!tpu.dma_semaphore, #tpu.memory_space<semaphore_mem>>
    %dma_wait3A_270 = tpu.memref_squeeze %dma_wait3A_269 : memref<1x!tpu.dma_semaphore, #tpu.memory_space<semaphore_mem>> -> memref<!tpu.dma_semaphore, #tpu.memory_space<semaphore_mem>>
    tpu.wait_indirect_dma semaphore(%dma_wait3A_270 : memref<!tpu.dma_semaphore, #tpu.memory_space<semaphore_mem>>) src(%arg12 : memref<1664x16xf32, #tpu.memory_space<vmem>>) dst(%dma_wait3A_268 : memref<524288x16xf32, #tpu.memory_space<hbm>>)
    %dma_wait3A_271 = arith.constant 0 : i32
    %dma_wait3A_272 = tpu.memref_slice %arg3[%add3A_254] : memref<425984xi32, #tpu.memory_space<hbm>> -> memref<1664xi32, #tpu.memory_space<hbm>>
    %dma_wait3A_273 = tpu.memref_slice %arg14[%dma_wait3A_271] : memref<3x!tpu.dma_semaphore, #tpu.memory_space<semaphore_mem>> -> memref<1x!tpu.dma_semaphore, #tpu.memory_space<semaphore_mem>>
    %dma_wait3A_274 = tpu.memref_squeeze %dma_wait3A_273 : memref<1x!tpu.dma_semaphore, #tpu.memory_space<semaphore_mem>> -> memref<!tpu.dma_semaphore, #tpu.memory_space<semaphore_mem>>
    %dma_wait3A_275 = tpu.memref_slice %arg3[%add3A_254] : memref<425984xi32, #tpu.memory_space<hbm>> -> memref<1664xi32, #tpu.memory_space<hbm>>
    tpu.wait_dma2 semaphore(%dma_wait3A_274 : memref<!tpu.dma_semaphore, #tpu.memory_space<semaphore_mem>>) src(%dma_wait3A_275 : memref<1664xi32, #tpu.memory_space<hbm>>) dst(%arg6 : memref<1664xi32, #tpu.memory_space<vmem>>)
    %dma_wait3A_276 = arith.constant 0 : i32
    %dma_wait3A_277 = tpu.memref_slice %arg4[%add3A_254] : memref<425984xi32, #tpu.memory_space<hbm>> -> memref<1664xi32, #tpu.memory_space<hbm>>
    %dma_wait3A_278 = tpu.memref_slice %arg14[%dma_wait3A_276] : memref<3x!tpu.dma_semaphore, #tpu.memory_space<semaphore_mem>> -> memref<1x!tpu.dma_semaphore, #tpu.memory_space<semaphore_mem>>
    %dma_wait3A_279 = tpu.memref_squeeze %dma_wait3A_278 : memref<1x!tpu.dma_semaphore, #tpu.memory_space<semaphore_mem>> -> memref<!tpu.dma_semaphore, #tpu.memory_space<semaphore_mem>>
    %dma_wait3A_280 = tpu.memref_slice %arg4[%add3A_254] : memref<425984xi32, #tpu.memory_space<hbm>> -> memref<1664xi32, #tpu.memory_space<hbm>>
    tpu.wait_dma2 semaphore(%dma_wait3A_279 : memref<!tpu.dma_semaphore, #tpu.memory_space<semaphore_mem>>) src(%dma_wait3A_280 : memref<1664xi32, #tpu.memory_space<hbm>>) dst(%arg9 : memref<1664xi32, #tpu.memory_space<vmem>>)
    %dma_start3A_281 = arith.constant 0 : i32
    %dma_start3A_282 = arith.constant 0 : i32
    %dma_start3A_283 = arith.constant 0 : i32
    %dma_start3A_284 = tpu.memref_slice %arg2[%dma_start3A_282, %dma_start3A_283] : memref<1000064x16xf32, #tpu.memory_space<hbm>> -> memref<1000064x16xf32, #tpu.memory_space<hbm>>
    %dma_start3A_285 = tpu.memref_slice %arg15[%dma_start3A_281] : memref<2x!tpu.dma_semaphore, #tpu.memory_space<semaphore_mem>> -> memref<1x!tpu.dma_semaphore, #tpu.memory_space<semaphore_mem>>
    %dma_start3A_286 = tpu.memref_squeeze %dma_start3A_285 : memref<1x!tpu.dma_semaphore, #tpu.memory_space<semaphore_mem>> -> memref<!tpu.dma_semaphore, #tpu.memory_space<semaphore_mem>>
    tpu.enqueue_indirect_dma source(%dma_start3A_284 : memref<1000064x16xf32, #tpu.memory_space<hbm>>) target(%arg12 : memref<1664x16xf32, #tpu.memory_space<vmem>>) offsets(%arg6 : memref<1664xi32, #tpu.memory_space<vmem>>) semaphore(%dma_start3A_286 : memref<!tpu.dma_semaphore, #tpu.memory_space<semaphore_mem>>)
    %dma_wait3A_287 = arith.constant 1 : i32
    %dma_wait3A_288 = arith.constant 0 : i32
    %dma_wait3A_289 = arith.constant 0 : i32
    %dma_wait3A_290 = tpu.memref_slice %arg2[%dma_wait3A_288, %dma_wait3A_289] : memref<1000064x16xf32, #tpu.memory_space<hbm>> -> memref<1000064x16xf32, #tpu.memory_space<hbm>>
    %dma_wait3A_291 = tpu.memref_slice %arg15[%dma_wait3A_287] : memref<2x!tpu.dma_semaphore, #tpu.memory_space<semaphore_mem>> -> memref<1x!tpu.dma_semaphore, #tpu.memory_space<semaphore_mem>>
    %dma_wait3A_292 = tpu.memref_squeeze %dma_wait3A_291 : memref<1x!tpu.dma_semaphore, #tpu.memory_space<semaphore_mem>> -> memref<!tpu.dma_semaphore, #tpu.memory_space<semaphore_mem>>
    tpu.wait_indirect_dma semaphore(%dma_wait3A_292 : memref<!tpu.dma_semaphore, #tpu.memory_space<semaphore_mem>>) src(%dma_wait3A_290 : memref<1000064x16xf32, #tpu.memory_space<hbm>>) dst(%arg13 : memref<1664x16xf32, #tpu.memory_space<vmem>>)
    %dma_start3A_293 = arith.constant 1 : i32
    %dma_start3A_294 = arith.constant 0 : i32
    %dma_start3A_295 = arith.constant 0 : i32
    %dma_start3A_296 = tpu.memref_slice %arg5[%dma_start3A_294, %dma_start3A_295] : memref<524288x16xf32, #tpu.memory_space<hbm>> -> memref<524288x16xf32, #tpu.memory_space<hbm>>
    %dma_start3A_297 = tpu.memref_slice %arg16[%dma_start3A_293] : memref<2x!tpu.dma_semaphore, #tpu.memory_space<semaphore_mem>> -> memref<1x!tpu.dma_semaphore, #tpu.memory_space<semaphore_mem>>
    %dma_start3A_298 = tpu.memref_squeeze %dma_start3A_297 : memref<1x!tpu.dma_semaphore, #tpu.memory_space<semaphore_mem>> -> memref<!tpu.dma_semaphore, #tpu.memory_space<semaphore_mem>>
    tpu.enqueue_indirect_dma source(%arg13 : memref<1664x16xf32, #tpu.memory_space<vmem>>) target(%dma_start3A_296 : memref<524288x16xf32, #tpu.memory_space<hbm>>) offsets(%arg11 : memref<1664xi32, #tpu.memory_space<vmem>>) semaphore(%dma_start3A_298 : memref<!tpu.dma_semaphore, #tpu.memory_space<semaphore_mem>>)
    %add3A_299 = arith.constant 11648 : i32
    %add3A_300 = arith.addi %mul3A_2, %add3A_299 : i32
    %dma_start3A_301 = arith.constant 1 : i32
    %dma_start3A_302 = tpu.memref_slice %arg3[%add3A_300] : memref<425984xi32, #tpu.memory_space<hbm>> -> memref<1664xi32, #tpu.memory_space<hbm>>
    %dma_start3A_303 = tpu.memref_slice %arg14[%dma_start3A_301] : memref<3x!tpu.dma_semaphore, #tpu.memory_space<semaphore_mem>> -> memref<1x!tpu.dma_semaphore, #tpu.memory_space<semaphore_mem>>
    %dma_start3A_304 = tpu.memref_squeeze %dma_start3A_303 : memref<1x!tpu.dma_semaphore, #tpu.memory_space<semaphore_mem>> -> memref<!tpu.dma_semaphore, #tpu.memory_space<semaphore_mem>>
    %dma_start3A_305 = tpu.memref_slice %arg3[%add3A_300] : memref<425984xi32, #tpu.memory_space<hbm>> -> memref<1664xi32, #tpu.memory_space<hbm>>
    tpu.enqueue_dma source(%dma_start3A_305 : memref<1664xi32, #tpu.memory_space<hbm>>) target(%arg7 : memref<1664xi32, #tpu.memory_space<vmem>>) target_semaphore(%dma_start3A_304 : memref<!tpu.dma_semaphore, #tpu.memory_space<semaphore_mem>>)
    %dma_start3A_306 = arith.constant 1 : i32
    %dma_start3A_307 = tpu.memref_slice %arg4[%add3A_300] : memref<425984xi32, #tpu.memory_space<hbm>> -> memref<1664xi32, #tpu.memory_space<hbm>>
    %dma_start3A_308 = tpu.memref_slice %arg14[%dma_start3A_306] : memref<3x!tpu.dma_semaphore, #tpu.memory_space<semaphore_mem>> -> memref<1x!tpu.dma_semaphore, #tpu.memory_space<semaphore_mem>>
    %dma_start3A_309 = tpu.memref_squeeze %dma_start3A_308 : memref<1x!tpu.dma_semaphore, #tpu.memory_space<semaphore_mem>> -> memref<!tpu.dma_semaphore, #tpu.memory_space<semaphore_mem>>
    %dma_start3A_310 = tpu.memref_slice %arg4[%add3A_300] : memref<425984xi32, #tpu.memory_space<hbm>> -> memref<1664xi32, #tpu.memory_space<hbm>>
    tpu.enqueue_dma source(%dma_start3A_310 : memref<1664xi32, #tpu.memory_space<hbm>>) target(%arg10 : memref<1664xi32, #tpu.memory_space<vmem>>) target_semaphore(%dma_start3A_309 : memref<!tpu.dma_semaphore, #tpu.memory_space<semaphore_mem>>)
    %dma_wait3A_311 = arith.constant 1 : i32
    %dma_wait3A_312 = arith.constant 0 : i32
    %dma_wait3A_313 = arith.constant 0 : i32
    %dma_wait3A_314 = tpu.memref_slice %arg5[%dma_wait3A_312, %dma_wait3A_313] : memref<524288x16xf32, #tpu.memory_space<hbm>> -> memref<524288x16xf32, #tpu.memory_space<hbm>>
    %dma_wait3A_315 = tpu.memref_slice %arg16[%dma_wait3A_311] : memref<2x!tpu.dma_semaphore, #tpu.memory_space<semaphore_mem>> -> memref<1x!tpu.dma_semaphore, #tpu.memory_space<semaphore_mem>>
    %dma_wait3A_316 = tpu.memref_squeeze %dma_wait3A_315 : memref<1x!tpu.dma_semaphore, #tpu.memory_space<semaphore_mem>> -> memref<!tpu.dma_semaphore, #tpu.memory_space<semaphore_mem>>
    tpu.wait_indirect_dma semaphore(%dma_wait3A_316 : memref<!tpu.dma_semaphore, #tpu.memory_space<semaphore_mem>>) src(%arg13 : memref<1664x16xf32, #tpu.memory_space<vmem>>) dst(%dma_wait3A_314 : memref<524288x16xf32, #tpu.memory_space<hbm>>)
    %dma_wait3A_317 = arith.constant 1 : i32
    %dma_wait3A_318 = tpu.memref_slice %arg3[%add3A_300] : memref<425984xi32, #tpu.memory_space<hbm>> -> memref<1664xi32, #tpu.memory_space<hbm>>
    %dma_wait3A_319 = tpu.memref_slice %arg14[%dma_wait3A_317] : memref<3x!tpu.dma_semaphore, #tpu.memory_space<semaphore_mem>> -> memref<1x!tpu.dma_semaphore, #tpu.memory_space<semaphore_mem>>
    %dma_wait3A_320 = tpu.memref_squeeze %dma_wait3A_319 : memref<1x!tpu.dma_semaphore, #tpu.memory_space<semaphore_mem>> -> memref<!tpu.dma_semaphore, #tpu.memory_space<semaphore_mem>>
    %dma_wait3A_321 = tpu.memref_slice %arg3[%add3A_300] : memref<425984xi32, #tpu.memory_space<hbm>> -> memref<1664xi32, #tpu.memory_space<hbm>>
    tpu.wait_dma2 semaphore(%dma_wait3A_320 : memref<!tpu.dma_semaphore, #tpu.memory_space<semaphore_mem>>) src(%dma_wait3A_321 : memref<1664xi32, #tpu.memory_space<hbm>>) dst(%arg7 : memref<1664xi32, #tpu.memory_space<vmem>>)
    %dma_wait3A_322 = arith.constant 1 : i32
    %dma_wait3A_323 = tpu.memref_slice %arg4[%add3A_300] : memref<425984xi32, #tpu.memory_space<hbm>> -> memref<1664xi32, #tpu.memory_space<hbm>>
    %dma_wait3A_324 = tpu.memref_slice %arg14[%dma_wait3A_322] : memref<3x!tpu.dma_semaphore, #tpu.memory_space<semaphore_mem>> -> memref<1x!tpu.dma_semaphore, #tpu.memory_space<semaphore_mem>>
    %dma_wait3A_325 = tpu.memref_squeeze %dma_wait3A_324 : memref<1x!tpu.dma_semaphore, #tpu.memory_space<semaphore_mem>> -> memref<!tpu.dma_semaphore, #tpu.memory_space<semaphore_mem>>
    %dma_wait3A_326 = tpu.memref_slice %arg4[%add3A_300] : memref<425984xi32, #tpu.memory_space<hbm>> -> memref<1664xi32, #tpu.memory_space<hbm>>
    tpu.wait_dma2 semaphore(%dma_wait3A_325 : memref<!tpu.dma_semaphore, #tpu.memory_space<semaphore_mem>>) src(%dma_wait3A_326 : memref<1664xi32, #tpu.memory_space<hbm>>) dst(%arg10 : memref<1664xi32, #tpu.memory_space<vmem>>)
    %dma_start3A_327 = arith.constant 1 : i32
    %dma_start3A_328 = arith.constant 0 : i32
    %dma_start3A_329 = arith.constant 0 : i32
    %dma_start3A_330 = tpu.memref_slice %arg2[%dma_start3A_328, %dma_start3A_329] : memref<1000064x16xf32, #tpu.memory_space<hbm>> -> memref<1000064x16xf32, #tpu.memory_space<hbm>>
    %dma_start3A_331 = tpu.memref_slice %arg15[%dma_start3A_327] : memref<2x!tpu.dma_semaphore, #tpu.memory_space<semaphore_mem>> -> memref<1x!tpu.dma_semaphore, #tpu.memory_space<semaphore_mem>>
    %dma_start3A_332 = tpu.memref_squeeze %dma_start3A_331 : memref<1x!tpu.dma_semaphore, #tpu.memory_space<semaphore_mem>> -> memref<!tpu.dma_semaphore, #tpu.memory_space<semaphore_mem>>
    tpu.enqueue_indirect_dma source(%dma_start3A_330 : memref<1000064x16xf32, #tpu.memory_space<hbm>>) target(%arg13 : memref<1664x16xf32, #tpu.memory_space<vmem>>) offsets(%arg7 : memref<1664xi32, #tpu.memory_space<vmem>>) semaphore(%dma_start3A_332 : memref<!tpu.dma_semaphore, #tpu.memory_space<semaphore_mem>>)
    %dma_wait3A_333 = arith.constant 0 : i32
    %dma_wait3A_334 = arith.constant 0 : i32
    %dma_wait3A_335 = arith.constant 0 : i32
    %dma_wait3A_336 = tpu.memref_slice %arg2[%dma_wait3A_334, %dma_wait3A_335] : memref<1000064x16xf32, #tpu.memory_space<hbm>> -> memref<1000064x16xf32, #tpu.memory_space<hbm>>
    %dma_wait3A_337 = tpu.memref_slice %arg15[%dma_wait3A_333] : memref<2x!tpu.dma_semaphore, #tpu.memory_space<semaphore_mem>> -> memref<1x!tpu.dma_semaphore, #tpu.memory_space<semaphore_mem>>
    %dma_wait3A_338 = tpu.memref_squeeze %dma_wait3A_337 : memref<1x!tpu.dma_semaphore, #tpu.memory_space<semaphore_mem>> -> memref<!tpu.dma_semaphore, #tpu.memory_space<semaphore_mem>>
    tpu.wait_indirect_dma semaphore(%dma_wait3A_338 : memref<!tpu.dma_semaphore, #tpu.memory_space<semaphore_mem>>) src(%dma_wait3A_336 : memref<1000064x16xf32, #tpu.memory_space<hbm>>) dst(%arg12 : memref<1664x16xf32, #tpu.memory_space<vmem>>)
    %dma_start3A_339 = arith.constant 0 : i32
    %dma_start3A_340 = arith.constant 0 : i32
    %dma_start3A_341 = arith.constant 0 : i32
    %dma_start3A_342 = tpu.memref_slice %arg5[%dma_start3A_340, %dma_start3A_341] : memref<524288x16xf32, #tpu.memory_space<hbm>> -> memref<524288x16xf32, #tpu.memory_space<hbm>>
    %dma_start3A_343 = tpu.memref_slice %arg16[%dma_start3A_339] : memref<2x!tpu.dma_semaphore, #tpu.memory_space<semaphore_mem>> -> memref<1x!tpu.dma_semaphore, #tpu.memory_space<semaphore_mem>>
    %dma_start3A_344 = tpu.memref_squeeze %dma_start3A_343 : memref<1x!tpu.dma_semaphore, #tpu.memory_space<semaphore_mem>> -> memref<!tpu.dma_semaphore, #tpu.memory_space<semaphore_mem>>
    tpu.enqueue_indirect_dma source(%arg12 : memref<1664x16xf32, #tpu.memory_space<vmem>>) target(%dma_start3A_342 : memref<524288x16xf32, #tpu.memory_space<hbm>>) offsets(%arg9 : memref<1664xi32, #tpu.memory_space<vmem>>) semaphore(%dma_start3A_344 : memref<!tpu.dma_semaphore, #tpu.memory_space<semaphore_mem>>)
    %dma_wait3A_345 = arith.constant 0 : i32
    %dma_wait3A_346 = arith.constant 0 : i32
    %dma_wait3A_347 = arith.constant 0 : i32
    %dma_wait3A_348 = tpu.memref_slice %arg5[%dma_wait3A_346, %dma_wait3A_347] : memref<524288x16xf32, #tpu.memory_space<hbm>> -> memref<524288x16xf32, #tpu.memory_space<hbm>>
    %dma_wait3A_349 = tpu.memref_slice %arg16[%dma_wait3A_345] : memref<2x!tpu.dma_semaphore, #tpu.memory_space<semaphore_mem>> -> memref<1x!tpu.dma_semaphore, #tpu.memory_space<semaphore_mem>>
    %dma_wait3A_350 = tpu.memref_squeeze %dma_wait3A_349 : memref<1x!tpu.dma_semaphore, #tpu.memory_space<semaphore_mem>> -> memref<!tpu.dma_semaphore, #tpu.memory_space<semaphore_mem>>
    tpu.wait_indirect_dma semaphore(%dma_wait3A_350 : memref<!tpu.dma_semaphore, #tpu.memory_space<semaphore_mem>>) src(%arg12 : memref<1664x16xf32, #tpu.memory_space<vmem>>) dst(%dma_wait3A_348 : memref<524288x16xf32, #tpu.memory_space<hbm>>)
    %dma_wait3A_351 = arith.constant 1 : i32
    %dma_wait3A_352 = arith.constant 0 : i32
    %dma_wait3A_353 = arith.constant 0 : i32
    %dma_wait3A_354 = tpu.memref_slice %arg2[%dma_wait3A_352, %dma_wait3A_353] : memref<1000064x16xf32, #tpu.memory_space<hbm>> -> memref<1000064x16xf32, #tpu.memory_space<hbm>>
    %dma_wait3A_355 = tpu.memref_slice %arg15[%dma_wait3A_351] : memref<2x!tpu.dma_semaphore, #tpu.memory_space<semaphore_mem>> -> memref<1x!tpu.dma_semaphore, #tpu.memory_space<semaphore_mem>>
    %dma_wait3A_356 = tpu.memref_squeeze %dma_wait3A_355 : memref<1x!tpu.dma_semaphore, #tpu.memory_space<semaphore_mem>> -> memref<!tpu.dma_semaphore, #tpu.memory_space<semaphore_mem>>
    tpu.wait_indirect_dma semaphore(%dma_wait3A_356 : memref<!tpu.dma_semaphore, #tpu.memory_space<semaphore_mem>>) src(%dma_wait3A_354 : memref<1000064x16xf32, #tpu.memory_space<hbm>>) dst(%arg13 : memref<1664x16xf32, #tpu.memory_space<vmem>>)
    %dma_start3A_357 = arith.constant 1 : i32
    %dma_start3A_358 = arith.constant 0 : i32
    %dma_start3A_359 = arith.constant 0 : i32
    %dma_start3A_360 = tpu.memref_slice %arg5[%dma_start3A_358, %dma_start3A_359] : memref<524288x16xf32, #tpu.memory_space<hbm>> -> memref<524288x16xf32, #tpu.memory_space<hbm>>
    %dma_start3A_361 = tpu.memref_slice %arg16[%dma_start3A_357] : memref<2x!tpu.dma_semaphore, #tpu.memory_space<semaphore_mem>> -> memref<1x!tpu.dma_semaphore, #tpu.memory_space<semaphore_mem>>
    %dma_start3A_362 = tpu.memref_squeeze %dma_start3A_361 : memref<1x!tpu.dma_semaphore, #tpu.memory_space<semaphore_mem>> -> memref<!tpu.dma_semaphore, #tpu.memory_space<semaphore_mem>>
    tpu.enqueue_indirect_dma source(%arg13 : memref<1664x16xf32, #tpu.memory_space<vmem>>) target(%dma_start3A_360 : memref<524288x16xf32, #tpu.memory_space<hbm>>) offsets(%arg10 : memref<1664xi32, #tpu.memory_space<vmem>>) semaphore(%dma_start3A_362 : memref<!tpu.dma_semaphore, #tpu.memory_space<semaphore_mem>>)
    %dma_wait3A_363 = arith.constant 1 : i32
    %dma_wait3A_364 = arith.constant 0 : i32
    %dma_wait3A_365 = arith.constant 0 : i32
    %dma_wait3A_366 = tpu.memref_slice %arg5[%dma_wait3A_364, %dma_wait3A_365] : memref<524288x16xf32, #tpu.memory_space<hbm>> -> memref<524288x16xf32, #tpu.memory_space<hbm>>
    %dma_wait3A_367 = tpu.memref_slice %arg16[%dma_wait3A_363] : memref<2x!tpu.dma_semaphore, #tpu.memory_space<semaphore_mem>> -> memref<1x!tpu.dma_semaphore, #tpu.memory_space<semaphore_mem>>
    %dma_wait3A_368 = tpu.memref_squeeze %dma_wait3A_367 : memref<1x!tpu.dma_semaphore, #tpu.memory_space<semaphore_mem>> -> memref<!tpu.dma_semaphore, #tpu.memory_space<semaphore_mem>>
    tpu.wait_indirect_dma semaphore(%dma_wait3A_368 : memref<!tpu.dma_semaphore, #tpu.memory_space<semaphore_mem>>) src(%arg13 : memref<1664x16xf32, #tpu.memory_space<vmem>>) dst(%dma_wait3A_366 : memref<524288x16xf32, #tpu.memory_space<hbm>>)
    return
  }
}

#map = affine_map<(d0, d1) -> (0, 0)>
#map1 = affine_map<(d0, d1) -> (0)>
module attributes {stable_mosaic.version = 14 : i64} {
  func.func @repack(%arg0: i32, %arg1: i32, %arg2: memref<16x1000000xf32, #tpu.memory_space<hbm>>, %arg3: memref<16001024xf32, #tpu.memory_space<hbm>>, %arg4: memref<16x128xf32, #tpu.memory_space<vmem>>, %arg5: memref<16x128xf32, #tpu.memory_space<vmem>>, %arg6: memref<2048xf32, #tpu.memory_space<vmem>>, %arg7: memref<2048xf32, #tpu.memory_space<vmem>>, %arg8: memref<!tpu.dma_semaphore, #tpu.memory_space<semaphore_mem>>, %arg9: memref<!tpu.dma_semaphore, #tpu.memory_space<semaphore_mem>>) attributes {dimension_semantics = [#tpu.dimension_semantics<core_parallel>, #tpu.dimension_semantics<subcore_parallel>], iteration_bounds = array<i64: 2, 16>, scalar_prefetch = 0 : i64, scratch_operands = 6 : i64, tpu.core_type = #tpu.core_type<sc_vector_subcore>, window_params = [{transform_indices = #map}, {transform_indices = #map1}]} {
    %mul3A = arith.constant 2 : i32
    %mul3A_0 = arith.muli %arg1, %mul3A : i32
    %add3A = arith.addi %mul3A_0, %arg0 : i32
    %iota3A = tpu.iota {dimensions = array<i32: 0>} : vector<16xi32>
    %add3A_1 = arith.constant 0 : i32
    %add3A_2 = arith.addi %add3A_1, %add3A : i32
    %mul3A_3 = arith.constant 128 : i32
    %mul3A_4 = arith.muli %add3A_2, %mul3A_3 : i32
    %dma_start3A = arith.constant 0 : i32
    %dma_start3A_5 = tpu.memref_slice %arg2[%dma_start3A, %mul3A_4] : memref<16x1000000xf32, #tpu.memory_space<hbm>> -> memref<16x128xf32, #tpu.memory_space<hbm>>
    %dma_start3A_6 = arith.constant 0 : i32
    %dma_start3A_7 = tpu.memref_slice %arg2[%dma_start3A_6, %mul3A_4] : memref<16x1000000xf32, #tpu.memory_space<hbm>> -> memref<16x128xf32, #tpu.memory_space<hbm>>
    tpu.enqueue_dma source(%dma_start3A_7 : memref<16x128xf32, #tpu.memory_space<hbm>>) target(%arg4 : memref<16x128xf32, #tpu.memory_space<vmem>>) target_semaphore(%arg8 : memref<!tpu.dma_semaphore, #tpu.memory_space<semaphore_mem>>)
    %add3A_8 = arith.constant 32 : i32
    %add3A_9 = arith.addi %add3A_8, %add3A : i32
    %mul3A_10 = arith.constant 128 : i32
    %mul3A_11 = arith.muli %add3A_9, %mul3A_10 : i32
    %dma_start3A_12 = arith.constant 0 : i32
    %dma_start3A_13 = tpu.memref_slice %arg2[%dma_start3A_12, %mul3A_11] : memref<16x1000000xf32, #tpu.memory_space<hbm>> -> memref<16x128xf32, #tpu.memory_space<hbm>>
    %dma_start3A_14 = arith.constant 0 : i32
    %dma_start3A_15 = tpu.memref_slice %arg2[%dma_start3A_14, %mul3A_11] : memref<16x1000000xf32, #tpu.memory_space<hbm>> -> memref<16x128xf32, #tpu.memory_space<hbm>>
    tpu.enqueue_dma source(%dma_start3A_15 : memref<16x128xf32, #tpu.memory_space<hbm>>) target(%arg5 : memref<16x128xf32, #tpu.memory_space<vmem>>) target_semaphore(%arg8 : memref<!tpu.dma_semaphore, #tpu.memory_space<semaphore_mem>>)
    %scan3A = arith.constant 0 : i32
    %scan3A_16 = arith.constant 0 : i32
    %scan3A_17 = arith.constant 122 : i32
    %scan3A_18 = arith.addi %scan3A_16, %scan3A_17 : i32
    %scan3A_19 = arith.constant 1 : i32
    scf.for %scan3A_30 = %scan3A_16 to %scan3A_18 step %scan3A_19  : i32 {
      %mul3A_31 = arith.constant 2 : i32
      %mul3A_32 = arith.muli %mul3A_31, %scan3A_30 : i32
      %add3A_33 = arith.constant 0 : i32
      %add3A_34 = arith.addi %mul3A_32, %add3A_33 : i32
      %dma_wait3A_35 = arith.constant 0 : i32
      %dma_wait3A_36 = arith.constant 0 : i32
      %dma_wait3A_37 = tpu.memref_slice %arg2[%dma_wait3A_35, %dma_wait3A_36] : memref<16x1000000xf32, #tpu.memory_space<hbm>> -> memref<16x128xf32, #tpu.memory_space<hbm>>
      %dma_wait3A_38 = arith.constant 0 : i32
      %dma_wait3A_39 = arith.constant 0 : i32
      %dma_wait3A_40 = tpu.memref_slice %arg2[%dma_wait3A_38, %dma_wait3A_39] : memref<16x1000000xf32, #tpu.memory_space<hbm>> -> memref<16x128xf32, #tpu.memory_space<hbm>>
      tpu.wait_dma2 semaphore(%arg8 : memref<!tpu.dma_semaphore, #tpu.memory_space<semaphore_mem>>) src(%dma_wait3A_40 : memref<16x128xf32, #tpu.memory_space<hbm>>) dst(%arg4 : memref<16x128xf32, #tpu.memory_space<vmem>>)
      %gt3A = arith.constant 0 : i32
      %gt3A_41 = arith.cmpi sgt, %scan3A_30, %gt3A : i32
      %convert_element_type3A_42 = arith.extui %gt3A_41 : i1 to i32
      %cond3A_43 = arith.constant 0 : i32
      %cond3A_44 = arith.cmpi ne, %convert_element_type3A_42, %cond3A_43 : i32
      scf.if %cond3A_44 {
        %dma_wait3A_94 = arith.constant 0 : i32
        %dma_wait3A_95 = tpu.memref_slice %arg3[%dma_wait3A_94] : memref<16001024xf32, #tpu.memory_space<hbm>> -> memref<2048xf32, #tpu.memory_space<hbm>>
        %dma_wait3A_96 = arith.constant 0 : i32
        %dma_wait3A_97 = tpu.memref_slice %arg3[%dma_wait3A_96] : memref<16001024xf32, #tpu.memory_space<hbm>> -> memref<2048xf32, #tpu.memory_space<hbm>>
        tpu.wait_dma2 semaphore(%arg9 : memref<!tpu.dma_semaphore, #tpu.memory_space<semaphore_mem>>) src(%arg6 : memref<2048xf32, #tpu.memory_space<vmem>>) dst(%dma_wait3A_97 : memref<2048xf32, #tpu.memory_space<hbm>>)
      } else {
      }
      %mul3A_45 = arith.constant 16 : i32
      %mul3A_46 = vector.broadcast %mul3A_45 : i32 to vector<16xi32>
      %mul3A_47 = arith.muli %iota3A, %mul3A_46 : vector<16xi32>
      %parallel_loop3A = arith.constant 0 : i32
      %parallel_loop3A_48 = arith.constant 16 : i32
      %parallel_loop3A_49 = arith.constant 1 : i32
      scf.for %parallel_loop3A_94 = %parallel_loop3A to %parallel_loop3A_48 step %parallel_loop3A_49  : i32 {
        %parallel_loop3A_95 = arith.index_cast %parallel_loop3A_94 : i32 to index
        %parallel_loop3A_96 = arith.constant 0 : index
        %parallel_loop3A_97 = tpu.vector_load %arg4[%parallel_loop3A_95, %parallel_loop3A_96] {strides = array<i32>} : memref<16x128xf32, #tpu.memory_space<vmem>>, vector<16xf32>,
        %parallel_loop3A_98 = arith.constant 0 : i32
        %parallel_loop3A_99 = arith.addi %parallel_loop3A_98, %parallel_loop3A_94 : i32
        %parallel_loop3A_100 = vector.broadcast %parallel_loop3A_99 : i32 to vector<16xi32>
        %parallel_loop3A_101 = arith.addi %mul3A_47, %parallel_loop3A_100 : vector<16xi32>
        tpu.vector_store_idx %arg6[%parallel_loop3A_101], %parallel_loop3A_97 : memref<2048xf32, #tpu.memory_space<vmem>>[vector<16xi32>], vector<16xf32>,
        %parallel_loop3A_102 = arith.index_cast %parallel_loop3A_94 : i32 to index
        %parallel_loop3A_103 = arith.constant 16 : index
        %parallel_loop3A_104 = tpu.vector_load %arg4[%parallel_loop3A_102, %parallel_loop3A_103] {strides = array<i32>} : memref<16x128xf32, #tpu.memory_space<vmem>>, vector<16xf32>,
        %parallel_loop3A_105 = arith.constant 256 : i32
        %parallel_loop3A_106 = arith.addi %parallel_loop3A_105, %parallel_loop3A_94 : i32
        %parallel_loop3A_107 = vector.broadcast %parallel_loop3A_106 : i32 to vector<16xi32>
        %parallel_loop3A_108 = arith.addi %mul3A_47, %parallel_loop3A_107 : vector<16xi32>
        tpu.vector_store_idx %arg6[%parallel_loop3A_108], %parallel_loop3A_104 : memref<2048xf32, #tpu.memory_space<vmem>>[vector<16xi32>], vector<16xf32>,
        %parallel_loop3A_109 = arith.index_cast %parallel_loop3A_94 : i32 to index
        %parallel_loop3A_110 = arith.constant 32 : index
        %parallel_loop3A_111 = tpu.vector_load %arg4[%parallel_loop3A_109, %parallel_loop3A_110] {strides = array<i32>} : memref<16x128xf32, #tpu.memory_space<vmem>>, vector<16xf32>,
        %parallel_loop3A_112 = arith.constant 512 : i32
        %parallel_loop3A_113 = arith.addi %parallel_loop3A_112, %parallel_loop3A_94 : i32
        %parallel_loop3A_114 = vector.broadcast %parallel_loop3A_113 : i32 to vector<16xi32>
        %parallel_loop3A_115 = arith.addi %mul3A_47, %parallel_loop3A_114 : vector<16xi32>
        tpu.vector_store_idx %arg6[%parallel_loop3A_115], %parallel_loop3A_111 : memref<2048xf32, #tpu.memory_space<vmem>>[vector<16xi32>], vector<16xf32>,
        %parallel_loop3A_116 = arith.index_cast %parallel_loop3A_94 : i32 to index
        %parallel_loop3A_117 = arith.constant 48 : index
        %parallel_loop3A_118 = tpu.vector_load %arg4[%parallel_loop3A_116, %parallel_loop3A_117] {strides = array<i32>} : memref<16x128xf32, #tpu.memory_space<vmem>>, vector<16xf32>,
        %parallel_loop3A_119 = arith.constant 768 : i32
        %parallel_loop3A_120 = arith.addi %parallel_loop3A_119, %parallel_loop3A_94 : i32
        %parallel_loop3A_121 = vector.broadcast %parallel_loop3A_120 : i32 to vector<16xi32>
        %parallel_loop3A_122 = arith.addi %mul3A_47, %parallel_loop3A_121 : vector<16xi32>
        tpu.vector_store_idx %arg6[%parallel_loop3A_122], %parallel_loop3A_118 : memref<2048xf32, #tpu.memory_space<vmem>>[vector<16xi32>], vector<16xf32>,
        %parallel_loop3A_123 = arith.index_cast %parallel_loop3A_94 : i32 to index
        %parallel_loop3A_124 = arith.constant 64 : index
        %parallel_loop3A_125 = tpu.vector_load %arg4[%parallel_loop3A_123, %parallel_loop3A_124] {strides = array<i32>} : memref<16x128xf32, #tpu.memory_space<vmem>>, vector<16xf32>,
        %parallel_loop3A_126 = arith.constant 1024 : i32
        %parallel_loop3A_127 = arith.addi %parallel_loop3A_126, %parallel_loop3A_94 : i32
        %parallel_loop3A_128 = vector.broadcast %parallel_loop3A_127 : i32 to vector<16xi32>
        %parallel_loop3A_129 = arith.addi %mul3A_47, %parallel_loop3A_128 : vector<16xi32>
        tpu.vector_store_idx %arg6[%parallel_loop3A_129], %parallel_loop3A_125 : memref<2048xf32, #tpu.memory_space<vmem>>[vector<16xi32>], vector<16xf32>,
        %parallel_loop3A_130 = arith.index_cast %parallel_loop3A_94 : i32 to index
        %parallel_loop3A_131 = arith.constant 80 : index
        %parallel_loop3A_132 = tpu.vector_load %arg4[%parallel_loop3A_130, %parallel_loop3A_131] {strides = array<i32>} : memref<16x128xf32, #tpu.memory_space<vmem>>, vector<16xf32>,
        %parallel_loop3A_133 = arith.constant 1280 : i32
        %parallel_loop3A_134 = arith.addi %parallel_loop3A_133, %parallel_loop3A_94 : i32
        %parallel_loop3A_135 = vector.broadcast %parallel_loop3A_134 : i32 to vector<16xi32>
        %parallel_loop3A_136 = arith.addi %mul3A_47, %parallel_loop3A_135 : vector<16xi32>
        tpu.vector_store_idx %arg6[%parallel_loop3A_136], %parallel_loop3A_132 : memref<2048xf32, #tpu.memory_space<vmem>>[vector<16xi32>], vector<16xf32>,
        %parallel_loop3A_137 = arith.index_cast %parallel_loop3A_94 : i32 to index
        %parallel_loop3A_138 = arith.constant 96 : index
        %parallel_loop3A_139 = tpu.vector_load %arg4[%parallel_loop3A_137, %parallel_loop3A_138] {strides = array<i32>} : memref<16x128xf32, #tpu.memory_space<vmem>>, vector<16xf32>,
        %parallel_loop3A_140 = arith.constant 1536 : i32
        %parallel_loop3A_141 = arith.addi %parallel_loop3A_140, %parallel_loop3A_94 : i32
        %parallel_loop3A_142 = vector.broadcast %parallel_loop3A_141 : i32 to vector<16xi32>
        %parallel_loop3A_143 = arith.addi %mul3A_47, %parallel_loop3A_142 : vector<16xi32>
        tpu.vector_store_idx %arg6[%parallel_loop3A_143], %parallel_loop3A_139 : memref<2048xf32, #tpu.memory_space<vmem>>[vector<16xi32>], vector<16xf32>,
        %parallel_loop3A_144 = arith.index_cast %parallel_loop3A_94 : i32 to index
        %parallel_loop3A_145 = arith.constant 112 : index
        %parallel_loop3A_146 = tpu.vector_load %arg4[%parallel_loop3A_144, %parallel_loop3A_145] {strides = array<i32>} : memref<16x128xf32, #tpu.memory_space<vmem>>, vector<16xf32>,
        %parallel_loop3A_147 = arith.constant 1792 : i32
        %parallel_loop3A_148 = arith.addi %parallel_loop3A_147, %parallel_loop3A_94 : i32
        %parallel_loop3A_149 = vector.broadcast %parallel_loop3A_148 : i32 to vector<16xi32>
        %parallel_loop3A_150 = arith.addi %mul3A_47, %parallel_loop3A_149 : vector<16xi32>
        tpu.vector_store_idx %arg6[%parallel_loop3A_150], %parallel_loop3A_146 : memref<2048xf32, #tpu.memory_space<vmem>>[vector<16xi32>], vector<16xf32>,
      } {sc.loop_unroll_factor = 8 : i64, sc.parallel_access}
      %mul3A_50 = arith.constant 32 : i32
      %mul3A_51 = arith.muli %add3A_34, %mul3A_50 : i32
      %add3A_52 = arith.addi %mul3A_51, %add3A : i32
      %mul3A_53 = arith.constant 2048 : i32
      %mul3A_54 = arith.muli %add3A_52, %mul3A_53 : i32
      %dma_start3A_55 = tpu.memref_slice %arg3[%mul3A_54] : memref<16001024xf32, #tpu.memory_space<hbm>> -> memref<2048xf32, #tpu.memory_space<hbm>>
      %dma_start3A_56 = tpu.memref_slice %arg3[%mul3A_54] : memref<16001024xf32, #tpu.memory_space<hbm>> -> memref<2048xf32, #tpu.memory_space<hbm>>
      tpu.enqueue_dma source(%arg6 : memref<2048xf32, #tpu.memory_space<vmem>>) target(%dma_start3A_56 : memref<2048xf32, #tpu.memory_space<hbm>>) target_semaphore(%arg9 : memref<!tpu.dma_semaphore, #tpu.memory_space<semaphore_mem>>)
      %le3A = arith.constant 120 : i32
      %le3A_57 = arith.cmpi sle, %scan3A_30, %le3A : i32
      %convert_element_type3A_58 = arith.extui %le3A_57 : i1 to i32
      %cond3A_59 = arith.constant 0 : i32
      %cond3A_60 = arith.cmpi ne, %convert_element_type3A_58, %cond3A_59 : i32
      scf.if %cond3A_60 {
        %add3A_94 = arith.constant 2 : i32
        %add3A_95 = arith.addi %add3A_34, %add3A_94 : i32
        %mul3A_96 = arith.constant 32 : i32
        %mul3A_97 = arith.muli %add3A_95, %mul3A_96 : i32
        %add3A_98 = arith.addi %mul3A_97, %add3A : i32
        %mul3A_99 = arith.constant 128 : i32
        %mul3A_100 = arith.muli %add3A_98, %mul3A_99 : i32
        %dma_start3A_101 = arith.constant 0 : i32
        %dma_start3A_102 = tpu.memref_slice %arg2[%dma_start3A_101, %mul3A_100] : memref<16x1000000xf32, #tpu.memory_space<hbm>> -> memref<16x128xf32, #tpu.memory_space<hbm>>
        %dma_start3A_103 = arith.constant 0 : i32
        %dma_start3A_104 = tpu.memref_slice %arg2[%dma_start3A_103, %mul3A_100] : memref<16x1000000xf32, #tpu.memory_space<hbm>> -> memref<16x128xf32, #tpu.memory_space<hbm>>
        tpu.enqueue_dma source(%dma_start3A_104 : memref<16x128xf32, #tpu.memory_space<hbm>>) target(%arg4 : memref<16x128xf32, #tpu.memory_space<vmem>>) target_semaphore(%arg8 : memref<!tpu.dma_semaphore, #tpu.memory_space<semaphore_mem>>)
      } else {
      }
      %mul3A_61 = arith.constant 2 : i32
      %mul3A_62 = arith.muli %mul3A_61, %scan3A_30 : i32
      %add3A_63 = arith.constant 1 : i32
      %add3A_64 = arith.addi %mul3A_62, %add3A_63 : i32
      %dma_wait3A_65 = arith.constant 0 : i32
      %dma_wait3A_66 = arith.constant 0 : i32
      %dma_wait3A_67 = tpu.memref_slice %arg2[%dma_wait3A_65, %dma_wait3A_66] : memref<16x1000000xf32, #tpu.memory_space<hbm>> -> memref<16x128xf32, #tpu.memory_space<hbm>>
      %dma_wait3A_68 = arith.constant 0 : i32
      %dma_wait3A_69 = arith.constant 0 : i32
      %dma_wait3A_70 = tpu.memref_slice %arg2[%dma_wait3A_68, %dma_wait3A_69] : memref<16x1000000xf32, #tpu.memory_space<hbm>> -> memref<16x128xf32, #tpu.memory_space<hbm>>
      tpu.wait_dma2 semaphore(%arg8 : memref<!tpu.dma_semaphore, #tpu.memory_space<semaphore_mem>>) src(%dma_wait3A_70 : memref<16x128xf32, #tpu.memory_space<hbm>>) dst(%arg5 : memref<16x128xf32, #tpu.memory_space<vmem>>)
      %gt3A_71 = arith.constant 0 : i32
      %gt3A_72 = arith.cmpi sgt, %scan3A_30, %gt3A_71 : i32
      %convert_element_type3A_73 = arith.extui %gt3A_72 : i1 to i32
      %cond3A_74 = arith.constant 0 : i32
      %cond3A_75 = arith.cmpi ne, %convert_element_type3A_73, %cond3A_74 : i32
      scf.if %cond3A_75 {
        %dma_wait3A_94 = arith.constant 0 : i32
        %dma_wait3A_95 = tpu.memref_slice %arg3[%dma_wait3A_94] : memref<16001024xf32, #tpu.memory_space<hbm>> -> memref<2048xf32, #tpu.memory_space<hbm>>
        %dma_wait3A_96 = arith.constant 0 : i32
        %dma_wait3A_97 = tpu.memref_slice %arg3[%dma_wait3A_96] : memref<16001024xf32, #tpu.memory_space<hbm>> -> memref<2048xf32, #tpu.memory_space<hbm>>
        tpu.wait_dma2 semaphore(%arg9 : memref<!tpu.dma_semaphore, #tpu.memory_space<semaphore_mem>>) src(%arg7 : memref<2048xf32, #tpu.memory_space<vmem>>) dst(%dma_wait3A_97 : memref<2048xf32, #tpu.memory_space<hbm>>)
      } else {
      }
      %mul3A_76 = arith.constant 16 : i32
      %mul3A_77 = vector.broadcast %mul3A_76 : i32 to vector<16xi32>
      %mul3A_78 = arith.muli %iota3A, %mul3A_77 : vector<16xi32>
      %parallel_loop3A_79 = arith.constant 0 : i32
      %parallel_loop3A_80 = arith.constant 16 : i32
      %parallel_loop3A_81 = arith.constant 1 : i32
      scf.for %parallel_loop3A_94 = %parallel_loop3A_79 to %parallel_loop3A_80 step %parallel_loop3A_81  : i32 {
        %parallel_loop3A_95 = arith.index_cast %parallel_loop3A_94 : i32 to index
        %parallel_loop3A_96 = arith.constant 0 : index
        %parallel_loop3A_97 = tpu.vector_load %arg5[%parallel_loop3A_95, %parallel_loop3A_96] {strides = array<i32>} : memref<16x128xf32, #tpu.memory_space<vmem>>, vector<16xf32>,
        %parallel_loop3A_98 = arith.constant 0 : i32
        %parallel_loop3A_99 = arith.addi %parallel_loop3A_98, %parallel_loop3A_94 : i32
        %parallel_loop3A_100 = vector.broadcast %parallel_loop3A_99 : i32 to vector<16xi32>
        %parallel_loop3A_101 = arith.addi %mul3A_78, %parallel_loop3A_100 : vector<16xi32>
        tpu.vector_store_idx %arg7[%parallel_loop3A_101], %parallel_loop3A_97 : memref<2048xf32, #tpu.memory_space<vmem>>[vector<16xi32>], vector<16xf32>,
        %parallel_loop3A_102 = arith.index_cast %parallel_loop3A_94 : i32 to index
        %parallel_loop3A_103 = arith.constant 16 : index
        %parallel_loop3A_104 = tpu.vector_load %arg5[%parallel_loop3A_102, %parallel_loop3A_103] {strides = array<i32>} : memref<16x128xf32, #tpu.memory_space<vmem>>, vector<16xf32>,
        %parallel_loop3A_105 = arith.constant 256 : i32
        %parallel_loop3A_106 = arith.addi %parallel_loop3A_105, %parallel_loop3A_94 : i32
        %parallel_loop3A_107 = vector.broadcast %parallel_loop3A_106 : i32 to vector<16xi32>
        %parallel_loop3A_108 = arith.addi %mul3A_78, %parallel_loop3A_107 : vector<16xi32>
        tpu.vector_store_idx %arg7[%parallel_loop3A_108], %parallel_loop3A_104 : memref<2048xf32, #tpu.memory_space<vmem>>[vector<16xi32>], vector<16xf32>,
        %parallel_loop3A_109 = arith.index_cast %parallel_loop3A_94 : i32 to index
        %parallel_loop3A_110 = arith.constant 32 : index
        %parallel_loop3A_111 = tpu.vector_load %arg5[%parallel_loop3A_109, %parallel_loop3A_110] {strides = array<i32>} : memref<16x128xf32, #tpu.memory_space<vmem>>, vector<16xf32>,
        %parallel_loop3A_112 = arith.constant 512 : i32
        %parallel_loop3A_113 = arith.addi %parallel_loop3A_112, %parallel_loop3A_94 : i32
        %parallel_loop3A_114 = vector.broadcast %parallel_loop3A_113 : i32 to vector<16xi32>
        %parallel_loop3A_115 = arith.addi %mul3A_78, %parallel_loop3A_114 : vector<16xi32>
        tpu.vector_store_idx %arg7[%parallel_loop3A_115], %parallel_loop3A_111 : memref<2048xf32, #tpu.memory_space<vmem>>[vector<16xi32>], vector<16xf32>,
        %parallel_loop3A_116 = arith.index_cast %parallel_loop3A_94 : i32 to index
        %parallel_loop3A_117 = arith.constant 48 : index
        %parallel_loop3A_118 = tpu.vector_load %arg5[%parallel_loop3A_116, %parallel_loop3A_117] {strides = array<i32>} : memref<16x128xf32, #tpu.memory_space<vmem>>, vector<16xf32>,
        %parallel_loop3A_119 = arith.constant 768 : i32
        %parallel_loop3A_120 = arith.addi %parallel_loop3A_119, %parallel_loop3A_94 : i32
        %parallel_loop3A_121 = vector.broadcast %parallel_loop3A_120 : i32 to vector<16xi32>
        %parallel_loop3A_122 = arith.addi %mul3A_78, %parallel_loop3A_121 : vector<16xi32>
        tpu.vector_store_idx %arg7[%parallel_loop3A_122], %parallel_loop3A_118 : memref<2048xf32, #tpu.memory_space<vmem>>[vector<16xi32>], vector<16xf32>,
        %parallel_loop3A_123 = arith.index_cast %parallel_loop3A_94 : i32 to index
        %parallel_loop3A_124 = arith.constant 64 : index
        %parallel_loop3A_125 = tpu.vector_load %arg5[%parallel_loop3A_123, %parallel_loop3A_124] {strides = array<i32>} : memref<16x128xf32, #tpu.memory_space<vmem>>, vector<16xf32>,
        %parallel_loop3A_126 = arith.constant 1024 : i32
        %parallel_loop3A_127 = arith.addi %parallel_loop3A_126, %parallel_loop3A_94 : i32
        %parallel_loop3A_128 = vector.broadcast %parallel_loop3A_127 : i32 to vector<16xi32>
        %parallel_loop3A_129 = arith.addi %mul3A_78, %parallel_loop3A_128 : vector<16xi32>
        tpu.vector_store_idx %arg7[%parallel_loop3A_129], %parallel_loop3A_125 : memref<2048xf32, #tpu.memory_space<vmem>>[vector<16xi32>], vector<16xf32>,
        %parallel_loop3A_130 = arith.index_cast %parallel_loop3A_94 : i32 to index
        %parallel_loop3A_131 = arith.constant 80 : index
        %parallel_loop3A_132 = tpu.vector_load %arg5[%parallel_loop3A_130, %parallel_loop3A_131] {strides = array<i32>} : memref<16x128xf32, #tpu.memory_space<vmem>>, vector<16xf32>,
        %parallel_loop3A_133 = arith.constant 1280 : i32
        %parallel_loop3A_134 = arith.addi %parallel_loop3A_133, %parallel_loop3A_94 : i32
        %parallel_loop3A_135 = vector.broadcast %parallel_loop3A_134 : i32 to vector<16xi32>
        %parallel_loop3A_136 = arith.addi %mul3A_78, %parallel_loop3A_135 : vector<16xi32>
        tpu.vector_store_idx %arg7[%parallel_loop3A_136], %parallel_loop3A_132 : memref<2048xf32, #tpu.memory_space<vmem>>[vector<16xi32>], vector<16xf32>,
        %parallel_loop3A_137 = arith.index_cast %parallel_loop3A_94 : i32 to index
        %parallel_loop3A_138 = arith.constant 96 : index
        %parallel_loop3A_139 = tpu.vector_load %arg5[%parallel_loop3A_137, %parallel_loop3A_138] {strides = array<i32>} : memref<16x128xf32, #tpu.memory_space<vmem>>, vector<16xf32>,
        %parallel_loop3A_140 = arith.constant 1536 : i32
        %parallel_loop3A_141 = arith.addi %parallel_loop3A_140, %parallel_loop3A_94 : i32
        %parallel_loop3A_142 = vector.broadcast %parallel_loop3A_141 : i32 to vector<16xi32>
        %parallel_loop3A_143 = arith.addi %mul3A_78, %parallel_loop3A_142 : vector<16xi32>
        tpu.vector_store_idx %arg7[%parallel_loop3A_143], %parallel_loop3A_139 : memref<2048xf32, #tpu.memory_space<vmem>>[vector<16xi32>], vector<16xf32>,
        %parallel_loop3A_144 = arith.index_cast %parallel_loop3A_94 : i32 to index
        %parallel_loop3A_145 = arith.constant 112 : index
        %parallel_loop3A_146 = tpu.vector_load %arg5[%parallel_loop3A_144, %parallel_loop3A_145] {strides = array<i32>} : memref<16x128xf32, #tpu.memory_space<vmem>>, vector<16xf32>,
        %parallel_loop3A_147 = arith.constant 1792 : i32
        %parallel_loop3A_148 = arith.addi %parallel_loop3A_147, %parallel_loop3A_94 : i32
        %parallel_loop3A_149 = vector.broadcast %parallel_loop3A_148 : i32 to vector<16xi32>
        %parallel_loop3A_150 = arith.addi %mul3A_78, %parallel_loop3A_149 : vector<16xi32>
        tpu.vector_store_idx %arg7[%parallel_loop3A_150], %parallel_loop3A_146 : memref<2048xf32, #tpu.memory_space<vmem>>[vector<16xi32>], vector<16xf32>,
      } {sc.loop_unroll_factor = 8 : i64, sc.parallel_access}
      %mul3A_82 = arith.constant 32 : i32
      %mul3A_83 = arith.muli %add3A_64, %mul3A_82 : i32
      %add3A_84 = arith.addi %mul3A_83, %add3A : i32
      %mul3A_85 = arith.constant 2048 : i32
      %mul3A_86 = arith.muli %add3A_84, %mul3A_85 : i32
      %dma_start3A_87 = tpu.memref_slice %arg3[%mul3A_86] : memref<16001024xf32, #tpu.memory_space<hbm>> -> memref<2048xf32, #tpu.memory_space<hbm>>
      %dma_start3A_88 = tpu.memref_slice %arg3[%mul3A_86] : memref<16001024xf32, #tpu.memory_space<hbm>> -> memref<2048xf32, #tpu.memory_space<hbm>>
      tpu.enqueue_dma source(%arg7 : memref<2048xf32, #tpu.memory_space<vmem>>) target(%dma_start3A_88 : memref<2048xf32, #tpu.memory_space<hbm>>) target_semaphore(%arg9 : memref<!tpu.dma_semaphore, #tpu.memory_space<semaphore_mem>>)
      %le3A_89 = arith.constant 120 : i32
      %le3A_90 = arith.cmpi sle, %scan3A_30, %le3A_89 : i32
      %convert_element_type3A_91 = arith.extui %le3A_90 : i1 to i32
      %cond3A_92 = arith.constant 0 : i32
      %cond3A_93 = arith.cmpi ne, %convert_element_type3A_91, %cond3A_92 : i32
      scf.if %cond3A_93 {
        %add3A_94 = arith.constant 2 : i32
        %add3A_95 = arith.addi %add3A_64, %add3A_94 : i32
        %mul3A_96 = arith.constant 32 : i32
        %mul3A_97 = arith.muli %add3A_95, %mul3A_96 : i32
        %add3A_98 = arith.addi %mul3A_97, %add3A : i32
        %mul3A_99 = arith.constant 128 : i32
        %mul3A_100 = arith.muli %add3A_98, %mul3A_99 : i32
        %dma_start3A_101 = arith.constant 0 : i32
        %dma_start3A_102 = tpu.memref_slice %arg2[%dma_start3A_101, %mul3A_100] : memref<16x1000000xf32, #tpu.memory_space<hbm>> -> memref<16x128xf32, #tpu.memory_space<hbm>>
        %dma_start3A_103 = arith.constant 0 : i32
        %dma_start3A_104 = tpu.memref_slice %arg2[%dma_start3A_103, %mul3A_100] : memref<16x1000000xf32, #tpu.memory_space<hbm>> -> memref<16x128xf32, #tpu.memory_space<hbm>>
        tpu.enqueue_dma source(%dma_start3A_104 : memref<16x128xf32, #tpu.memory_space<hbm>>) target(%arg5 : memref<16x128xf32, #tpu.memory_space<vmem>>) target_semaphore(%arg8 : memref<!tpu.dma_semaphore, #tpu.memory_space<semaphore_mem>>)
      } else {
      }
    }
    %scan3A_20 = arith.constant 122 : i32
    %dma_wait3A = arith.constant 0 : i32
    %dma_wait3A_21 = tpu.memref_slice %arg3[%dma_wait3A] : memref<16001024xf32, #tpu.memory_space<hbm>> -> memref<2048xf32, #tpu.memory_space<hbm>>
    %dma_wait3A_22 = arith.constant 0 : i32
    %dma_wait3A_23 = tpu.memref_slice %arg3[%dma_wait3A_22] : memref<16001024xf32, #tpu.memory_space<hbm>> -> memref<2048xf32, #tpu.memory_space<hbm>>
    tpu.wait_dma2 semaphore(%arg9 : memref<!tpu.dma_semaphore, #tpu.memory_space<semaphore_mem>>) src(%arg6 : memref<2048xf32, #tpu.memory_space<vmem>>) dst(%dma_wait3A_23 : memref<2048xf32, #tpu.memory_space<hbm>>)
    %dma_wait3A_24 = arith.constant 0 : i32
    %dma_wait3A_25 = tpu.memref_slice %arg3[%dma_wait3A_24] : memref<16001024xf32, #tpu.memory_space<hbm>> -> memref<2048xf32, #tpu.memory_space<hbm>>
    %dma_wait3A_26 = arith.constant 0 : i32
    %dma_wait3A_27 = tpu.memref_slice %arg3[%dma_wait3A_26] : memref<16001024xf32, #tpu.memory_space<hbm>> -> memref<2048xf32, #tpu.memory_space<hbm>>
    tpu.wait_dma2 semaphore(%arg9 : memref<!tpu.dma_semaphore, #tpu.memory_space<semaphore_mem>>) src(%arg7 : memref<2048xf32, #tpu.memory_space<vmem>>) dst(%dma_wait3A_27 : memref<2048xf32, #tpu.memory_space<hbm>>)
    %lt3A = arith.constant 5 : i32
    %lt3A_28 = arith.cmpi slt, %add3A, %lt3A : i32
    %convert_element_type3A = arith.extui %lt3A_28 : i1 to i32
    %cond3A = arith.constant 0 : i32
    %cond3A_29 = arith.cmpi ne, %convert_element_type3A, %cond3A : i32
    scf.if %cond3A_29 {
      %add3A_30 = arith.constant 7808 : i32
      %add3A_31 = arith.addi %add3A_30, %add3A : i32
      %mul3A_32 = arith.constant 128 : i32
      %mul3A_33 = arith.muli %add3A_31, %mul3A_32 : i32
      "tpu.region"() ({
        %run_scoped3A = tpu.sem_alloc : memref<!tpu.dma_semaphore, #tpu.memory_space<semaphore_mem>>
        %dma_start3A_41 = arith.constant 0 : i32
        %dma_start3A_42 = tpu.memref_slice %arg2[%dma_start3A_41, %mul3A_33] : memref<16x1000000xf32, #tpu.memory_space<hbm>> -> memref<16x128xf32, #tpu.memory_space<hbm>>
        %dma_start3A_43 = arith.constant 0 : i32
        %dma_start3A_44 = tpu.memref_slice %arg2[%dma_start3A_43, %mul3A_33] : memref<16x1000000xf32, #tpu.memory_space<hbm>> -> memref<16x128xf32, #tpu.memory_space<hbm>>
        tpu.enqueue_dma source(%dma_start3A_44 : memref<16x128xf32, #tpu.memory_space<hbm>>) target(%arg4 : memref<16x128xf32, #tpu.memory_space<vmem>>) target_semaphore(%run_scoped3A : memref<!tpu.dma_semaphore, #tpu.memory_space<semaphore_mem>>)
        %dma_wait3A_45 = arith.constant 0 : i32
        %dma_wait3A_46 = tpu.memref_slice %arg2[%dma_wait3A_45, %mul3A_33] : memref<16x1000000xf32, #tpu.memory_space<hbm>> -> memref<16x128xf32, #tpu.memory_space<hbm>>
        %dma_wait3A_47 = arith.constant 0 : i32
        %dma_wait3A_48 = tpu.memref_slice %arg2[%dma_wait3A_47, %mul3A_33] : memref<16x1000000xf32, #tpu.memory_space<hbm>> -> memref<16x128xf32, #tpu.memory_space<hbm>>
        tpu.wait_dma2 semaphore(%run_scoped3A : memref<!tpu.dma_semaphore, #tpu.memory_space<semaphore_mem>>) src(%dma_wait3A_48 : memref<16x128xf32, #tpu.memory_space<hbm>>) dst(%arg4 : memref<16x128xf32, #tpu.memory_space<vmem>>)
        tpu.yield
      }) : () -> ()
      %mul3A_34 = arith.constant 16 : i32
      %mul3A_35 = vector.broadcast %mul3A_34 : i32 to vector<16xi32>
      %mul3A_36 = arith.muli %iota3A, %mul3A_35 : vector<16xi32>
      %parallel_loop3A = arith.constant 0 : i32
      %parallel_loop3A_37 = arith.constant 16 : i32
      %parallel_loop3A_38 = arith.constant 1 : i32
      scf.for %parallel_loop3A_41 = %parallel_loop3A to %parallel_loop3A_37 step %parallel_loop3A_38  : i32 {
        %parallel_loop3A_42 = arith.index_cast %parallel_loop3A_41 : i32 to index
        %parallel_loop3A_43 = arith.constant 0 : index
        %parallel_loop3A_44 = tpu.vector_load %arg4[%parallel_loop3A_42, %parallel_loop3A_43] {strides = array<i32>} : memref<16x128xf32, #tpu.memory_space<vmem>>, vector<16xf32>,
        %parallel_loop3A_45 = arith.constant 0 : i32
        %parallel_loop3A_46 = arith.addi %parallel_loop3A_45, %parallel_loop3A_41 : i32
        %parallel_loop3A_47 = vector.broadcast %parallel_loop3A_46 : i32 to vector<16xi32>
        %parallel_loop3A_48 = arith.addi %mul3A_36, %parallel_loop3A_47 : vector<16xi32>
        tpu.vector_store_idx %arg6[%parallel_loop3A_48], %parallel_loop3A_44 : memref<2048xf32, #tpu.memory_space<vmem>>[vector<16xi32>], vector<16xf32>,
        %parallel_loop3A_49 = arith.index_cast %parallel_loop3A_41 : i32 to index
        %parallel_loop3A_50 = arith.constant 16 : index
        %parallel_loop3A_51 = tpu.vector_load %arg4[%parallel_loop3A_49, %parallel_loop3A_50] {strides = array<i32>} : memref<16x128xf32, #tpu.memory_space<vmem>>, vector<16xf32>,
        %parallel_loop3A_52 = arith.constant 256 : i32
        %parallel_loop3A_53 = arith.addi %parallel_loop3A_52, %parallel_loop3A_41 : i32
        %parallel_loop3A_54 = vector.broadcast %parallel_loop3A_53 : i32 to vector<16xi32>
        %parallel_loop3A_55 = arith.addi %mul3A_36, %parallel_loop3A_54 : vector<16xi32>
        tpu.vector_store_idx %arg6[%parallel_loop3A_55], %parallel_loop3A_51 : memref<2048xf32, #tpu.memory_space<vmem>>[vector<16xi32>], vector<16xf32>,
        %parallel_loop3A_56 = arith.index_cast %parallel_loop3A_41 : i32 to index
        %parallel_loop3A_57 = arith.constant 32 : index
        %parallel_loop3A_58 = tpu.vector_load %arg4[%parallel_loop3A_56, %parallel_loop3A_57] {strides = array<i32>} : memref<16x128xf32, #tpu.memory_space<vmem>>, vector<16xf32>,
        %parallel_loop3A_59 = arith.constant 512 : i32
        %parallel_loop3A_60 = arith.addi %parallel_loop3A_59, %parallel_loop3A_41 : i32
        %parallel_loop3A_61 = vector.broadcast %parallel_loop3A_60 : i32 to vector<16xi32>
        %parallel_loop3A_62 = arith.addi %mul3A_36, %parallel_loop3A_61 : vector<16xi32>
        tpu.vector_store_idx %arg6[%parallel_loop3A_62], %parallel_loop3A_58 : memref<2048xf32, #tpu.memory_space<vmem>>[vector<16xi32>], vector<16xf32>,
        %parallel_loop3A_63 = arith.index_cast %parallel_loop3A_41 : i32 to index
        %parallel_loop3A_64 = arith.constant 48 : index
        %parallel_loop3A_65 = tpu.vector_load %arg4[%parallel_loop3A_63, %parallel_loop3A_64] {strides = array<i32>} : memref<16x128xf32, #tpu.memory_space<vmem>>, vector<16xf32>,
        %parallel_loop3A_66 = arith.constant 768 : i32
        %parallel_loop3A_67 = arith.addi %parallel_loop3A_66, %parallel_loop3A_41 : i32
        %parallel_loop3A_68 = vector.broadcast %parallel_loop3A_67 : i32 to vector<16xi32>
        %parallel_loop3A_69 = arith.addi %mul3A_36, %parallel_loop3A_68 : vector<16xi32>
        tpu.vector_store_idx %arg6[%parallel_loop3A_69], %parallel_loop3A_65 : memref<2048xf32, #tpu.memory_space<vmem>>[vector<16xi32>], vector<16xf32>,
        %parallel_loop3A_70 = arith.index_cast %parallel_loop3A_41 : i32 to index
        %parallel_loop3A_71 = arith.constant 64 : index
        %parallel_loop3A_72 = tpu.vector_load %arg4[%parallel_loop3A_70, %parallel_loop3A_71] {strides = array<i32>} : memref<16x128xf32, #tpu.memory_space<vmem>>, vector<16xf32>,
        %parallel_loop3A_73 = arith.constant 1024 : i32
        %parallel_loop3A_74 = arith.addi %parallel_loop3A_73, %parallel_loop3A_41 : i32
        %parallel_loop3A_75 = vector.broadcast %parallel_loop3A_74 : i32 to vector<16xi32>
        %parallel_loop3A_76 = arith.addi %mul3A_36, %parallel_loop3A_75 : vector<16xi32>
        tpu.vector_store_idx %arg6[%parallel_loop3A_76], %parallel_loop3A_72 : memref<2048xf32, #tpu.memory_space<vmem>>[vector<16xi32>], vector<16xf32>,
        %parallel_loop3A_77 = arith.index_cast %parallel_loop3A_41 : i32 to index
        %parallel_loop3A_78 = arith.constant 80 : index
        %parallel_loop3A_79 = tpu.vector_load %arg4[%parallel_loop3A_77, %parallel_loop3A_78] {strides = array<i32>} : memref<16x128xf32, #tpu.memory_space<vmem>>, vector<16xf32>,
        %parallel_loop3A_80 = arith.constant 1280 : i32
        %parallel_loop3A_81 = arith.addi %parallel_loop3A_80, %parallel_loop3A_41 : i32
        %parallel_loop3A_82 = vector.broadcast %parallel_loop3A_81 : i32 to vector<16xi32>
        %parallel_loop3A_83 = arith.addi %mul3A_36, %parallel_loop3A_82 : vector<16xi32>
        tpu.vector_store_idx %arg6[%parallel_loop3A_83], %parallel_loop3A_79 : memref<2048xf32, #tpu.memory_space<vmem>>[vector<16xi32>], vector<16xf32>,
        %parallel_loop3A_84 = arith.index_cast %parallel_loop3A_41 : i32 to index
        %parallel_loop3A_85 = arith.constant 96 : index
        %parallel_loop3A_86 = tpu.vector_load %arg4[%parallel_loop3A_84, %parallel_loop3A_85] {strides = array<i32>} : memref<16x128xf32, #tpu.memory_space<vmem>>, vector<16xf32>,
        %parallel_loop3A_87 = arith.constant 1536 : i32
        %parallel_loop3A_88 = arith.addi %parallel_loop3A_87, %parallel_loop3A_41 : i32
        %parallel_loop3A_89 = vector.broadcast %parallel_loop3A_88 : i32 to vector<16xi32>
        %parallel_loop3A_90 = arith.addi %mul3A_36, %parallel_loop3A_89 : vector<16xi32>
        tpu.vector_store_idx %arg6[%parallel_loop3A_90], %parallel_loop3A_86 : memref<2048xf32, #tpu.memory_space<vmem>>[vector<16xi32>], vector<16xf32>,
        %parallel_loop3A_91 = arith.index_cast %parallel_loop3A_41 : i32 to index
        %parallel_loop3A_92 = arith.constant 112 : index
        %parallel_loop3A_93 = tpu.vector_load %arg4[%parallel_loop3A_91, %parallel_loop3A_92] {strides = array<i32>} : memref<16x128xf32, #tpu.memory_space<vmem>>, vector<16xf32>,
        %parallel_loop3A_94 = arith.constant 1792 : i32
        %parallel_loop3A_95 = arith.addi %parallel_loop3A_94, %parallel_loop3A_41 : i32
        %parallel_loop3A_96 = vector.broadcast %parallel_loop3A_95 : i32 to vector<16xi32>
        %parallel_loop3A_97 = arith.addi %mul3A_36, %parallel_loop3A_96 : vector<16xi32>
        tpu.vector_store_idx %arg6[%parallel_loop3A_97], %parallel_loop3A_93 : memref<2048xf32, #tpu.memory_space<vmem>>[vector<16xi32>], vector<16xf32>,
      } {sc.loop_unroll_factor = 8 : i64, sc.parallel_access}
      %mul3A_39 = arith.constant 2048 : i32
      %mul3A_40 = arith.muli %add3A_31, %mul3A_39 : i32
      "tpu.region"() ({
        %run_scoped3A = tpu.sem_alloc : memref<!tpu.dma_semaphore, #tpu.memory_space<semaphore_mem>>
        %dma_start3A_41 = tpu.memref_slice %arg3[%mul3A_40] : memref<16001024xf32, #tpu.memory_space<hbm>> -> memref<2048xf32, #tpu.memory_space<hbm>>
        %dma_start3A_42 = tpu.memref_slice %arg3[%mul3A_40] : memref<16001024xf32, #tpu.memory_space<hbm>> -> memref<2048xf32, #tpu.memory_space<hbm>>
        tpu.enqueue_dma source(%arg6 : memref<2048xf32, #tpu.memory_space<vmem>>) target(%dma_start3A_42 : memref<2048xf32, #tpu.memory_space<hbm>>) target_semaphore(%run_scoped3A : memref<!tpu.dma_semaphore, #tpu.memory_space<semaphore_mem>>)
        %dma_wait3A_43 = tpu.memref_slice %arg3[%mul3A_40] : memref<16001024xf32, #tpu.memory_space<hbm>> -> memref<2048xf32, #tpu.memory_space<hbm>>
        %dma_wait3A_44 = tpu.memref_slice %arg3[%mul3A_40] : memref<16001024xf32, #tpu.memory_space<hbm>> -> memref<2048xf32, #tpu.memory_space<hbm>>
        tpu.wait_dma2 semaphore(%run_scoped3A : memref<!tpu.dma_semaphore, #tpu.memory_space<semaphore_mem>>) src(%arg6 : memref<2048xf32, #tpu.memory_space<vmem>>) dst(%dma_wait3A_44 : memref<2048xf32, #tpu.memory_space<hbm>>)
        tpu.yield
      }) : () -> ()
    } else {
    }
    return
  }
}

module attributes {stable_mosaic.version = 14 : i64} {
  func.func @_stats_kernel(%arg0: i32, %arg1: memref<8192x128xf32, #tpu.memory_space<vmem>>, %arg2: memref<4x128xf32, #tpu.memory_space<vmem>>, %arg3: memref<4x128xf32, #tpu.memory_space<vmem>>, %arg4: memref<4x128xf32, #tpu.memory_space<vmem>>, %arg5: memref<4x128xf32, #tpu.memory_space<vmem>>, %arg6: memref<4x128xf32, #tpu.memory_space<vmem>>, %arg7: memref<4x128xf32, #tpu.memory_space<vmem>>) attributes {dimension_semantics = [#tpu.dimension_semantics<arbitrary>], iteration_bounds = array<i64: 8>, scalar_prefetch = 0 : i64, scratch_operands = 2 : i64, tpu.core_type = #tpu.core_type<tc>, window_params = [{transform_indices = @transform_0, window_bounds = array<i64: 8192, 128>}, {pipeline_mode = #tpu.pipeline_mode<synchronous>, transform_indices = @transform_1, window_bounds = array<i64: 4, 128>}, {pipeline_mode = #tpu.pipeline_mode<synchronous>, transform_indices = @transform_2, window_bounds = array<i64: 4, 128>}, {pipeline_mode = #tpu.pipeline_mode<synchronous>, transform_indices = @transform_3, window_bounds = array<i64: 4, 128>}, {pipeline_mode = #tpu.pipeline_mode<synchronous>, transform_indices = @transform_4, window_bounds = array<i64: 4, 128>}]} {
    %get3A = arith.constant 0 : index
    %get3A_0 = arith.constant 0 : index
    %get3A_1 = vector.load %arg1[%get3A, %get3A_0] : memref<8192x128xf32, #tpu.memory_space<vmem>>, vector<8192x128xf32>
    %reshape3A = vector.shape_cast %get3A_1 : vector<8192x128xf32> to vector<256x4x8x128xf32>
    %reduce_sum3A = arith.constant dense<0.000000e+00> : vector<4x128xf32>
    %reduce_sum3A_2 = vector.multi_reduction <add>, %reshape3A, %reduce_sum3A [0, 2] : vector<256x4x8x128xf32> to vector<4x128xf32>
    %mul3A = arith.mulf %reshape3A, %reshape3A : vector<256x4x8x128xf32>
    %reduce_sum3A_3 = arith.constant dense<0.000000e+00> : vector<4x128xf32>
    %reduce_sum3A_4 = vector.multi_reduction <add>, %mul3A, %reduce_sum3A_3 [0, 2] : vector<256x4x8x128xf32> to vector<4x128xf32>
    %eq3A = arith.constant 0 : i32
    %eq3A_5 = arith.cmpi eq, %arg0, %eq3A : i32
    %convert_element_type3A = arith.extui %eq3A_5 : i1 to i32
    %cond3A = arith.constant 0 : i32
    %cond3A_6 = arith.cmpi ne, %convert_element_type3A, %cond3A : i32
    scf.if %cond3A_6 {
      %swap3A = arith.constant 0 : index
      %swap3A_16 = arith.constant 0 : index
      %swap3A_17 = vector.load %arg6[%swap3A, %swap3A_16] : memref<4x128xf32, #tpu.memory_space<vmem>>, vector<4x128xf32>
      tpu.vector_store %arg6[%swap3A, %swap3A_16], %reduce_sum3A_2 {strides = array<i32>} : memref<4x128xf32, #tpu.memory_space<vmem>>, vector<4x128xf32>,
      %swap3A_18 = arith.constant 0 : index
      %swap3A_19 = arith.constant 0 : index
      %swap3A_20 = vector.load %arg7[%swap3A_18, %swap3A_19] : memref<4x128xf32, #tpu.memory_space<vmem>>, vector<4x128xf32>
      tpu.vector_store %arg7[%swap3A_18, %swap3A_19], %reduce_sum3A_4 {strides = array<i32>} : memref<4x128xf32, #tpu.memory_space<vmem>>, vector<4x128xf32>,
    } else {
    }
    %gt3A = arith.constant 0 : i32
    %gt3A_7 = arith.cmpi sgt, %arg0, %gt3A : i32
    %convert_element_type3A_8 = arith.extui %gt3A_7 : i1 to i32
    %cond3A_9 = arith.constant 0 : i32
    %cond3A_10 = arith.cmpi ne, %convert_element_type3A_8, %cond3A_9 : i32
    scf.if %cond3A_10 {
      %get3A_16 = arith.constant 0 : index
      %get3A_17 = arith.constant 0 : index
      %get3A_18 = vector.load %arg6[%get3A_16, %get3A_17] : memref<4x128xf32, #tpu.memory_space<vmem>>, vector<4x128xf32>
      %add3A = arith.addf %get3A_18, %reduce_sum3A_2 : vector<4x128xf32>
      %swap3A = arith.constant 0 : index
      %swap3A_19 = arith.constant 0 : index
      %swap3A_20 = vector.load %arg6[%swap3A, %swap3A_19] : memref<4x128xf32, #tpu.memory_space<vmem>>, vector<4x128xf32>
      tpu.vector_store %arg6[%swap3A, %swap3A_19], %add3A {strides = array<i32>} : memref<4x128xf32, #tpu.memory_space<vmem>>, vector<4x128xf32>,
      %get3A_21 = arith.constant 0 : index
      %get3A_22 = arith.constant 0 : index
      %get3A_23 = vector.load %arg7[%get3A_21, %get3A_22] : memref<4x128xf32, #tpu.memory_space<vmem>>, vector<4x128xf32>
      %add3A_24 = arith.addf %get3A_23, %reduce_sum3A_4 : vector<4x128xf32>
      %swap3A_25 = arith.constant 0 : index
      %swap3A_26 = arith.constant 0 : index
      %swap3A_27 = vector.load %arg7[%swap3A_25, %swap3A_26] : memref<4x128xf32, #tpu.memory_space<vmem>>, vector<4x128xf32>
      tpu.vector_store %arg7[%swap3A_25, %swap3A_26], %add3A_24 {strides = array<i32>} : memref<4x128xf32, #tpu.memory_space<vmem>>, vector<4x128xf32>,
    } else {
    }
    %eq3A_11 = arith.constant 7 : i32
    %eq3A_12 = arith.cmpi eq, %arg0, %eq3A_11 : i32
    %convert_element_type3A_13 = arith.extui %eq3A_12 : i1 to i32
    %cond3A_14 = arith.constant 0 : i32
    %cond3A_15 = arith.cmpi ne, %convert_element_type3A_13, %cond3A_14 : i32
    scf.if %cond3A_15 {
      %get3A_16 = arith.constant 0 : index
      %get3A_17 = arith.constant 0 : index
      %get3A_18 = vector.load %arg6[%get3A_16, %get3A_17] : memref<4x128xf32, #tpu.memory_space<vmem>>, vector<4x128xf32>
      %mul3A_19 = arith.constant 6.10351563E-5 : f32
      %mul3A_20 = vector.broadcast %mul3A_19 : f32 to vector<4x128xf32>
      %mul3A_21 = arith.mulf %get3A_18, %mul3A_20 : vector<4x128xf32>
      %get3A_22 = arith.constant 0 : index
      %get3A_23 = arith.constant 0 : index
      %get3A_24 = vector.load %arg7[%get3A_22, %get3A_23] : memref<4x128xf32, #tpu.memory_space<vmem>>, vector<4x128xf32>
      %mul3A_25 = arith.constant 6.10351563E-5 : f32
      %mul3A_26 = vector.broadcast %mul3A_25 : f32 to vector<4x128xf32>
      %mul3A_27 = arith.mulf %get3A_24, %mul3A_26 : vector<4x128xf32>
      %mul3A_28 = arith.mulf %mul3A_21, %mul3A_21 : vector<4x128xf32>
      %sub3A = arith.subf %mul3A_27, %mul3A_28 : vector<4x128xf32>
      %add3A = arith.constant 9.99999974E-6 : f32
      %add3A_29 = vector.broadcast %add3A : f32 to vector<4x128xf32>
      %add3A_30 = arith.addf %sub3A, %add3A_29 : vector<4x128xf32>
      %rsqrt3A = math.rsqrt %add3A_30 : vector<4x128xf32>
      %get3A_31 = arith.constant 0 : index
      %get3A_32 = arith.constant 0 : index
      %get3A_33 = vector.load %arg2[%get3A_31, %get3A_32] : memref<4x128xf32, #tpu.memory_space<vmem>>, vector<4x128xf32>
      %mul3A_34 = arith.mulf %get3A_33, %rsqrt3A : vector<4x128xf32>
      %swap3A = arith.constant 0 : index
      %swap3A_35 = arith.constant 0 : index
      %swap3A_36 = vector.load %arg4[%swap3A, %swap3A_35] : memref<4x128xf32, #tpu.memory_space<vmem>>, vector<4x128xf32>
      tpu.vector_store %arg4[%swap3A, %swap3A_35], %mul3A_34 {strides = array<i32>} : memref<4x128xf32, #tpu.memory_space<vmem>>, vector<4x128xf32>,
      %get3A_37 = arith.constant 0 : index
      %get3A_38 = arith.constant 0 : index
      %get3A_39 = vector.load %arg3[%get3A_37, %get3A_38] : memref<4x128xf32, #tpu.memory_space<vmem>>, vector<4x128xf32>
      %mul3A_40 = arith.mulf %mul3A_21, %mul3A_34 : vector<4x128xf32>
      %sub3A_41 = arith.subf %get3A_39, %mul3A_40 : vector<4x128xf32>
      %swap3A_42 = arith.constant 0 : index
      %swap3A_43 = arith.constant 0 : index
      %swap3A_44 = vector.load %arg5[%swap3A_42, %swap3A_43] : memref<4x128xf32, #tpu.memory_space<vmem>>, vector<4x128xf32>
      tpu.vector_store %arg5[%swap3A_42, %swap3A_43], %sub3A_41 {strides = array<i32>} : memref<4x128xf32, #tpu.memory_space<vmem>>, vector<4x128xf32>,
    } else {
    }
    return
  }
  func.func @transform_0(%arg0: i32) -> (i32, i32) {
    %c0_i32 = arith.constant 0 : i32
    %c0_i32_0 = arith.constant 0 : i32
    return %arg0, %c0_i32 : i32, i32
  }
  func.func @transform_1(%arg0: i32) -> (i32, i32) {
    %c0_i32 = arith.constant 0 : i32
    %c0_i32_0 = arith.constant 0 : i32
    %c0_i32_1 = arith.constant 0 : i32
    return %c0_i32, %c0_i32_0 : i32, i32
  }
  func.func @transform_2(%arg0: i32) -> (i32, i32) {
    %c0_i32 = arith.constant 0 : i32
    %c0_i32_0 = arith.constant 0 : i32
    %c0_i32_1 = arith.constant 0 : i32
    return %c0_i32, %c0_i32_0 : i32, i32
  }
  func.func @transform_3(%arg0: i32) -> (i32, i32) {
    %c0_i32 = arith.constant 0 : i32
    %c0_i32_0 = arith.constant 0 : i32
    %c0_i32_1 = arith.constant 0 : i32
    return %c0_i32, %c0_i32_0 : i32, i32
  }
  func.func @transform_4(%arg0: i32) -> (i32, i32) {
    %c0_i32 = arith.constant 0 : i32
    %c0_i32_0 = arith.constant 0 : i32
    %c0_i32_1 = arith.constant 0 : i32
    return %c0_i32, %c0_i32_0 : i32, i32
  }
}

module attributes {stable_mosaic.version = 14 : i64} {
  func.func @_mlp_kernel(%arg0: i32, %arg1: memref<4096x128xf32, #tpu.memory_space<vmem>>, %arg2: memref<4x128xf32, #tpu.memory_space<vmem>>, %arg3: memref<4x128xf32, #tpu.memory_space<vmem>>, %arg4: memref<416x256xf32, #tpu.memory_space<vmem>>, %arg5: memref<1x256xf32, #tpu.memory_space<vmem>>, %arg6: memref<256x128xf32, #tpu.memory_space<vmem>>, %arg7: memref<1x128xf32, #tpu.memory_space<vmem>>, %arg8: memref<128x64xf32, #tpu.memory_space<vmem>>, %arg9: memref<1x64xf32, #tpu.memory_space<vmem>>, %arg10: memref<1024x64xf32, #tpu.memory_space<vmem>>) attributes {dimension_semantics = [#tpu.dimension_semantics<arbitrary>], iteration_bounds = array<i64: 16>, scalar_prefetch = 0 : i64, scratch_operands = 0 : i64, tpu.core_type = #tpu.core_type<tc>, window_params = [{transform_indices = @transform_0, window_bounds = array<i64: 4096, 128>}, {pipeline_mode = #tpu.pipeline_mode<synchronous>, transform_indices = @transform_1, window_bounds = array<i64: 4, 128>}, {pipeline_mode = #tpu.pipeline_mode<synchronous>, transform_indices = @transform_2, window_bounds = array<i64: 4, 128>}, {pipeline_mode = #tpu.pipeline_mode<synchronous>, transform_indices = @transform_3, window_bounds = array<i64: 416, 256>}, {pipeline_mode = #tpu.pipeline_mode<synchronous>, transform_indices = @transform_4, window_bounds = array<i64: 1, 256>}, {pipeline_mode = #tpu.pipeline_mode<synchronous>, transform_indices = @transform_5, window_bounds = array<i64: 256, 128>}, {pipeline_mode = #tpu.pipeline_mode<synchronous>, transform_indices = @transform_6, window_bounds = array<i64: 1, 128>}, {pipeline_mode = #tpu.pipeline_mode<synchronous>, transform_indices = @transform_7, window_bounds = array<i64: 128, 64>}, {pipeline_mode = #tpu.pipeline_mode<synchronous>, transform_indices = @transform_8, window_bounds = array<i64: 1, 64>}, {transform_indices = @transform_9, window_bounds = array<i64: 1024, 64>}]} {
    %get3A = arith.constant 0 : index
    %get3A_0 = arith.constant 0 : index
    %get3A_1 = vector.load %arg1[%get3A, %get3A_0] : memref<4096x128xf32, #tpu.memory_space<vmem>>, vector<4096x128xf32>
    %reshape3A = vector.shape_cast %get3A_1 : vector<4096x128xf32> to vector<128x4x8x128xf32>
    %get3A_2 = arith.constant 0 : index
    %get3A_3 = arith.constant 0 : index
    %get3A_4 = vector.load %arg2[%get3A_2, %get3A_3] : memref<4x128xf32, #tpu.memory_space<vmem>>, vector<4x128xf32>
    %broadcast_in_dim3A = vector.shape_cast %get3A_4 : vector<4x128xf32> to vector<1x4x1x128xf32>
    %mul3A = vector.broadcast %broadcast_in_dim3A : vector<1x4x1x128xf32> to vector<128x4x8x128xf32>
    %mul3A_5 = arith.mulf %reshape3A, %mul3A : vector<128x4x8x128xf32>
    %get3A_6 = arith.constant 0 : index
    %get3A_7 = arith.constant 0 : index
    %get3A_8 = vector.load %arg3[%get3A_6, %get3A_7] : memref<4x128xf32, #tpu.memory_space<vmem>>, vector<4x128xf32>
    %broadcast_in_dim3A_9 = vector.shape_cast %get3A_8 : vector<4x128xf32> to vector<1x4x1x128xf32>
    %add3A = vector.broadcast %broadcast_in_dim3A_9 : vector<1x4x1x128xf32> to vector<128x4x8x128xf32>
    %add3A_10 = arith.addf %mul3A_5, %add3A : vector<128x4x8x128xf32>
    %slice3A = vector.extract_strided_slice %add3A_10 {offsets = [0, 0, 0, 0], sizes = [128, 1, 8, 128], strides = [1, 1, 1, 1]} : vector<128x4x8x128xf32> to vector<128x1x8x128xf32>
    %squeeze3A = vector.shape_cast %slice3A : vector<128x1x8x128xf32> to vector<128x8x128xf32>
    %reshape3A_11 = vector.shape_cast %squeeze3A : vector<128x8x128xf32> to vector<1024x128xf32>
    %get3A_12 = arith.constant 0 : index
    %get3A_13 = arith.constant 0 : index
    %get3A_14 = vector.load %arg4[%get3A_12, %get3A_13] : memref<416x256xf32, #tpu.memory_space<vmem>>, vector<128x256xf32>
    %dot_general3A = arith.constant dense<0.000000e+00> : vector<1024x256xf32>
    %dot_general3A_15 = tpu.matmul %reshape3A_11, %get3A_14, %dot_general3A {dimension_numbers = #tpu.dot_dimension_numbers<[1], [0], [0], [1], [0, 0, 1, 1], [], []>, transpose_lhs_hint = false} : vector<1024x128xf32>, vector<128x256xf32>, vector<1024x256xf32> -> vector<1024x256xf32>
    %slice3A_16 = vector.extract_strided_slice %add3A_10 {offsets = [0, 1, 0, 0], sizes = [128, 1, 8, 128], strides = [1, 1, 1, 1]} : vector<128x4x8x128xf32> to vector<128x1x8x128xf32>
    %squeeze3A_17 = vector.shape_cast %slice3A_16 : vector<128x1x8x128xf32> to vector<128x8x128xf32>
    %reshape3A_18 = vector.shape_cast %squeeze3A_17 : vector<128x8x128xf32> to vector<1024x128xf32>
    %get3A_19 = arith.constant 128 : index
    %get3A_20 = arith.constant 0 : index
    %get3A_21 = vector.load %arg4[%get3A_19, %get3A_20] : memref<416x256xf32, #tpu.memory_space<vmem>>, vector<128x256xf32>
    %dot_general3A_22 = arith.constant dense<0.000000e+00> : vector<1024x256xf32>
    %dot_general3A_23 = tpu.matmul %reshape3A_18, %get3A_21, %dot_general3A_22 {dimension_numbers = #tpu.dot_dimension_numbers<[1], [0], [0], [1], [0, 0, 1, 1], [], []>, transpose_lhs_hint = false} : vector<1024x128xf32>, vector<128x256xf32>, vector<1024x256xf32> -> vector<1024x256xf32>
    %add3A_24 = arith.addf %dot_general3A_15, %dot_general3A_23 : vector<1024x256xf32>
    %slice3A_25 = vector.extract_strided_slice %add3A_10 {offsets = [0, 2, 0, 0], sizes = [128, 1, 8, 128], strides = [1, 1, 1, 1]} : vector<128x4x8x128xf32> to vector<128x1x8x128xf32>
    %squeeze3A_26 = vector.shape_cast %slice3A_25 : vector<128x1x8x128xf32> to vector<128x8x128xf32>
    %reshape3A_27 = vector.shape_cast %squeeze3A_26 : vector<128x8x128xf32> to vector<1024x128xf32>
    %get3A_28 = arith.constant 256 : index
    %get3A_29 = arith.constant 0 : index
    %get3A_30 = vector.load %arg4[%get3A_28, %get3A_29] : memref<416x256xf32, #tpu.memory_space<vmem>>, vector<128x256xf32>
    %dot_general3A_31 = arith.constant dense<0.000000e+00> : vector<1024x256xf32>
    %dot_general3A_32 = tpu.matmul %reshape3A_27, %get3A_30, %dot_general3A_31 {dimension_numbers = #tpu.dot_dimension_numbers<[1], [0], [0], [1], [0, 0, 1, 1], [], []>, transpose_lhs_hint = false} : vector<1024x128xf32>, vector<128x256xf32>, vector<1024x256xf32> -> vector<1024x256xf32>
    %add3A_33 = arith.addf %add3A_24, %dot_general3A_32 : vector<1024x256xf32>
    %slice3A_34 = vector.extract_strided_slice %add3A_10 {offsets = [0, 3, 0, 0], sizes = [128, 1, 8, 128], strides = [1, 1, 1, 1]} : vector<128x4x8x128xf32> to vector<128x1x8x128xf32>
    %squeeze3A_35 = vector.shape_cast %slice3A_34 : vector<128x1x8x128xf32> to vector<128x8x128xf32>
    %reshape3A_36 = vector.shape_cast %squeeze3A_35 : vector<128x8x128xf32> to vector<1024x128xf32>
    %slice3A_37 = vector.extract_strided_slice %reshape3A_36 {offsets = [0, 0], sizes = [1024, 32], strides = [1, 1]} : vector<1024x128xf32> to vector<1024x32xf32>
    %get3A_38 = arith.constant 384 : index
    %get3A_39 = arith.constant 0 : index
    %get3A_40 = vector.load %arg4[%get3A_38, %get3A_39] : memref<416x256xf32, #tpu.memory_space<vmem>>, vector<32x256xf32>
    %dot_general3A_41 = arith.constant dense<0.000000e+00> : vector<1024x256xf32>
    %dot_general3A_42 = tpu.matmul %slice3A_37, %get3A_40, %dot_general3A_41 {dimension_numbers = #tpu.dot_dimension_numbers<[1], [0], [0], [1], [0, 0, 1, 1], [], []>, transpose_lhs_hint = false} : vector<1024x32xf32>, vector<32x256xf32>, vector<1024x256xf32> -> vector<1024x256xf32>
    %add3A_43 = arith.addf %add3A_33, %dot_general3A_42 : vector<1024x256xf32>
    %get3A_44 = arith.constant 0 : index
    %get3A_45 = arith.constant 0 : index
    %get3A_46 = vector.load %arg5[%get3A_44, %get3A_45] : memref<1x256xf32, #tpu.memory_space<vmem>>, vector<1x256xf32>
    %add3A_47 = vector.broadcast %get3A_46 : vector<1x256xf32> to vector<1024x256xf32>
    %add3A_48 = arith.addf %add3A_43, %add3A_47 : vector<1024x256xf32>
    %max3A = arith.constant 0.000000e+00 : f32
    %max3A_49 = vector.broadcast %max3A : f32 to vector<1024x256xf32>
    %max3A_50 = arith.maximumf %add3A_48, %max3A_49 : vector<1024x256xf32>
    %get3A_51 = arith.constant 0 : index
    %get3A_52 = arith.constant 0 : index
    %get3A_53 = vector.load %arg6[%get3A_51, %get3A_52] : memref<256x128xf32, #tpu.memory_space<vmem>>, vector<256x128xf32>
    %dot_general3A_54 = arith.constant dense<0.000000e+00> : vector<1024x128xf32>
    %dot_general3A_55 = tpu.matmul %max3A_50, %get3A_53, %dot_general3A_54 {dimension_numbers = #tpu.dot_dimension_numbers<[1], [0], [0], [1], [0, 0, 1, 1], [], []>, transpose_lhs_hint = false} : vector<1024x256xf32>, vector<256x128xf32>, vector<1024x128xf32> -> vector<1024x128xf32>
    %get3A_56 = arith.constant 0 : index
    %get3A_57 = arith.constant 0 : index
    %get3A_58 = vector.load %arg7[%get3A_56, %get3A_57] : memref<1x128xf32, #tpu.memory_space<vmem>>, vector<1x128xf32>
    %add3A_59 = vector.broadcast %get3A_58 : vector<1x128xf32> to vector<1024x128xf32>
    %add3A_60 = arith.addf %dot_general3A_55, %add3A_59 : vector<1024x128xf32>
    %max3A_61 = arith.constant 0.000000e+00 : f32
    %max3A_62 = vector.broadcast %max3A_61 : f32 to vector<1024x128xf32>
    %max3A_63 = arith.maximumf %add3A_60, %max3A_62 : vector<1024x128xf32>
    %get3A_64 = arith.constant 0 : index
    %get3A_65 = arith.constant 0 : index
    %get3A_66 = vector.load %arg8[%get3A_64, %get3A_65] : memref<128x64xf32, #tpu.memory_space<vmem>>, vector<128x64xf32>
    %dot_general3A_67 = arith.constant dense<0.000000e+00> : vector<1024x64xf32>
    %dot_general3A_68 = tpu.matmul %max3A_63, %get3A_66, %dot_general3A_67 {dimension_numbers = #tpu.dot_dimension_numbers<[1], [0], [0], [1], [0, 0, 1, 1], [], []>, transpose_lhs_hint = false} : vector<1024x128xf32>, vector<128x64xf32>, vector<1024x64xf32> -> vector<1024x64xf32>
    %get3A_69 = arith.constant 0 : index
    %get3A_70 = arith.constant 0 : index
    %get3A_71 = vector.load %arg9[%get3A_69, %get3A_70] : memref<1x64xf32, #tpu.memory_space<vmem>>, vector<1x64xf32>
    %add3A_72 = vector.broadcast %get3A_71 : vector<1x64xf32> to vector<1024x64xf32>
    %add3A_73 = arith.addf %dot_general3A_68, %add3A_72 : vector<1024x64xf32>
    %swap3A = arith.constant 0 : index
    %swap3A_74 = arith.constant 0 : index
    %swap3A_75 = vector.load %arg10[%swap3A, %swap3A_74] : memref<1024x64xf32, #tpu.memory_space<vmem>>, vector<1024x64xf32>
    tpu.vector_store %arg10[%swap3A, %swap3A_74], %add3A_73 {strides = array<i32>} : memref<1024x64xf32, #tpu.memory_space<vmem>>, vector<1024x64xf32>,
    return
  }
  func.func @transform_0(%arg0: i32) -> (i32, i32) {
    %c0_i32 = arith.constant 0 : i32
    %c0_i32_0 = arith.constant 0 : i32
    return %arg0, %c0_i32 : i32, i32
  }
  func.func @transform_1(%arg0: i32) -> (i32, i32) {
    %c0_i32 = arith.constant 0 : i32
    %c0_i32_0 = arith.constant 0 : i32
    %c0_i32_1 = arith.constant 0 : i32
    return %c0_i32, %c0_i32_0 : i32, i32
  }
  func.func @transform_2(%arg0: i32) -> (i32, i32) {
    %c0_i32 = arith.constant 0 : i32
    %c0_i32_0 = arith.constant 0 : i32
    %c0_i32_1 = arith.constant 0 : i32
    return %c0_i32, %c0_i32_0 : i32, i32
  }
  func.func @transform_3(%arg0: i32) -> (i32, i32) {
    %c0_i32 = arith.constant 0 : i32
    %c0_i32_0 = arith.constant 0 : i32
    %c0_i32_1 = arith.constant 0 : i32
    return %c0_i32, %c0_i32_0 : i32, i32
  }
  func.func @transform_4(%arg0: i32) -> (i32, i32) {
    %c0_i32 = arith.constant 0 : i32
    %c0_i32_0 = arith.constant 0 : i32
    %c0_i32_1 = arith.constant 0 : i32
    return %c0_i32, %c0_i32_0 : i32, i32
  }
  func.func @transform_5(%arg0: i32) -> (i32, i32) {
    %c0_i32 = arith.constant 0 : i32
    %c0_i32_0 = arith.constant 0 : i32
    %c0_i32_1 = arith.constant 0 : i32
    return %c0_i32, %c0_i32_0 : i32, i32
  }
  func.func @transform_6(%arg0: i32) -> (i32, i32) {
    %c0_i32 = arith.constant 0 : i32
    %c0_i32_0 = arith.constant 0 : i32
    %c0_i32_1 = arith.constant 0 : i32
    return %c0_i32, %c0_i32_0 : i32, i32
  }
  func.func @transform_7(%arg0: i32) -> (i32, i32) {
    %c0_i32 = arith.constant 0 : i32
    %c0_i32_0 = arith.constant 0 : i32
    %c0_i32_1 = arith.constant 0 : i32
    return %c0_i32, %c0_i32_0 : i32, i32
  }
  func.func @transform_8(%arg0: i32) -> (i32, i32) {
    %c0_i32 = arith.constant 0 : i32
    %c0_i32_0 = arith.constant 0 : i32
    %c0_i32_1 = arith.constant 0 : i32
    return %c0_i32, %c0_i32_0 : i32, i32
  }
  func.func @transform_9(%arg0: i32) -> (i32, i32) {
    %c0_i32 = arith.constant 0 : i32
    %c0_i32_0 = arith.constant 0 : i32
    return %arg0, %c0_i32 : i32, i32
  }
}

</mosaic_0001>

<sc_bundles>
// kernel: kernel.6.cloned.1.call-start
scs
__scs_entry_jumppad:
0x0: {  	(pc) =	sbr.rel $0x88, $3  }
0x1: {  	(tag) =	ssettag $0x0;
	lr =	simm.s32 $0x1  }
0x2: {  	[smem:$0x3F97] =	sst lr;
	_ =	strace $0xD0000000  }
0x3: {  	_ = 	snop  }
0x4: {  	_ = 	snop  }
0x5: {  	_ = 	snop  }
0x6: {  	_ = 	snop  }
0x7: {  	_ = 	snop  }
__scs_overlays_trampoline_lowered:
0x8: {  	[smem:$0x3FA6] =	sst s0  }
0x9: {  	[smem:$0x3FA7] =	sst s1  }
0xa: {  	[smem:$0x3FA8] =	sst s2  }
0xb: {  	[smem:$0x3FA9] =	sst s3  }
0xc: {  	[smem:$0x3FAA] =	sst s4  }
0xd: {  	[smem:$0x3FAB] =	sst s5  }
0xe: {  	[smem:$0x3FAC] =	sst s6  }
0xf: {  	[smem:$0x3FAD] =	sst s7  }
0x10: {  	[smem:$0x3FAE] =	sst s8  }
0x11: {  	[smem:$0x3FAF] =	sst s9;
	s0 =	simm.s32 @!p0 $0x0  }
0x12: {  	s1 =	sld [smem:$0x3F95];
	s0 =	simm.s32 @p0 $0x1  }
0x13: {  	[smem:$0x3FB0] =	sst s0;
	s0 =	simm.s32 @!p1 $0x0  }
0x14: {  	s2 =	sld [smem:$0x3F94];
	s0 =	simm.s32 @p1 $0x1  }
0x15: {  	[smem:$0x3FB1] =	sst s0;
	s0 =	simm.s32 @!p2 $0x0  }
0x16: {  	s3 =	sld [smem:$0x3FDB];
	s0 =	simm.s32 @p2 $0x1  }
0x17: {  	s4 =	simm.s32 $0x1BF5;
	[smem:$0x3FB3] =	sst s0  }
0x18: {  	s0 =	sld [smem:$0x3F96];
	_ =	swait.ge [sflag:s4], $0x0  }
0x19: {  	s7 =	sld [smem:$0x3F97]  }
0x1a: {  	s8 =	sadd.s32 $0xFFFFE003, lr  }
0x1b: {  	s9 =	sadd.s32 $0xFFFFFEF7, lr;
	s5 =	simm.s32 $0xFFFFFFFF;
	p2 =	slt.u32 s8, $0xFFFFF086  }
0x1c: {  	p1 =	slt.u32 s9, $0xF7A;
	s5 =	simm.s32 @!p2 $0x0  }
0x1d: {  	s5 =	simm.s32 @p1 $0x1;
	p0 =	seq.s32 s7, s2  }
0x1e: {  	s7 =	smul.u32 @!p0 $0xF7A, s2;
	p2 =	seq.s32 @!p0 s5, $0x0  }
0x1f: {  	s9 =	smul.u32 $0xF7A, s1;
	s8 =	simm.s32 @!p0 $0x1BF5;
	p2 =	por !p2, p0  }
0x20: {  	[sflag:s8] =	ssyncset.s32 @!p0 $0xFFFFF086;
	s6 =	sadd.s32 @!p0 s3, s7;
	s7 =	simm.s32 @!p0 $0x108  }
0x21: {  	s3 =	sadd.s32 s3, s9;
	s6 =	sadd.s32 @!p0 $0x88, s6;
	s7 =	simm.s32 @p2 $0x1082  }
0x22: {  	[simem:s7], [sflag:s8] =	dma.local @!p0 [hbm:s6], $0xF7A  }
0x23: {  	s9 =	sor.u32 $0xD0000000, s2;
	s6 =	simm.s32 $0x108;
	_ =	swait.ge @!p0 [sflag:s8], $0x0  }
0x24: {  	s3 =	sadd.s32 $0x88, s3;
	s6 =	simm.s32 @!p1 $0x1082;
	[sflag:s4] =	ssyncset.s32 $0xFFFFF086  }
0x25: {  	[simem:s6], [sflag:s4] =	dma.local [hbm:s3], $0xF7A  }
0x26: {  	[smem:$0x3F97] =	sst s1;
	(tag) =	ssettag s2;
	_ =	strace s9  }
0x27: {  	s1 =	sld [smem:$0x3FA7]  }
0x28: {  	s2 =	sld [smem:$0x3FA8]  }
0x29: {  	s4 =	sld [smem:$0x3FAA]  }
0x2a: {  	p0 =	seq.s32 s5, $0x0;
	s5 =	sld [smem:$0x3FAB]  }
0x2b: {  	s6 =	sld [smem:$0x3FAC]  }
0x2c: {  	s7 =	sld [smem:$0x3FAD]  }
0x2d: {  	s3 =	simm.s32 $0x108;
	s8 =	sld [smem:$0x3FAE]  }
0x2e: {  	s3 =	simm.s32 @!p0 $0x1082;
	s9 =	sld [smem:$0x3FAF]  }
0x2f: {  	lr =	sadd.s32 s0, s3;
	s0 =	sld [smem:$0x3FA6]  }
0x30: {  	s3 =	sld [smem:$0x3FA9]  }
0x31: {  	[smem:$0x3FB2] =	sst s10  }
0x32: {  	s10 =	sld [smem:$0x3FB0];
	_ =	sdelay $0x3  }
0x33: {  	p0 =	seq.s32 s10, $0x1;
	s10 =	sld [smem:$0x3FB2];
	_ =	sdelay $0x3  }
0x34: {  	[smem:$0x3FB2] =	sst s10  }
0x35: {  	s10 =	sld [smem:$0x3FB1];
	_ =	sdelay $0x3  }
0x36: {  	p1 =	seq.s32 s10, $0x1;
	s10 =	sld [smem:$0x3FB2];
	_ =	sdelay $0x3  }
0x37: {  	[smem:$0x3FB2] =	sst s10  }
0x38: {  	s10 =	sld [smem:$0x3FB3]  }
0x39: {  	_ = 	snop;
	(pc) =	sbr.ind lr, $3  }
0x3a: {  	_ = 	snop  }
0x3b: {  	_ = 	snop  }
0x3c: {  	p2 =	seq.s32 s10, $0x1;
	s10 =	sld [smem:$0x3FB2]  }
0x3d: {  	_ =	shalt  }
0x3e: {  	_ =	shalt  }
0x3f: {  	_ =	shalt  }
0x40: {  	_ =	shalt  }
0x41: {  	_ =	shalt  }
0x42: {  	_ =	shalt  }
0x43: {  	_ =	shalt  }
0x44: {  	_ =	shalt  }
0x45: {  	_ =	shalt  }
0x46: {  	_ =	shalt  }
0x47: {  	_ =	shalt  }
0x48: {  	_ =	shalt  }
0x49: {  	_ =	shalt  }
0x4a: {  	_ =	shalt  }
0x4b: {  	_ =	shalt  }
0x4c: {  	_ =	shalt  }
0x4d: {  	_ =	shalt  }
0x4e: {  	_ =	shalt  }
0x4f: {  	_ =	shalt  }
0x50: {  	_ =	shalt  }
0x51: {  	_ =	shalt  }
0x52: {  	_ =	shalt  }
0x53: {  	_ =	shalt  }
0x54: {  	_ =	shalt  }
0x55: {  	_ =	shalt  }
0x56: {  	_ =	shalt  }
0x57: {  	_ =	shalt  }
0x58: {  	_ =	shalt  }
0x59: {  	_ =	shalt  }
0x5a: {  	_ =	shalt  }
0x5b: {  	_ =	shalt  }
0x5c: {  	_ =	shalt  }
0x5d: {  	_ =	shalt  }
0x5e: {  	_ =	shalt  }
0x5f: {  	_ =	shalt  }
0x60: {  	_ =	shalt  }
0x61: {  	_ =	shalt  }
0x62: {  	_ =	shalt  }
0x63: {  	_ =	shalt  }
0x64: {  	_ =	shalt  }
0x65: {  	_ =	shalt  }
0x66: {  	_ =	shalt  }
0x67: {  	_ =	shalt  }
0x68: {  	_ =	shalt  }
0x69: {  	_ =	shalt  }
0x6a: {  	_ =	shalt  }
0x6b: {  	_ =	shalt  }
0x6c: {  	_ =	shalt  }
0x6d: {  	_ =	shalt  }
0x6e: {  	_ =	shalt  }
0x6f: {  	_ =	shalt  }
0x70: {  	_ =	shalt  }
0x71: {  	_ =	shalt  }
0x72: {  	_ =	shalt  }
0x73: {  	_ =	shalt  }
0x74: {  	_ =	shalt  }
0x75: {  	_ =	shalt  }
0x76: {  	_ =	shalt  }
0x77: {  	_ =	shalt  }
0x78: {  	_ =	shalt  }
0x79: {  	_ =	shalt  }
0x7a: {  	_ =	shalt  }
0x7b: {  	_ =	shalt  }
0x7c: {  	_ =	shalt  }
0x7d: {  	_ =	shalt  }
0x7e: {  	_ =	shalt  }
0x7f: {  	_ =	shalt  }
0x80: {  	_ =	shalt  }
0x81: {  	_ =	shalt  }
0x82: {  	_ =	shalt  }
0x83: {  	_ =	shalt  }
0x84: {  	_ =	shalt  }
0x85: {  	_ =	shalt  }
0x86: {  	_ =	shalt  }
0x87: {  	_ =	shalt  }
.Lfunc_end0:
.L_simem_size_0:
called_computation_lowered:
.L_overlay_start_0:
0x88: {  	s2 =	sld [smem:$0x3FD9]  }
0x89: {  	s3 =	sld [smem:$0x3FFE];
	_ =	sdelay $0x1  }
0x8a: {  	s1 =	srdreg.scid  }
0x8b: {  	s0 =	sand.u32 $0x1, s1  }
0x8c: {  	s17 =	sshll.u32 s0, $0xA;
	s2 =	sadd.s32 s3, s2  }
0x8d: {  	s2 =	sadd.s32 s2, s17  }
0x8e: {  	[smem:$0x3FBE] =	sst s2  }
0x8f: {  	_ = 	snop  }
0x90: {  	s2 =	sld [smem:$0x3FC8];
	(tm) =	ssettm $0x1  }
0x91: {  	s18 =	sld [smem:$0x3FFB];
	_ =	sdelay $0x3  }
0x92: {  	_ =	strace s18  }
0x93: {  	s3 =	sld [smem:$0x3FFC];
	_ =	sdelay $0x3  }
0x94: {  	_ =	strace s3  }
0x95: {  	s3 =	sld [smem:$0x3FFD];
	_ =	sdelay $0x3  }
0x96: {  	_ =	strace s3  }
0x97: {  	_ =	strace $0x8FFFFFFF  }
0x98: {  	s19 =	sld [smem:$0x3FDB];
	_ =	sdelay $0x1  }
0x99: {  	s4 =	simm.s32 $_scs_section_size  }
0x9a: {  	s5 =	simm.s32 $_size__tile_overlayer_lowered;
	s6 =	simm.s32 $_tile_overlayer_lowered  }
0x9b: {  	s22 =	simm.s32 $0x1BFF;
	s21 =	sshll.u32 s6, $0x1;
	s3 =	sadd.s32 s4, s19  }
0x9c: {  	s7 =	simm.s32 $0x0;
	s20 =	sshll.u32 s5, $0x1;
	s5 =	sadd.s32 s21, s3  }
0x9d: {  	[timem:s7], [sflag:s22] =	dma.local [hbm:s5], s20  }
0x9e: {  	_ =	swait.ge [sflag:s22], s20  }
0x9f: {  	s4 =	ssub.s32 $0x0, s20;
	[sflag:s22] =	ssyncset.done $0x0  }
0xa0: {  	[sflag:s22] =	ssyncadd.s32 s4;
	_ =	sdelay $0x1  }
0xa1: {  	s23 =	simm.s32 $0x1B8B  }
0xa2: {  	_ =	swait.ge [sflag:s23], $0x1  }
0xa3: {  	[sflag:s23] =	ssyncset.done $0x0  }
0xa4: {  	s25 =	simm.s32 $0x1B8E;
	s24 =	sld [smem:$0x3FFE];
	[sflag:s23] =	ssyncadd.s32 $0xFFFFFFFF  }
0xa5: {  	s26 =	simm.s32 $execute0_lowered;
	[smem:$0x3FD2] =	sst s25  }
0xa6: {  	s5 =	sshll.u32 s26, $0x1;
	_ =	strace $0x80000046;
	[dreg:$0x1] =	wrdreg $0xFFFFFFFF  }
0xa7: {  	s28 =	simm.s32 $_size_execute0_lowered;
	s3 =	sadd.s32 s3, s5;
	[dreg:$0x0] =	wrdreg $0x0  }
0xa8: {  	s5 =	sshll.u32 s28, $0x1;
	[dreg:$0x2] =	wrdreg s3  }
0xa9: {  	[dreg:$0x3] =	wrdreg s5  }
0xaa: {  	[dreg:$0x4] =	wrdreg $0xC0  }
0xab: {  	_ =	task [dreg:s7], $0x5FFFF  }
0xac: {  	[dreg:$0x1] =	wrdreg $0xFFFFFFFF  }
0xad: {  	[dreg:$0x0] =	wrdreg $0x60  }
0xae: {  	[dreg:$0x2] =	wrdreg s2  }
0xaf: {  	[dreg:$0x3] =	wrdreg s24  }
0xb0: {  	[dreg:$0x4] =	wrdreg $0x9  }
0xb1: {  	_ =	task.clear_ibuf [dreg:s7], $0x5FFFF;
	_ =	strace $0x90000046  }
0xb2: {  	s29 =	simm.s32 $0x9;
	_ =	strace $0x80000048  }
0xb3: {  	_ =	swait.ge [sflag:s29], $0x1  }
0xb4: {  	[sflag:s29] =	ssyncadd.s32 $0xFFFFFFFF  }
0xb5: {  	_ =	strace $0x90000048  }
0xb6: {  	_ =	sfence  }
0xb7: {  	s30 =	sld [smem:$0x0];
	_ =	sdelay $0x2  }
0xb8: {  	s31 =	sshll.u32 s1, $0xD;
	s1 =	sshrl.u32 s1, $0x2  }
0xb9: {  	s3 =	sand.u32 $0x4000, s31;
	s1 =	sadd.s32 s1, s30  }
0xba: {  	s0 =	sor.u32 s3, s0;
	s1 =	sshll.u32 s1, $0x11  }
0xbb: {  	s0 =	sor.u32 s1, s0  }
0xbc: {  	s0 =	sadd.s32 $0x8F2B, s0  }
0xbd: {  	[sflag:s0] =	ssyncadd.remote.s32 $0x1  }
0xbe: {  	_ =	sfence.sel $0xFFFF  }
0xbf: {  	[dreg:$0x0] =	wrdreg $0xFFFFFFFF;
	(pc) =	sbr.abs _section_cstart, $3  }
0xc0: {  	[dreg:$0x1] =	wrdreg $0xFFFFFFFF  }
0xc1: {  	_ =	task.clear_ibuf [dreg:s7], $0x2FFFF;
	_ =	strace $0x9FFFFFFF  }
0xc2: {  	(tm) =	ssettm $0x7FFFFFFF  }
0xc3: {  	_ =	shalt  }
tec
execute0_lowered:
.L_overlay_start_1:
0x0: {  	(tag) =	ssettag $0x1  }
0x1: {  	s2 =	rddreg [dreg:$0x0]  }
0x2: {  	s0 =	rddreg [dreg:$0x1]  }
0x3: {  	s1 =	srdreg.scid;
	s4 =	stileid.u32;
	s3 =	simm.s32 $0x0  }
0x4: {  	s14 =	simm.s32 $0x400;
	s15 =	simm.s32 $0x7A1400;
	s16 =	simm.s32 $0x800  }
0x5: {  	s17 =	simm.s32 $0x1;
	s18 =	simm.s32 $0x1000;
	s19 =	simm.s32 $0x2  }
0x6: {  	s20 =	simm.s32 $0x1800;
	s21 =	simm.s32 $0x3;
	s22 =	simm.s32 $0x0  }
0x7: {  	s1 =	sand.u32 $0x1, s1;
	s4 =	sshll.u32 s4, $0x1;
	[smem:$0x7FF] =	sst s3  }
0x8: {  	s10 =	sadd.s32 $0x3E00, s0;
	s5 =	ssub.s32 $0x2, s1;
	s1 =	sor.u32 s1, s4  }
0x9: {  	_ =	strace $0x80000047;
	s4 =	sadd.s32 $0x1E00, s0;
	s6 =	sshrl.u32 s5, $0x1  }
0xa: {  	s7 =	sshll.u32 s1, $0x7;
	s12 =	sor.u32 $0x1E80, s1;
	s8 =	sor.u32 $0x60, s1  }
.Ltmp0:
0xb: {  	s13 =	ssub.s32 s5, s6;
	s5 =	sadd.s32 s2, s7;
	(pc) =	sbr.rel .LBB2_1-.Ltmp0, $4  }
0xc: {  	s9 =	sshll.u32 s1, $0x8;
	s11 =	sshll.u32 s12, $0x7;
	s29 =	sadd.s32 $0x1000, s5  }
0xd: {  	s31 =	sshll.u32 s12, $0x8;
	s30 =	sadd.s32 s2, s11;
	[dreg:$0x3] =	wrdreg s29  }
0xe: {  	v0 =	vlaneseq.u32;
	p0 =	sgt.u32 s1, $0x4;
	s0 =	sadd.s32 s4, s31;
	[dreg:$0x4] =	wrdreg s30  }
0xf: {  	v0 =	vmul.u32 $0x10, v0;
	s7 =	sor.u32 $0x40, s1;
	s13 =	smax.u32 s13, $0x1;
	[dreg:$0x5] =	wrdreg s0  }
.LBB2_16:
0x10: {  	s22 =	sadd.s32 $0x1, s22  }
0x11: {  	p1 =	sne.s32 s22, s13  }
.Ltmp1:
0x12: {  	_ = 	snop;
	(pc) =	sbr.rel @!p1 .LBB2_17-.Ltmp1, $1  }
0x13: {  	_ =	sdelay $0x3  }
.LBB2_1:
0x14: {  	[tilespmem:s3], [sflag:$0x1] =	stream.strided.gather [hbm4b:s5+s14], $0x800, s15, s14, $0x38;
	[tilespmem:$0x2000] =	vst v63  }
0x15: {  	s0 =	rddreg [dreg:$0x3];
	s23 =	simm.s32 $0x0  }
0x16: {  	[tilespmem:s16], [sflag:$0x1] =	stream.strided.gather [hbm4b:s0+s14], $0x800, s15, s14, $0x38;
	[tilespmem:$0x2000] =	vst v63  }
.LBB2_2:
0x17: {  	_ =	swait.ge [sflag:s17], $0x800  }
0x18: {  	p1 =	seq.s32 s23, $0x0;
	[sflag:s17] =	ssyncset.done $0x0  }
0x19: {  	s0 =	simm.s32 @!p1 $0x2;
	[sflag:s17] =	ssyncadd.s32 $0xFFFFF800  }
0x1a: {  	_ =	swait.ge @!p1 [sflag:s0], $0x800  }
0x1b: {  	s24 =	sshll.u32 s23, $0x6;
	[sflag:s0] =	ssyncset.done @!p1 $0x0  }
0x1c: {  	s25 =	simm.s32 $0x0;
	p2 =	por $0x1, $0x1;
	[sflag:s0] =	ssyncadd.s32 @!p1 $0xFFFFF800  }
.LBB2_3:
0x1d: {  	s0 =	sshll.u32 s25, $0x7;
	s1 =	sor.u32 $0x1, s25  }
0x1e: {  	s0 =	sand.u32 $0x3FFFFF80, s0;
	s26 =	sshll.u32 s1, $0x7  }
0x1f: {  	v2 =	vor.u32 s25, v0;
	v1 =	vld [tilespmem:s0+$0x0];
	s26 =	sand.u32 $0x3FFFFF80, s26  }
0x20: {  	v4 =	vor.u32 s1, v0;
	v3 =	vld [tilespmem:s26+$0x0];
	_ =	sdelay $0x3  }
0x21: {  	s31 =	sor.u32 $0x100, s25;
	[tilespmem:v2+s18+$0x0] =	vst.idx.msk $0xffff, v1  }
0x22: {  	s6 =	sor.u32 $0x101, s25;
	v2 =	vor.u32 s31, v0;
	v1 =	vld [tilespmem:s0+$0x10];
	[tilespmem:v4+s18+$0x0] =	vst.idx.msk $0xffff, v3  }
0x23: {  	v32 =	vor.u32 s6, v0;
	v3 =	vld [tilespmem:s26+$0x10];
	_ =	sdelay $0x3  }
0x24: {  	s11 =	sor.u32 $0x200, s25;
	[tilespmem:v2+s18+$0x0] =	vst.idx.msk $0xffff, v1  }
0x25: {  	s12 =	sor.u32 $0x201, s25;
	v2 =	vor.u32 s11, v0;
	v1 =	vld [tilespmem:s0+$0x20];
	[tilespmem:v32+s18+$0x0] =	vst.idx.msk $0xffff, v3  }
0x26: {  	v33 =	vor.u32 s12, v0;
	v3 =	vld [tilespmem:s26+$0x20];
	_ =	sdelay $0x3  }
0x27: {  	s28 =	sor.u32 $0x300, s25;
	[tilespmem:v2+s18+$0x0] =	vst.idx.msk $0xffff, v1  }
0x28: {  	s29 =	sor.u32 $0x301, s25;
	v2 =	vor.u32 s28, v0;
	v1 =	vld [tilespmem:s0+$0x30];
	[tilespmem:v33+s18+$0x0] =	vst.idx.msk $0xffff, v3  }
0x29: {  	v34 =	vor.u32 s29, v0;
	v3 =	vld [tilespmem:s26+$0x30];
	_ =	sdelay $0x3  }
0x2a: {  	s30 =	sor.u32 $0x400, s25;
	[tilespmem:v2+s18+$0x0] =	vst.idx.msk $0xffff, v1  }
0x2b: {  	s31 =	sor.u32 $0x401, s25;
	v2 =	vor.u32 s30, v0;
	v1 =	vld [tilespmem:s0+$0x40];
	[tilespmem:v34+s18+$0x0] =	vst.idx.msk $0xffff, v3  }
0x2c: {  	v35 =	vor.u32 s31, v0;
	v3 =	vld [tilespmem:s26+$0x40];
	_ =	sdelay $0x3  }
0x2d: {  	s6 =	sor.u32 $0x500, s25;
	[tilespmem:v2+s18+$0x0] =	vst.idx.msk $0xffff, v1  }
0x2e: {  	s11 =	sor.u32 $0x501, s25;
	v2 =	vor.u32 s6, v0;
	v1 =	vld [tilespmem:s0+$0x50];
	[tilespmem:v35+s18+$0x0] =	vst.idx.msk $0xffff, v3  }
0x2f: {  	v36 =	vor.u32 s11, v0;
	v3 =	vld [tilespmem:s26+$0x50];
	_ =	sdelay $0x3  }
0x30: {  	s12 =	sor.u32 $0x600, s25;
	[tilespmem:v2+s18+$0x0] =	vst.idx.msk $0xffff, v1  }
0x31: {  	s28 =	sor.u32 $0x601, s25;
	v2 =	vor.u32 s12, v0;
	v1 =	vld [tilespmem:s0+$0x60];
	[tilespmem:v36+s18+$0x0] =	vst.idx.msk $0xffff, v3  }
0x32: {  	v37 =	vor.u32 s28, v0;
	v3 =	vld [tilespmem:s26+$0x60];
	_ =	sdelay $0x3  }
0x33: {  	s29 =	sor.u32 $0x700, s25;
	s28 =	sor.u32 $0x2, s25;
	[tilespmem:v2+s18+$0x0] =	vst.idx.msk $0xffff, v1  }
0x34: {  	s31 =	sshll.u32 s28, $0x7;
	s30 =	sor.u32 $0x701, s25;
	v2 =	vor.u32 s29, v0;
	s29 =	sor.u32 $0x3, s25;
	v1 =	vld [tilespmem:s0+$0x70];
	[tilespmem:v37+s18+$0x0] =	vst.idx.msk $0xffff, v3  }
0x35: {  	v38 =	vor.u32 s30, v0;
	s6 =	sor.u32 $0x4, s25;
	s1 =	sshll.u32 s29, $0x7;
	v3 =	vld [tilespmem:s26+$0x70];
	s26 =	sand.u32 $0x3FFFFF80, s31  }
0x36: {  	v6 =	vor.u32 s28, v0;
	s12 =	sshll.u32 s6, $0x7;
	s28 =	sand.u32 $0x3FFFFF80, s1;
	s31 =	sor.u32 $0x5, s25;
	v5 =	vld [tilespmem:s26+$0x0]  }
0x37: {  	s11 =	sor.u32 $0x6, s25;
	v8 =	vor.u32 s29, v0;
	s29 =	sand.u32 $0x3FFFFF80, s12;
	v7 =	vld [tilespmem:s28+$0x0];
	s30 =	sshll.u32 s31, $0x7  }
0x38: {  	v10 =	vor.u32 s6, v0;
	s6 =	sshll.u32 s11, $0x7;
	s12 =	sor.u32 $0x7, s25;
	v9 =	vld [tilespmem:s29+$0x0];
	s30 =	sand.u32 $0x3FFFFF80, s30  }
0x39: {  	[tilespmem:v2+s18+$0x0] =	vst.idx.msk $0xffff, v1;
	v1 =	vld [tilespmem:s30+$0x0];
	v2 =	vor.u32 s31, v0;
	s31 =	sand.u32 $0x3FFFFF80, s6;
	s6 =	sshll.u32 s12, $0x7  }
0x3a: {  	v11 =	vor.u32 s11, v0;
	[tilespmem:v38+s18+$0x0] =	vst.idx.msk $0xffff, v3;
	v3 =	vld [tilespmem:s31+$0x0];
	s0 =	sand.u32 $0x3FFFFF80, s6  }
0x3b: {  	v39 =	vor.u32 s12, v0;
	s12 =	sor.u32 $0x102, s25;
	[tilespmem:v6+s18+$0x0] =	vst.idx.msk $0xffff, v5;
	v40 =	vld [tilespmem:s0+$0x0]  }
0x3c: {  	v41 =	vor.u32 s12, v0;
	s6 =	sor.u32 $0x103, s25;
	[tilespmem:v8+s18+$0x0] =	vst.idx.msk $0xffff, v7;
	v6 =	vld [tilespmem:s26+$0x10]  }
0x3d: {  	s11 =	sor.u32 $0x104, s25;
	[tilespmem:v10+s18+$0x0] =	vst.idx.msk $0xffff, v9;
	v42 =	vor.u32 s6, v0;
	v8 =	vld [tilespmem:s28+$0x10]  }
0x3e: {  	s12 =	sor.u32 $0x105, s25;
	v10 =	vld [tilespmem:s29+$0x10];
	[tilespmem:v2+s18+$0x0] =	vst.idx.msk $0xffff, v1;
	v1 =	vor.u32 s11, v0  }
0x3f: {  	s6 =	sor.u32 $0x106, s25;
	v2 =	vld [tilespmem:s30+$0x10];
	[tilespmem:v11+s18+$0x0] =	vst.idx.msk $0xffff, v3;
	v3 =	vor.u32 s12, v0  }
0x40: {  	v43 =	vor.u32 s6, v0;
	s11 =	sor.u32 $0x107, s25;
	v11 =	vld [tilespmem:s31+$0x10];
	[tilespmem:v39+s18+$0x0] =	vst.idx.msk $0xffff, v40  }
0x41: {  	v44 =	vor.u32 s11, v0;
	s12 =	sor.u32 $0x202, s25;
	[tilespmem:v41+s18+$0x0] =	vst.idx.msk $0xffff, v6;
	v45 =	vld [tilespmem:s0+$0x10]  }
0x42: {  	s6 =	sor.u32 $0x203, s25;
	v46 =	vor.u32 s12, v0;
	[tilespmem:v42+s18+$0x0] =	vst.idx.msk $0xffff, v8;
	v7 =	vld [tilespmem:s26+$0x20]  }
0x43: {  	s11 =	sor.u32 $0x204, s25;
	v9 =	vld [tilespmem:s28+$0x20];
	[tilespmem:v1+s18+$0x0] =	vst.idx.msk $0xffff, v10;
	v1 =	vor.u32 s6, v0  }
0x44: {  	s12 =	sor.u32 $0x205, s25;
	v10 =	vld [tilespmem:s29+$0x20];
	[tilespmem:v3+s18+$0x0] =	vst.idx.msk $0xffff, v2;
	v2 =	vor.u32 s11, v0  }
0x45: {  	v47 =	vor.u32 s12, v0;
	s6 =	sor.u32 $0x206, s25;
	v3 =	vld [tilespmem:s30+$0x20];
	[tilespmem:v43+s18+$0x0] =	vst.idx.msk $0xffff, v11  }
0x46: {  	v48 =	vor.u32 s6, v0;
	s11 =	sor.u32 $0x207, s25;
	v11 =	vld [tilespmem:s31+$0x20];
	[tilespmem:v44+s18+$0x0] =	vst.idx.msk $0xffff, v45  }
0x47: {  	s12 =	sor.u32 $0x302, s25;
	v49 =	vor.u32 s11, v0;
	[tilespmem:v46+s18+$0x0] =	vst.idx.msk $0xffff, v7;
	v50 =	vld [tilespmem:s0+$0x20]  }
0x48: {  	s6 =	sor.u32 $0x303, s25;
	v8 =	vld [tilespmem:s26+$0x30];
	[tilespmem:v1+s18+$0x0] =	vst.idx.msk $0xffff, v9;
	v1 =	vor.u32 s12, v0  }
0x49: {  	s11 =	sor.u32 $0x304, s25;
	v9 =	vld [tilespmem:s28+$0x30];
	[tilespmem:v2+s18+$0x0] =	vst.idx.msk $0xffff, v10;
	v2 =	vor.u32 s6, v0  }
0x4a: {  	s12 =	sor.u32 $0x305, s25;
	v10 =	vld [tilespmem:s29+$0x30];
	[tilespmem:v47+s18+$0x0] =	vst.idx.msk $0xffff, v3;
	v3 =	vor.u32 s11, v0  }
0x4b: {  	v51 =	vor.u32 s12, v0;
	s6 =	sor.u32 $0x306, s25;
	v4 =	vld [tilespmem:s30+$0x30];
	[tilespmem:v48+s18+$0x0] =	vst.idx.msk $0xffff, v11  }
0x4c: {  	v52 =	vor.u32 s6, v0;
	s11 =	sor.u32 $0x307, s25;
	v11 =	vld [tilespmem:s31+$0x30];
	[tilespmem:v49+s18+$0x0] =	vst.idx.msk $0xffff, v50  }
0x4d: {  	s12 =	sor.u32 $0x402, s25;
	[tilespmem:v1+s18+$0x0] =	vst.idx.msk $0xffff, v8;
	v1 =	vor.u32 s11, v0;
	v7 =	vld [tilespmem:s0+$0x30]  }
0x4e: {  	s6 =	sor.u32 $0x403, s25;
	v8 =	vld [tilespmem:s26+$0x40];
	[tilespmem:v2+s18+$0x0] =	vst.idx.msk $0xffff, v9;
	v2 =	vor.u32 s12, v0  }
0x4f: {  	s11 =	sor.u32 $0x404, s25;
	v9 =	vld [tilespmem:s28+$0x40];
	[tilespmem:v3+s18+$0x0] =	vst.idx.msk $0xffff, v10;
	v3 =	vor.u32 s6, v0  }
0x50: {  	v53 =	vor.u32 s11, v0;
	s12 =	sor.u32 $0x405, s25;
	v10 =	vld [tilespmem:s29+$0x40];
	[tilespmem:v51+s18+$0x0] =	vst.idx.msk $0xffff, v4  }
0x51: {  	v54 =	vor.u32 s12, v0;
	s6 =	sor.u32 $0x406, s25;
	v5 =	vld [tilespmem:s30+$0x40];
	[tilespmem:v52+s18+$0x0] =	vst.idx.msk $0xffff, v11  }
0x52: {  	s11 =	sor.u32 $0x407, s25;
	v11 =	vld [tilespmem:s31+$0x40];
	[tilespmem:v1+s18+$0x0] =	vst.idx.msk $0xffff, v7;
	v1 =	vor.u32 s6, v0  }
0x53: {  	s12 =	sor.u32 $0x502, s25;
	[tilespmem:v2+s18+$0x0] =	vst.idx.msk $0xffff, v8;
	v2 =	vor.u32 s11, v0;
	v7 =	vld [tilespmem:s0+$0x40]  }
0x54: {  	s6 =	sor.u32 $0x503, s25;
	v8 =	vld [tilespmem:s26+$0x50];
	[tilespmem:v3+s18+$0x0] =	vst.idx.msk $0xffff, v9;
	v3 =	vor.u32 s12, v0  }
0x55: {  	v55 =	vor.u32 s6, v0;
	s11 =	sor.u32 $0x504, s25;
	v9 =	vld [tilespmem:s28+$0x50];
	[tilespmem:v53+s18+$0x0] =	vst.idx.msk $0xffff, v10  }
0x56: {  	v56 =	vor.u32 s11, v0;
	s12 =	sor.u32 $0x505, s25;
	v10 =	vld [tilespmem:s29+$0x50];
	[tilespmem:v54+s18+$0x0] =	vst.idx.msk $0xffff, v5  }
0x57: {  	s6 =	sor.u32 $0x506, s25;
	v6 =	vld [tilespmem:s30+$0x50];
	[tilespmem:v1+s18+$0x0] =	vst.idx.msk $0xffff, v11;
	v1 =	vor.u32 s12, v0  }
0x58: {  	s11 =	sor.u32 $0x507, s25;
	v11 =	vld [tilespmem:s31+$0x50];
	[tilespmem:v2+s18+$0x0] =	vst.idx.msk $0xffff, v7;
	v2 =	vor.u32 s6, v0  }
0x59: {  	s12 =	sor.u32 $0x602, s25;
	[tilespmem:v3+s18+$0x0] =	vst.idx.msk $0xffff, v8;
	v3 =	vor.u32 s11, v0;
	v7 =	vld [tilespmem:s0+$0x50]  }
0x5a: {  	v57 =	vor.u32 s12, v0;
	s6 =	sor.u32 $0x603, s25;
	v8 =	vld [tilespmem:s26+$0x60];
	[tilespmem:v55+s18+$0x0] =	vst.idx.msk $0xffff, v9  }
0x5b: {  	v58 =	vor.u32 s6, v0;
	s11 =	sor.u32 $0x604, s25;
	v9 =	vld [tilespmem:s28+$0x60];
	[tilespmem:v56+s18+$0x0] =	vst.idx.msk $0xffff, v10  }
0x5c: {  	s12 =	sor.u32 $0x605, s25;
	v10 =	vld [tilespmem:s29+$0x60];
	[tilespmem:v1+s18+$0x0] =	vst.idx.msk $0xffff, v6;
	v1 =	vor.u32 s11, v0  }
0x5d: {  	s6 =	sor.u32 $0x606, s25;
	v6 =	vld [tilespmem:s30+$0x60];
	[tilespmem:v2+s18+$0x0] =	vst.idx.msk $0xffff, v11;
	v2 =	vor.u32 s12, v0  }
0x5e: {  	s11 =	sor.u32 $0x607, s25;
	v11 =	vld [tilespmem:s31+$0x60];
	[tilespmem:v3+s18+$0x0] =	vst.idx.msk $0xffff, v7;
	v3 =	vor.u32 s6, v0  }
0x5f: {  	v59 =	vor.u32 s11, v0;
	s12 =	sor.u32 $0x702, s25;
	[tilespmem:v57+s18+$0x0] =	vst.idx.msk $0xffff, v8;
	v7 =	vld [tilespmem:s0+$0x60]  }
0x60: {  	v60 =	vor.u32 s12, v0;
	v8 =	vld [tilespmem:s26+$0x70];
	[tilespmem:v58+s18+$0x0] =	vst.idx.msk $0xffff, v9;
	s26 =	sor.u32 $0x703, s25  }
0x61: {  	v9 =	vld [tilespmem:s28+$0x70];
	[tilespmem:v1+s18+$0x0] =	vst.idx.msk $0xffff, v10;
	v1 =	vor.u32 s26, v0;
	s28 =	sor.u32 $0x704, s25  }
0x62: {  	v10 =	vld [tilespmem:s29+$0x70];
	[tilespmem:v2+s18+$0x0] =	vst.idx.msk $0xffff, v6;
	v2 =	vor.u32 s28, v0;
	s29 =	sor.u32 $0x705, s25  }
0x63: {  	v6 =	vld [tilespmem:s30+$0x70];
	[tilespmem:v3+s18+$0x0] =	vst.idx.msk $0xffff, v11;
	v3 =	vor.u32 s29, v0;
	s30 =	sor.u32 $0x706, s25  }
0x64: {  	v11 =	vld [tilespmem:s31+$0x70];
	[tilespmem:v59+s18+$0x0] =	vst.idx.msk $0xffff, v7;
	v61 =	vor.u32 s30, v0;
	s31 =	sor.u32 $0x707, s25  }
0x65: {  	p3 =	por p2, p2;
	[tilespmem:v60+s18+$0x0] =	vst.idx.msk $0xffff, v8;
	v62 =	vld [tilespmem:s0+$0x70];
	v63 =	vor.u32 s31, v0  }
.Ltmp2:
0x66: {  	[tilespmem:v1+s18+$0x0] =	vst.idx.msk $0xffff, v9;
	(pc) =	sbr.rel @p3 .LBB2_3-.Ltmp2, $4  }
0x67: {  	[tilespmem:v2+s18+$0x0] =	vst.idx.msk $0xffff, v10  }
0x68: {  	[tilespmem:v3+s18+$0x0] =	vst.idx.msk $0xffff, v6  }
0x69: {  	[tilespmem:v61+s18+$0x0] =	vst.idx.msk $0xffff, v11  }
0x6a: {  	p2 =	por $0x0, $0x0;
	s25 =	simm.s32 $0x8;
	[tilespmem:v63+s18+$0x0] =	vst.idx.msk $0xffff, v62  }
0x6b: {  	p2 =	sne.s32 s23, $0x79  }
.Ltmp3:
0x6c: {  	_ = 	snop;
	(pc) =	sbr.rel @p2 .LBB2_6-.Ltmp3, $4  }
0x6d: {  	s0 =	sshll.u32 s23, $0xE  }
0x6e: {  	s25 =	sor.u32 s9, s0  }
0x6f: {  	s0 =	sadd.s32 s4, s25  }
0x70: {  	[hbm4b:s0+s3] =	stream.linear.scatter [tilespmem:s18], [sflag:$0x2], $0x800, $0x38;
	[tilespmem:$0x2000] =	vst v63  }
.Ltmp4:
0x71: {  	(pc) =	sbr.rel .LBB2_7-.Ltmp4, $4  }
0x72: {  	_ = 	snop  }
0x73: {  	_ =	swait.ge [sflag:s17], $0x800  }
0x74: {  	[sflag:s17] =	ssyncset.done $0x0  }
0x75: {  	[sflag:s17] =	ssyncadd.s32 $0xFFFFF800  }
.LBB2_6:
0x76: {  	s0 =	sadd.s32 s7, s24  }
0x77: {  	s0 =	sshll.u32 s0, $0x7  }
.Ltmp5:
0x78: {  	s0 =	sadd.s32 s2, s0;
	(pc) =	sbr.rel @p1 .LBB2_8-.Ltmp5, $4  }
0x79: {  	[tilespmem:s3], [sflag:$0x1] =	stream.strided.gather [hbm4b:s0+s14], $0x800, s15, s14, $0x38;
	[tilespmem:$0x2000] =	vst v63  }
0x7a: {  	_ =	swait.ge [sflag:s17], $0x800  }
0x7b: {  	[sflag:s17] =	ssyncset.done $0x0  }
0x7c: {  	[sflag:s17] =	ssyncadd.s32 $0xFFFFF800  }
.LBB2_7:
0x7d: {  	_ =	swait.ge [sflag:s19], $0x800  }
0x7e: {  	[sflag:s19] =	ssyncset.done $0x0  }
0x7f: {  	[sflag:s19] =	ssyncadd.s32 $0xFFFFF800  }
.LBB2_8:
0x80: {  	s26 =	simm.s32 $0x0;
	p1 =	por $0x1, $0x1  }
.LBB2_9:
0x81: {  	s0 =	sshll.u32 s26, $0x7;
	s1 =	sor.u32 $0x1, s26  }
0x82: {  	s0 =	sand.u32 $0x3FFFFF80, s0;
	s11 =	sshll.u32 s1, $0x7  }
0x83: {  	v2 =	vor.u32 s26, v0;
	v1 =	vld [tilespmem:s0+$0x800];
	s11 =	sand.u32 $0x3FFFFF80, s11  }
0x84: {  	v4 =	vor.u32 s1, v0;
	v3 =	vld [tilespmem:s11+$0x800];
	_ =	sdelay $0x3  }
0x85: {  	s12 =	sor.u32 $0x100, s26;
	[tilespmem:v2+s20+$0x0] =	vst.idx.msk $0xffff, v1  }
0x86: {  	s28 =	sor.u32 $0x101, s26;
	v2 =	vor.u32 s12, v0;
	v1 =	vld [tilespmem:s0+$0x810];
	[tilespmem:v4+s20+$0x0] =	vst.idx.msk $0xffff, v3  }
0x87: {  	v32 =	vor.u32 s28, v0;
	v3 =	vld [tilespmem:s11+$0x810];
	_ =	sdelay $0x3  }
0x88: {  	s29 =	sor.u32 $0x200, s26;
	[tilespmem:v2+s20+$0x0] =	vst.idx.msk $0xffff, v1  }
0x89: {  	s30 =	sor.u32 $0x201, s26;
	v2 =	vor.u32 s29, v0;
	v1 =	vld [tilespmem:s0+$0x820];
	[tilespmem:v32+s20+$0x0] =	vst.idx.msk $0xffff, v3  }
0x8a: {  	v33 =	vor.u32 s30, v0;
	v3 =	vld [tilespmem:s11+$0x820];
	_ =	sdelay $0x3  }
0x8b: {  	s31 =	sor.u32 $0x300, s26;
	[tilespmem:v2+s20+$0x0] =	vst.idx.msk $0xffff, v1  }
0x8c: {  	s6 =	sor.u32 $0x301, s26;
	v2 =	vor.u32 s31, v0;
	v1 =	vld [tilespmem:s0+$0x830];
	[tilespmem:v33+s20+$0x0] =	vst.idx.msk $0xffff, v3  }
0x8d: {  	v34 =	vor.u32 s6, v0;
	v3 =	vld [tilespmem:s11+$0x830];
	_ =	sdelay $0x3  }
0x8e: {  	s12 =	sor.u32 $0x400, s26;
	[tilespmem:v2+s20+$0x0] =	vst.idx.msk $0xffff, v1  }
0x8f: {  	s28 =	sor.u32 $0x401, s26;
	v2 =	vor.u32 s12, v0;
	v1 =	vld [tilespmem:s0+$0x840];
	[tilespmem:v34+s20+$0x0] =	vst.idx.msk $0xffff, v3  }
0x90: {  	v35 =	vor.u32 s28, v0;
	v3 =	vld [tilespmem:s11+$0x840];
	_ =	sdelay $0x3  }
0x91: {  	s29 =	sor.u32 $0x500, s26;
	[tilespmem:v2+s20+$0x0] =	vst.idx.msk $0xffff, v1  }
0x92: {  	s30 =	sor.u32 $0x501, s26;
	v2 =	vor.u32 s29, v0;
	v1 =	vld [tilespmem:s0+$0x850];
	[tilespmem:v35+s20+$0x0] =	vst.idx.msk $0xffff, v3  }
0x93: {  	v36 =	vor.u32 s30, v0;
	v3 =	vld [tilespmem:s11+$0x850];
	_ =	sdelay $0x3  }
0x94: {  	s31 =	sor.u32 $0x600, s26;
	[tilespmem:v2+s20+$0x0] =	vst.idx.msk $0xffff, v1  }
0x95: {  	s6 =	sor.u32 $0x601, s26;
	v2 =	vor.u32 s31, v0;
	v1 =	vld [tilespmem:s0+$0x860];
	[tilespmem:v36+s20+$0x0] =	vst.idx.msk $0xffff, v3  }
0x96: {  	v37 =	vor.u32 s6, v0;
	v3 =	vld [tilespmem:s11+$0x860];
	_ =	sdelay $0x3  }
0x97: {  	s12 =	sor.u32 $0x700, s26;
	s29 =	sor.u32 $0x2, s26;
	[tilespmem:v2+s20+$0x0] =	vst.idx.msk $0xffff, v1  }
0x98: {  	s28 =	sor.u32 $0x701, s26;
	s30 =	sor.u32 $0x3, s26;
	s31 =	sshll.u32 s29, $0x7;
	v2 =	vor.u32 s12, v0;
	v1 =	vld [tilespmem:s0+$0x870];
	[tilespmem:v37+s20+$0x0] =	vst.idx.msk $0xffff, v3  }
0x99: {  	s6 =	sor.u32 $0x4, s26;
	v38 =	vor.u32 s28, v0;
	s1 =	sshll.u32 s30, $0x7;
	s28 =	sand.u32 $0x3FFFFF80, s31;
	v3 =	vld [tilespmem:s11+$0x870]  }
0x9a: {  	v6 =	vor.u32 s29, v0;
	s29 =	sand.u32 $0x3FFFFF80, s1;
	v5 =	vld [tilespmem:s28+$0x800];
	s12 =	sshll.u32 s6, $0x7;
	s11 =	sor.u32 $0x5, s26  }
0x9b: {  	v8 =	vor.u32 s30, v0;
	v7 =	vld [tilespmem:s29+$0x800];
	s30 =	sand.u32 $0x3FFFFF80, s12;
	s12 =	sor.u32 $0x6, s26;
	s31 =	sshll.u32 s11, $0x7  }
0x9c: {  	v10 =	vor.u32 s6, v0;
	s6 =	sor.u32 $0x7, s26;
	v9 =	vld [tilespmem:s30+$0x800];
	s1 =	sshll.u32 s12, $0x7;
	s31 =	sand.u32 $0x3FFFFF80, s31  }
0x9d: {  	s0 =	sand.u32 $0x3FFFFF80, s1;
	[tilespmem:v2+s20+$0x0] =	vst.idx.msk $0xffff, v1;
	v1 =	vld [tilespmem:s31+$0x800];
	v2 =	vor.u32 s11, v0;
	s11 =	sshll.u32 s6, $0x7  }
0x9e: {  	v11 =	vor.u32 s12, v0;
	[tilespmem:v38+s20+$0x0] =	vst.idx.msk $0xffff, v3;
	v3 =	vld [tilespmem:s0+$0x800];
	s1 =	sand.u32 $0x3FFFFF80, s11  }
0x9f: {  	[tilespmem:v6+s20+$0x0] =	vst.idx.msk $0xffff, v5;
	v39 =	vor.u32 s6, v0;
	s11 =	sor.u32 $0x102, s26;
	v40 =	vld [tilespmem:s1+$0x800]  }
0xa0: {  	[tilespmem:v8+s20+$0x0] =	vst.idx.msk $0xffff, v7;
	v6 =	vld [tilespmem:s28+$0x810];
	s12 =	sor.u32 $0x103, s26;
	v41 =	vor.u32 s11, v0  }
0xa1: {  	v8 =	vld [tilespmem:s29+$0x810];
	v42 =	vor.u32 s12, v0;
	[tilespmem:v10+s20+$0x0] =	vst.idx.msk $0xffff, v9;
	s11 =	sor.u32 $0x104, s26  }
0xa2: {  	s12 =	sor.u32 $0x105, s26;
	v10 =	vld [tilespmem:s30+$0x810];
	[tilespmem:v2+s20+$0x0] =	vst.idx.msk $0xffff, v1;
	v1 =	vor.u32 s11, v0  }
0xa3: {  	s11 =	sor.u32 $0x106, s26;
	v2 =	vld [tilespmem:s31+$0x810];
	[tilespmem:v11+s20+$0x0] =	vst.idx.msk $0xffff, v3;
	v3 =	vor.u32 s12, v0  }
0xa4: {  	v43 =	vor.u32 s11, v0;
	s12 =	sor.u32 $0x107, s26;
	v11 =	vld [tilespmem:s0+$0x810];
	[tilespmem:v39+s20+$0x0] =	vst.idx.msk $0xffff, v40  }
0xa5: {  	s11 =	sor.u32 $0x202, s26;
	[tilespmem:v41+s20+$0x0] =	vst.idx.msk $0xffff, v6;
	v44 =	vor.u32 s12, v0;
	v45 =	vld [tilespmem:s1+$0x810]  }
0xa6: {  	[tilespmem:v42+s20+$0x0] =	vst.idx.msk $0xffff, v8;
	v46 =	vor.u32 s11, v0;
	s12 =	sor.u32 $0x203, s26;
	v7 =	vld [tilespmem:s28+$0x820]  }
0xa7: {  	v9 =	vld [tilespmem:s29+$0x820];
	s11 =	sor.u32 $0x204, s26;
	[tilespmem:v1+s20+$0x0] =	vst.idx.msk $0xffff, v10;
	v1 =	vor.u32 s12, v0  }
0xa8: {  	s12 =	sor.u32 $0x205, s26;
	v10 =	vld [tilespmem:s30+$0x820];
	[tilespmem:v3+s20+$0x0] =	vst.idx.msk $0xffff, v2;
	v2 =	vor.u32 s11, v0  }
0xa9: {  	v47 =	vor.u32 s12, v0;
	s11 =	sor.u32 $0x206, s26;
	v3 =	vld [tilespmem:s31+$0x820];
	[tilespmem:v43+s20+$0x0] =	vst.idx.msk $0xffff, v11  }
0xaa: {  	s12 =	sor.u32 $0x207, s26;
	v48 =	vor.u32 s11, v0;
	v11 =	vld [tilespmem:s0+$0x820];
	[tilespmem:v44+s20+$0x0] =	vst.idx.msk $0xffff, v45  }
0xab: {  	v49 =	vor.u32 s12, v0;
	s11 =	sor.u32 $0x302, s26;
	[tilespmem:v46+s20+$0x0] =	vst.idx.msk $0xffff, v7;
	v50 =	vld [tilespmem:s1+$0x820]  }
0xac: {  	s12 =	sor.u32 $0x303, s26;
	v8 =	vld [tilespmem:s28+$0x830];
	[tilespmem:v1+s20+$0x0] =	vst.idx.msk $0xffff, v9;
	v1 =	vor.u32 s11, v0  }
0xad: {  	s11 =	sor.u32 $0x304, s26;
	v9 =	vld [tilespmem:s29+$0x830];
	[tilespmem:v2+s20+$0x0] =	vst.idx.msk $0xffff, v10;
	v2 =	vor.u32 s12, v0  }
0xae: {  	s12 =	sor.u32 $0x305, s26;
	v10 =	vld [tilespmem:s30+$0x830];
	[tilespmem:v47+s20+$0x0] =	vst.idx.msk $0xffff, v3;
	v3 =	vor.u32 s11, v0  }
0xaf: {  	v51 =	vor.u32 s12, v0;
	s11 =	sor.u32 $0x306, s26;
	v4 =	vld [tilespmem:s31+$0x830];
	[tilespmem:v48+s20+$0x0] =	vst.idx.msk $0xffff, v11  }
0xb0: {  	s12 =	sor.u32 $0x307, s26;
	v52 =	vor.u32 s11, v0;
	v11 =	vld [tilespmem:s0+$0x830];
	[tilespmem:v49+s20+$0x0] =	vst.idx.msk $0xffff, v50  }
0xb1: {  	s11 =	sor.u32 $0x402, s26;
	[tilespmem:v1+s20+$0x0] =	vst.idx.msk $0xffff, v8;
	v1 =	vor.u32 s12, v0;
	v7 =	vld [tilespmem:s1+$0x830]  }
0xb2: {  	s12 =	sor.u32 $0x403, s26;
	v8 =	vld [tilespmem:s28+$0x840];
	[tilespmem:v2+s20+$0x0] =	vst.idx.msk $0xffff, v9;
	v2 =	vor.u32 s11, v0  }
0xb3: {  	s11 =	sor.u32 $0x404, s26;
	v9 =	vld [tilespmem:s29+$0x840];
	[tilespmem:v3+s20+$0x0] =	vst.idx.msk $0xffff, v10;
	v3 =	vor.u32 s12, v0  }
0xb4: {  	v53 =	vor.u32 s11, v0;
	s12 =	sor.u32 $0x405, s26;
	v10 =	vld [tilespmem:s30+$0x840];
	[tilespmem:v51+s20+$0x0] =	vst.idx.msk $0xffff, v4  }
0xb5: {  	s11 =	sor.u32 $0x406, s26;
	v54 =	vor.u32 s12, v0;
	v5 =	vld [tilespmem:s31+$0x840];
	[tilespmem:v52+s20+$0x0] =	vst.idx.msk $0xffff, v11  }
0xb6: {  	s12 =	sor.u32 $0x407, s26;
	v11 =	vld [tilespmem:s0+$0x840];
	[tilespmem:v1+s20+$0x0] =	vst.idx.msk $0xffff, v7;
	v1 =	vor.u32 s11, v0  }
0xb7: {  	s11 =	sor.u32 $0x502, s26;
	[tilespmem:v2+s20+$0x0] =	vst.idx.msk $0xffff, v8;
	v2 =	vor.u32 s12, v0;
	v7 =	vld [tilespmem:s1+$0x840]  }
0xb8: {  	s12 =	sor.u32 $0x503, s26;
	v8 =	vld [tilespmem:s28+$0x850];
	[tilespmem:v3+s20+$0x0] =	vst.idx.msk $0xffff, v9;
	v3 =	vor.u32 s11, v0  }
0xb9: {  	v55 =	vor.u32 s12, v0;
	s11 =	sor.u32 $0x504, s26;
	v9 =	vld [tilespmem:s29+$0x850];
	[tilespmem:v53+s20+$0x0] =	vst.idx.msk $0xffff, v10  }
0xba: {  	s12 =	sor.u32 $0x505, s26;
	v56 =	vor.u32 s11, v0;
	v10 =	vld [tilespmem:s30+$0x850];
	[tilespmem:v54+s20+$0x0] =	vst.idx.msk $0xffff, v5  }
0xbb: {  	s11 =	sor.u32 $0x506, s26;
	v6 =	vld [tilespmem:s31+$0x850];
	[tilespmem:v1+s20+$0x0] =	vst.idx.msk $0xffff, v11;
	v1 =	vor.u32 s12, v0  }
0xbc: {  	s12 =	sor.u32 $0x507, s26;
	v11 =	vld [tilespmem:s0+$0x850];
	[tilespmem:v2+s20+$0x0] =	vst.idx.msk $0xffff, v7;
	v2 =	vor.u32 s11, v0  }
0xbd: {  	s11 =	sor.u32 $0x602, s26;
	[tilespmem:v3+s20+$0x0] =	vst.idx.msk $0xffff, v8;
	v3 =	vor.u32 s12, v0;
	v7 =	vld [tilespmem:s1+$0x850]  }
0xbe: {  	v57 =	vor.u32 s11, v0;
	s12 =	sor.u32 $0x603, s26;
	v8 =	vld [tilespmem:s28+$0x860];
	[tilespmem:v55+s20+$0x0] =	vst.idx.msk $0xffff, v9  }
0xbf: {  	s11 =	sor.u32 $0x604, s26;
	v58 =	vor.u32 s12, v0;
	v9 =	vld [tilespmem:s29+$0x860];
	[tilespmem:v56+s20+$0x0] =	vst.idx.msk $0xffff, v10  }
0xc0: {  	s12 =	sor.u32 $0x605, s26;
	v10 =	vld [tilespmem:s30+$0x860];
	[tilespmem:v1+s20+$0x0] =	vst.idx.msk $0xffff, v6;
	v1 =	vor.u32 s11, v0  }
0xc1: {  	s11 =	sor.u32 $0x606, s26;
	v6 =	vld [tilespmem:s31+$0x860];
	[tilespmem:v2+s20+$0x0] =	vst.idx.msk $0xffff, v11;
	v2 =	vor.u32 s12, v0  }
0xc2: {  	s12 =	sor.u32 $0x607, s26;
	v11 =	vld [tilespmem:s0+$0x860];
	[tilespmem:v3+s20+$0x0] =	vst.idx.msk $0xffff, v7;
	v3 =	vor.u32 s11, v0  }
0xc3: {  	v59 =	vor.u32 s12, v0;
	s11 =	sor.u32 $0x702, s26;
	[tilespmem:v57+s20+$0x0] =	vst.idx.msk $0xffff, v8;
	v7 =	vld [tilespmem:s1+$0x860]  }
0xc4: {  	s12 =	sor.u32 $0x703, s26;
	v60 =	vor.u32 s11, v0;
	v8 =	vld [tilespmem:s28+$0x870];
	[tilespmem:v58+s20+$0x0] =	vst.idx.msk $0xffff, v9  }
0xc5: {  	s28 =	sor.u32 $0x704, s26;
	v9 =	vld [tilespmem:s29+$0x870];
	[tilespmem:v1+s20+$0x0] =	vst.idx.msk $0xffff, v10;
	v1 =	vor.u32 s12, v0  }
0xc6: {  	s29 =	sor.u32 $0x705, s26;
	v10 =	vld [tilespmem:s30+$0x870];
	[tilespmem:v2+s20+$0x0] =	vst.idx.msk $0xffff, v6;
	v2 =	vor.u32 s28, v0  }
0xc7: {  	s30 =	sor.u32 $0x706, s26;
	v6 =	vld [tilespmem:s31+$0x870];
	[tilespmem:v3+s20+$0x0] =	vst.idx.msk $0xffff, v11;
	v3 =	vor.u32 s29, v0  }
0xc8: {  	v61 =	vor.u32 s30, v0;
	s31 =	sor.u32 $0x707, s26;
	v11 =	vld [tilespmem:s0+$0x870];
	[tilespmem:v59+s20+$0x0] =	vst.idx.msk $0xffff, v7  }
0xc9: {  	p2 =	por p1, p1;
	v63 =	vor.u32 s31, v0;
	[tilespmem:v60+s20+$0x0] =	vst.idx.msk $0xffff, v8;
	v62 =	vld [tilespmem:s1+$0x870]  }
.Ltmp6:
0xca: {  	[tilespmem:v1+s20+$0x0] =	vst.idx.msk $0xffff, v9;
	(pc) =	sbr.rel @p2 .LBB2_9-.Ltmp6, $4  }
0xcb: {  	[tilespmem:v2+s20+$0x0] =	vst.idx.msk $0xffff, v10  }
0xcc: {  	[tilespmem:v3+s20+$0x0] =	vst.idx.msk $0xffff, v6  }
0xcd: {  	[tilespmem:v61+s20+$0x0] =	vst.idx.msk $0xffff, v11  }
0xce: {  	p1 =	por $0x0, $0x0;
	s26 =	simm.s32 $0x8;
	[tilespmem:v63+s20+$0x0] =	vst.idx.msk $0xffff, v62  }
0xcf: {  	p1 =	seq.s32 s23, $0x79  }
.Ltmp7:
0xd0: {  	_ = 	snop;
	(pc) =	sbr.rel @p1 .LBB2_12-.Ltmp7, $3  }
0xd1: {  	_ =	sdelay $0x1  }
0xd2: {  	s0 =	sadd.s32 s25, s10  }
0xd3: {  	[hbm4b:s0+s3] =	stream.linear.scatter [tilespmem:s20], [sflag:$0x2], $0x800, $0x38;
	[tilespmem:$0x2000] =	vst v63  }
.Ltmp8:
0xd4: {  	(pc) =	sbr.rel .LBB2_2-.Ltmp8, $4  }
0xd5: {  	s0 =	sadd.s32 s8, s24  }
0xd6: {  	s0 =	sshll.u32 s0, $0x7  }
0xd7: {  	s23 =	sadd.s32 $0x1, s23;
	s0 =	sadd.s32 s2, s0  }
0xd8: {  	[tilespmem:s16], [sflag:$0x1] =	stream.strided.gather [hbm4b:s0+s14], $0x800, s15, s14, $0x38;
	[tilespmem:$0x2000] =	vst v63  }
.LBB2_12:
0xd9: {  	_ =	swait.ge [sflag:s19], $0x800  }
.Ltmp9:
0xda: {  	[sflag:s19] =	ssyncset.done $0x0;
	(pc) =	sbr.rel @p0 .LBB2_16-.Ltmp9, $4  }
0xdb: {  	[sflag:s19] =	ssyncadd.s32 $0xFFFFF800  }
0xdc: {  	_ =	swait.ge [sflag:s19], $0x800  }
0xdd: {  	[sflag:s19] =	ssyncset.done $0x0  }
0xde: {  	[sflag:s19] =	ssyncadd.s32 $0xFFFFF800  }
0xdf: {  	s23 =	simm.s32 $0x0;
	s0 =	rddreg [dreg:$0x4]  }
0xe0: {  	[tilespmem:s23], [sflag:$0x3] =	stream.strided.gather [hbm4b:s0+s14], $0x800, s15, s14, $0x38;
	[tilespmem:$0x2000] =	vst v63  }
0xe1: {  	_ =	swait.ge [sflag:s21], $0x800  }
0xe2: {  	[sflag:s21] =	ssyncset.done $0x0  }
0xe3: {  	p1 =	por $0x1, $0x1;
	[sflag:s21] =	ssyncadd.s32 $0xFFFFF800  }
.LBB2_14:
0xe4: {  	s0 =	sshll.u32 s23, $0x7;
	s1 =	sor.u32 $0x1, s23  }
0xe5: {  	s0 =	sand.u32 $0x3FFFFF80, s0;
	s6 =	sshll.u32 s1, $0x7  }
0xe6: {  	v2 =	vor.u32 s23, v0;
	v1 =	vld [tilespmem:s0+$0x0];
	s6 =	sand.u32 $0x3FFFFF80, s6  }
0xe7: {  	v4 =	vor.u32 s1, v0;
	v3 =	vld [tilespmem:s6+$0x0];
	_ =	sdelay $0x3  }
0xe8: {  	s12 =	sor.u32 $0x100, s23;
	[tilespmem:v2+s18+$0x0] =	vst.idx.msk $0xffff, v1  }
0xe9: {  	s24 =	sor.u32 $0x101, s23;
	v2 =	vor.u32 s12, v0;
	v1 =	vld [tilespmem:s0+$0x10];
	[tilespmem:v4+s18+$0x0] =	vst.idx.msk $0xffff, v3  }
0xea: {  	v32 =	vor.u32 s24, v0;
	v3 =	vld [tilespmem:s6+$0x10];
	_ =	sdelay $0x3  }
0xeb: {  	s25 =	sor.u32 $0x200, s23;
	[tilespmem:v2+s18+$0x0] =	vst.idx.msk $0xffff, v1  }
0xec: {  	s26 =	sor.u32 $0x201, s23;
	v2 =	vor.u32 s25, v0;
	v1 =	vld [tilespmem:s0+$0x20];
	[tilespmem:v32+s18+$0x0] =	vst.idx.msk $0xffff, v3  }
0xed: {  	v33 =	vor.u32 s26, v0;
	v3 =	vld [tilespmem:s6+$0x20];
	_ =	sdelay $0x3  }
0xee: {  	s28 =	sor.u32 $0x300, s23;
	[tilespmem:v2+s18+$0x0] =	vst.idx.msk $0xffff, v1  }
0xef: {  	s29 =	sor.u32 $0x301, s23;
	v2 =	vor.u32 s28, v0;
	v1 =	vld [tilespmem:s0+$0x30];
	[tilespmem:v33+s18+$0x0] =	vst.idx.msk $0xffff, v3  }
0xf0: {  	v34 =	vor.u32 s29, v0;
	v3 =	vld [tilespmem:s6+$0x30];
	_ =	sdelay $0x3  }
0xf1: {  	s30 =	sor.u32 $0x400, s23;
	[tilespmem:v2+s18+$0x0] =	vst.idx.msk $0xffff, v1  }
0xf2: {  	s31 =	sor.u32 $0x401, s23;
	v2 =	vor.u32 s30, v0;
	v1 =	vld [tilespmem:s0+$0x40];
	[tilespmem:v34+s18+$0x0] =	vst.idx.msk $0xffff, v3  }
0xf3: {  	v35 =	vor.u32 s31, v0;
	v3 =	vld [tilespmem:s6+$0x40];
	_ =	sdelay $0x3  }
0xf4: {  	s11 =	sor.u32 $0x500, s23;
	[tilespmem:v2+s18+$0x0] =	vst.idx.msk $0xffff, v1  }
0xf5: {  	s12 =	sor.u32 $0x501, s23;
	v2 =	vor.u32 s11, v0;
	v1 =	vld [tilespmem:s0+$0x50];
	[tilespmem:v35+s18+$0x0] =	vst.idx.msk $0xffff, v3  }
0xf6: {  	v36 =	vor.u32 s12, v0;
	v3 =	vld [tilespmem:s6+$0x50];
	_ =	sdelay $0x3  }
0xf7: {  	s24 =	sor.u32 $0x600, s23;
	[tilespmem:v2+s18+$0x0] =	vst.idx.msk $0xffff, v1  }
0xf8: {  	s25 =	sor.u32 $0x601, s23;
	v2 =	vor.u32 s24, v0;
	v1 =	vld [tilespmem:s0+$0x60];
	[tilespmem:v36+s18+$0x0] =	vst.idx.msk $0xffff, v3  }
0xf9: {  	v37 =	vor.u32 s25, v0;
	v3 =	vld [tilespmem:s6+$0x60];
	_ =	sdelay $0x3  }
0xfa: {  	s26 =	sor.u32 $0x700, s23;
	s11 =	sor.u32 $0x2, s23;
	[tilespmem:v2+s18+$0x0] =	vst.idx.msk $0xffff, v1  }
0xfb: {  	s12 =	sor.u32 $0x3, s23;
	s28 =	sor.u32 $0x701, s23;
	s29 =	sshll.u32 s11, $0x7;
	v2 =	vor.u32 s26, v0;
	v1 =	vld [tilespmem:s0+$0x70];
	[tilespmem:v37+s18+$0x0] =	vst.idx.msk $0xffff, v3  }
0xfc: {  	s31 =	sor.u32 $0x4, s23;
	v38 =	vor.u32 s28, v0;
	s30 =	sshll.u32 s12, $0x7;
	s24 =	sand.u32 $0x3FFFFF80, s29;
	v3 =	vld [tilespmem:s6+$0x70]  }
0xfd: {  	s25 =	sand.u32 $0x3FFFFF80, s30;
	v6 =	vor.u32 s11, v0;
	s11 =	sor.u32 $0x5, s23;
	v5 =	vld [tilespmem:s24+$0x0];
	s6 =	sshll.u32 s31, $0x7  }
0xfe: {  	v8 =	vor.u32 s12, v0;
	v7 =	vld [tilespmem:s25+$0x0];
	s28 =	sshll.u32 s11, $0x7;
	s29 =	sor.u32 $0x6, s23;
	s26 =	sand.u32 $0x3FFFFF80, s6  }
0xff: {  	v10 =	vor.u32 s31, v0;
	s28 =	sand.u32 $0x3FFFFF80, s28;
	s30 =	sshll.u32 s29, $0x7;
	s31 =	sor.u32 $0x7, s23;
	v9 =	vld [tilespmem:s26+$0x0]  }
0x100: {  	s0 =	sand.u32 $0x3FFFFF80, s30;
	s6 =	sshll.u32 s31, $0x7;
	[tilespmem:v2+s18+$0x0] =	vst.idx.msk $0xffff, v1;
	v1 =	vld [tilespmem:s28+$0x0];
	v2 =	vor.u32 s11, v0  }
0x101: {  	v11 =	vor.u32 s29, v0;
	s1 =	sand.u32 $0x3FFFFF80, s6;
	[tilespmem:v38+s18+$0x0] =	vst.idx.msk $0xffff, v3;
	v3 =	vld [tilespmem:s0+$0x0]  }
0x102: {  	[tilespmem:v6+s18+$0x0] =	vst.idx.msk $0xffff, v5;
	v39 =	vor.u32 s31, v0;
	v40 =	vld [tilespmem:s1+$0x0];
	s11 =	sor.u32 $0x102, s23  }
0x103: {  	s12 =	sor.u32 $0x103, s23;
	[tilespmem:v8+s18+$0x0] =	vst.idx.msk $0xffff, v7;
	v6 =	vld [tilespmem:s24+$0x10];
	v41 =	vor.u32 s11, v0  }
0x104: {  	v42 =	vor.u32 s12, v0;
	v8 =	vld [tilespmem:s25+$0x10];
	s29 =	sor.u32 $0x104, s23;
	[tilespmem:v10+s18+$0x0] =	vst.idx.msk $0xffff, v9  }
0x105: {  	s30 =	sor.u32 $0x105, s23;
	v10 =	vld [tilespmem:s26+$0x10];
	[tilespmem:v2+s18+$0x0] =	vst.idx.msk $0xffff, v1;
	v1 =	vor.u32 s29, v0  }
0x106: {  	s31 =	sor.u32 $0x106, s23;
	v2 =	vld [tilespmem:s28+$0x10];
	[tilespmem:v11+s18+$0x0] =	vst.idx.msk $0xffff, v3;
	v3 =	vor.u32 s30, v0  }
0x107: {  	v43 =	vor.u32 s31, v0;
	s11 =	sor.u32 $0x107, s23;
	[tilespmem:v39+s18+$0x0] =	vst.idx.msk $0xffff, v40;
	v11 =	vld [tilespmem:s0+$0x10]  }
0x108: {  	s12 =	sor.u32 $0x202, s23;
	v44 =	vor.u32 s11, v0;
	v45 =	vld [tilespmem:s1+$0x10];
	[tilespmem:v41+s18+$0x0] =	vst.idx.msk $0xffff, v6  }
0x109: {  	v46 =	vor.u32 s12, v0;
	[tilespmem:v42+s18+$0x0] =	vst.idx.msk $0xffff, v8;
	s29 =	sor.u32 $0x203, s23;
	v7 =	vld [tilespmem:s24+$0x20]  }
0x10a: {  	v9 =	vld [tilespmem:s25+$0x20];
	s30 =	sor.u32 $0x204, s23;
	[tilespmem:v1+s18+$0x0] =	vst.idx.msk $0xffff, v10;
	v1 =	vor.u32 s29, v0  }
0x10b: {  	s31 =	sor.u32 $0x205, s23;
	v10 =	vld [tilespmem:s26+$0x20];
	[tilespmem:v3+s18+$0x0] =	vst.idx.msk $0xffff, v2;
	v2 =	vor.u32 s30, v0  }
0x10c: {  	v47 =	vor.u32 s31, v0;
	s11 =	sor.u32 $0x206, s23;
	v3 =	vld [tilespmem:s28+$0x20];
	[tilespmem:v43+s18+$0x0] =	vst.idx.msk $0xffff, v11  }
0x10d: {  	s12 =	sor.u32 $0x207, s23;
	v48 =	vor.u32 s11, v0;
	[tilespmem:v44+s18+$0x0] =	vst.idx.msk $0xffff, v45;
	v11 =	vld [tilespmem:s0+$0x20]  }
0x10e: {  	v49 =	vor.u32 s12, v0;
	s29 =	sor.u32 $0x302, s23;
	v50 =	vld [tilespmem:s1+$0x20];
	[tilespmem:v46+s18+$0x0] =	vst.idx.msk $0xffff, v7  }
0x10f: {  	s30 =	sor.u32 $0x303, s23;
	v8 =	vld [tilespmem:s24+$0x30];
	[tilespmem:v1+s18+$0x0] =	vst.idx.msk $0xffff, v9;
	v1 =	vor.u32 s29, v0  }
0x110: {  	s31 =	sor.u32 $0x304, s23;
	v9 =	vld [tilespmem:s25+$0x30];
	[tilespmem:v2+s18+$0x0] =	vst.idx.msk $0xffff, v10;
	v2 =	vor.u32 s30, v0  }
0x111: {  	s11 =	sor.u32 $0x305, s23;
	v10 =	vld [tilespmem:s26+$0x30];
	[tilespmem:v47+s18+$0x0] =	vst.idx.msk $0xffff, v3;
	v3 =	vor.u32 s31, v0  }
0x112: {  	s12 =	sor.u32 $0x306, s23;
	v51 =	vor.u32 s11, v0;
	v4 =	vld [tilespmem:s28+$0x30];
	[tilespmem:v48+s18+$0x0] =	vst.idx.msk $0xffff, v11  }
0x113: {  	v52 =	vor.u32 s12, v0;
	s29 =	sor.u32 $0x307, s23;
	[tilespmem:v49+s18+$0x0] =	vst.idx.msk $0xffff, v50;
	v11 =	vld [tilespmem:s0+$0x30]  }
0x114: {  	s30 =	sor.u32 $0x402, s23;
	v7 =	vld [tilespmem:s1+$0x30];
	[tilespmem:v1+s18+$0x0] =	vst.idx.msk $0xffff, v8;
	v1 =	vor.u32 s29, v0  }
0x115: {  	s31 =	sor.u32 $0x403, s23;
	v8 =	vld [tilespmem:s24+$0x40];
	[tilespmem:v2+s18+$0x0] =	vst.idx.msk $0xffff, v9;
	v2 =	vor.u32 s30, v0  }
0x116: {  	s11 =	sor.u32 $0x404, s23;
	v9 =	vld [tilespmem:s25+$0x40];
	[tilespmem:v3+s18+$0x0] =	vst.idx.msk $0xffff, v10;
	v3 =	vor.u32 s31, v0  }
0x117: {  	s12 =	sor.u32 $0x405, s23;
	v53 =	vor.u32 s11, v0;
	v10 =	vld [tilespmem:s26+$0x40];
	[tilespmem:v51+s18+$0x0] =	vst.idx.msk $0xffff, v4  }
0x118: {  	v54 =	vor.u32 s12, v0;
	s29 =	sor.u32 $0x406, s23;
	v5 =	vld [tilespmem:s28+$0x40];
	[tilespmem:v52+s18+$0x0] =	vst.idx.msk $0xffff, v11  }
0x119: {  	s30 =	sor.u32 $0x407, s23;
	v11 =	vld [tilespmem:s0+$0x40];
	[tilespmem:v1+s18+$0x0] =	vst.idx.msk $0xffff, v7;
	v1 =	vor.u32 s29, v0  }
0x11a: {  	s31 =	sor.u32 $0x502, s23;
	[tilespmem:v2+s18+$0x0] =	vst.idx.msk $0xffff, v8;
	v2 =	vor.u32 s30, v0;
	v7 =	vld [tilespmem:s1+$0x40]  }
0x11b: {  	s11 =	sor.u32 $0x503, s23;
	v8 =	vld [tilespmem:s24+$0x50];
	[tilespmem:v3+s18+$0x0] =	vst.idx.msk $0xffff, v9;
	v3 =	vor.u32 s31, v0  }
0x11c: {  	s12 =	sor.u32 $0x504, s23;
	v55 =	vor.u32 s11, v0;
	v9 =	vld [tilespmem:s25+$0x50];
	[tilespmem:v53+s18+$0x0] =	vst.idx.msk $0xffff, v10  }
0x11d: {  	v56 =	vor.u32 s12, v0;
	s29 =	sor.u32 $0x505, s23;
	v10 =	vld [tilespmem:s26+$0x50];
	[tilespmem:v54+s18+$0x0] =	vst.idx.msk $0xffff, v5  }
0x11e: {  	s30 =	sor.u32 $0x506, s23;
	v6 =	vld [tilespmem:s28+$0x50];
	[tilespmem:v1+s18+$0x0] =	vst.idx.msk $0xffff, v11;
	v1 =	vor.u32 s29, v0  }
0x11f: {  	s31 =	sor.u32 $0x507, s23;
	v11 =	vld [tilespmem:s0+$0x50];
	[tilespmem:v2+s18+$0x0] =	vst.idx.msk $0xffff, v7;
	v2 =	vor.u32 s30, v0  }
0x120: {  	s11 =	sor.u32 $0x602, s23;
	[tilespmem:v3+s18+$0x0] =	vst.idx.msk $0xffff, v8;
	v3 =	vor.u32 s31, v0;
	v7 =	vld [tilespmem:s1+$0x50]  }
0x121: {  	s12 =	sor.u32 $0x603, s23;
	v57 =	vor.u32 s11, v0;
	v8 =	vld [tilespmem:s24+$0x60];
	[tilespmem:v55+s18+$0x0] =	vst.idx.msk $0xffff, v9  }
0x122: {  	v58 =	vor.u32 s12, v0;
	s29 =	sor.u32 $0x604, s23;
	v9 =	vld [tilespmem:s25+$0x60];
	[tilespmem:v56+s18+$0x0] =	vst.idx.msk $0xffff, v10  }
0x123: {  	s30 =	sor.u32 $0x605, s23;
	v10 =	vld [tilespmem:s26+$0x60];
	[tilespmem:v1+s18+$0x0] =	vst.idx.msk $0xffff, v6;
	v1 =	vor.u32 s29, v0  }
0x124: {  	s31 =	sor.u32 $0x606, s23;
	v6 =	vld [tilespmem:s28+$0x60];
	[tilespmem:v2+s18+$0x0] =	vst.idx.msk $0xffff, v11;
	v2 =	vor.u32 s30, v0  }
0x125: {  	s11 =	sor.u32 $0x607, s23;
	v11 =	vld [tilespmem:s0+$0x60];
	[tilespmem:v3+s18+$0x0] =	vst.idx.msk $0xffff, v7;
	v3 =	vor.u32 s31, v0  }
0x126: {  	s12 =	sor.u32 $0x702, s23;
	v59 =	vor.u32 s11, v0;
	[tilespmem:v57+s18+$0x0] =	vst.idx.msk $0xffff, v8;
	v7 =	vld [tilespmem:s1+$0x60]  }
0x127: {  	v60 =	vor.u32 s12, v0;
	v8 =	vld [tilespmem:s24+$0x70];
	[tilespmem:v58+s18+$0x0] =	vst.idx.msk $0xffff, v9;
	s24 =	sor.u32 $0x703, s23  }
0x128: {  	v9 =	vld [tilespmem:s25+$0x70];
	[tilespmem:v1+s18+$0x0] =	vst.idx.msk $0xffff, v10;
	v1 =	vor.u32 s24, v0;
	s25 =	sor.u32 $0x704, s23  }
0x129: {  	s29 =	sor.u32 $0x705, s23;
	v10 =	vld [tilespmem:s26+$0x70];
	[tilespmem:v2+s18+$0x0] =	vst.idx.msk $0xffff, v6;
	v2 =	vor.u32 s25, v0  }
0x12a: {  	s30 =	sor.u32 $0x706, s23;
	v6 =	vld [tilespmem:s28+$0x70];
	[tilespmem:v3+s18+$0x0] =	vst.idx.msk $0xffff, v11;
	v3 =	vor.u32 s29, v0  }
0x12b: {  	v61 =	vor.u32 s30, v0;
	s31 =	sor.u32 $0x707, s23;
	v11 =	vld [tilespmem:s0+$0x70];
	[tilespmem:v59+s18+$0x0] =	vst.idx.msk $0xffff, v7  }
0x12c: {  	p2 =	por p1, p1;
	v63 =	vor.u32 s31, v0;
	[tilespmem:v60+s18+$0x0] =	vst.idx.msk $0xffff, v8;
	v62 =	vld [tilespmem:s1+$0x70]  }
.Ltmp10:
0x12d: {  	[tilespmem:v1+s18+$0x0] =	vst.idx.msk $0xffff, v9;
	(pc) =	sbr.rel @p2 .LBB2_14-.Ltmp10, $4  }
0x12e: {  	[tilespmem:v2+s18+$0x0] =	vst.idx.msk $0xffff, v10  }
0x12f: {  	[tilespmem:v3+s18+$0x0] =	vst.idx.msk $0xffff, v6  }
0x130: {  	[tilespmem:v61+s18+$0x0] =	vst.idx.msk $0xffff, v11  }
0x131: {  	p1 =	por $0x0, $0x0;
	s23 =	simm.s32 $0x8;
	[tilespmem:v63+s18+$0x0] =	vst.idx.msk $0xffff, v62  }
.Ltmp11:
0x132: {  	s0 =	rddreg [dreg:$0x5];
	(pc) =	sbr.rel .LBB2_16-.Ltmp11, $4  }
0x133: {  	[hbm4b:s0+s3] =	stream.linear.scatter [tilespmem:s18], [sflag:$0x3], $0x800, $0x38;
	[tilespmem:$0x2000] =	vst v63  }
0x134: {  	_ =	swait.ge [sflag:s21], $0x800  }
0x135: {  	[sflag:s21] =	ssyncset.done $0x0  }
0x136: {  	[sflag:s21] =	ssyncadd.s32 $0xFFFFF800  }
.LBB2_17:
0x137: {  	_ =	sfence.sel $0x180000  }
0x138: {  	[bflag:$0x0] =	sbarrier.arrive $0xFFFF  }
0x139: {  	_ =	strace $0x90000047  }
0x13a: {  	s0 =	stileid.u32;
	[bflag:$0x2] =	sbarrier.arrive $0xFFFF  }
0x13b: {  	p0 =	sne.s32 s0, $0x0;
	s0 =	rddreg [dreg:$0x2]  }
0x13c: {  	s0 =	sadd.s32 @!p0 $0x100000, s0  }
0x13d: {  	[sflag:s0] =	ssyncadd.tile.s32 @!p0 $0x1;
	_ =	shalt  }
.Lfunc_end2:
_tile_overlayer_lowered:
.L_overlay_start_2:
0x13e: {  	(tag) =	ssettag $0x2  }
0x13f: {  	s0 =	rddreg [dreg:$0x0];
	s2 =	stileid.u32  }
0x140: {  	s1 =	rddreg [dreg:$0x1];
	p0 =	sne.s32 s2, $0x0  }
0x141: {  	s3 =	rddreg [dreg:$0x2];
	[bflag:$0x3] =	sbarrier.arrive $0xFFFF;
	s2 =	simm.s32 @!p0 $0x1C03  }
0x142: {  	[timem:s3], [sflag:s2] =	dma.local @!p0 [hbm:s0], s1  }
0x143: {  	s0 =	simm.s32 @!p0 $0x3  }
0x144: {  	_ =	swait.ge @!p0 [sflag:s0], s1  }
0x145: {  	s1 =	ssub.s32 @!p0 $0x0, s1;
	[sflag:s0] =	ssyncset.done @!p0 $0x0  }
0x146: {  	[sflag:s0] =	ssyncadd.s32 @!p0 s1  }
0x147: {  	[bflag:$0x3] =	sbarrier.arrive $0xFFFF  }
0x148: {  	_ =	shalt  }

// kernel: kernel.9.cloned.1.call-start
scs
__scs_entry_jumppad:
0x0: {  	(pc) =	sbr.rel $0x88, $3  }
0x1: {  	(tag) =	ssettag $0x0;
	lr =	simm.s32 $0x1  }
0x2: {  	[smem:$0x3F97] =	sst lr;
	_ =	strace $0xD0000000  }
0x3: {  	_ = 	snop  }
0x4: {  	_ = 	snop  }
0x5: {  	_ = 	snop  }
0x6: {  	_ = 	snop  }
0x7: {  	_ = 	snop  }
__scs_overlays_trampoline_lowered:
0x8: {  	[smem:$0x3FA6] =	sst s0  }
0x9: {  	[smem:$0x3FA7] =	sst s1  }
0xa: {  	[smem:$0x3FA8] =	sst s2  }
0xb: {  	[smem:$0x3FA9] =	sst s3  }
0xc: {  	[smem:$0x3FAA] =	sst s4  }
0xd: {  	[smem:$0x3FAB] =	sst s5  }
0xe: {  	[smem:$0x3FAC] =	sst s6  }
0xf: {  	[smem:$0x3FAD] =	sst s7  }
0x10: {  	[smem:$0x3FAE] =	sst s8  }
0x11: {  	[smem:$0x3FAF] =	sst s9;
	s0 =	simm.s32 @!p0 $0x0  }
0x12: {  	s1 =	sld [smem:$0x3F95];
	s0 =	simm.s32 @p0 $0x1  }
0x13: {  	[smem:$0x3FB0] =	sst s0;
	s0 =	simm.s32 @!p1 $0x0  }
0x14: {  	s2 =	sld [smem:$0x3F94];
	s0 =	simm.s32 @p1 $0x1  }
0x15: {  	[smem:$0x3FB1] =	sst s0;
	s0 =	simm.s32 @!p2 $0x0  }
0x16: {  	s3 =	sld [smem:$0x3FDB];
	s0 =	simm.s32 @p2 $0x1  }
0x17: {  	s4 =	simm.s32 $0x1BF5;
	[smem:$0x3FB3] =	sst s0  }
0x18: {  	s0 =	sld [smem:$0x3F96];
	_ =	swait.ge [sflag:s4], $0x0  }
0x19: {  	s7 =	sld [smem:$0x3F97]  }
0x1a: {  	s8 =	sadd.s32 $0xFFFFE003, lr  }
0x1b: {  	s9 =	sadd.s32 $0xFFFFFEF7, lr;
	s5 =	simm.s32 $0xFFFFFFFF;
	p2 =	slt.u32 s8, $0xFFFFF086  }
0x1c: {  	p1 =	slt.u32 s9, $0xF7A;
	s5 =	simm.s32 @!p2 $0x0  }
0x1d: {  	s5 =	simm.s32 @p1 $0x1;
	p0 =	seq.s32 s7, s2  }
0x1e: {  	s7 =	smul.u32 @!p0 $0xF7A, s2;
	p2 =	seq.s32 @!p0 s5, $0x0  }
0x1f: {  	s9 =	smul.u32 $0xF7A, s1;
	s8 =	simm.s32 @!p0 $0x1BF5;
	p2 =	por !p2, p0  }
0x20: {  	[sflag:s8] =	ssyncset.s32 @!p0 $0xFFFFF086;
	s6 =	sadd.s32 @!p0 s3, s7;
	s7 =	simm.s32 @!p0 $0x108  }
0x21: {  	s3 =	sadd.s32 s3, s9;
	s6 =	sadd.s32 @!p0 $0x88, s6;
	s7 =	simm.s32 @p2 $0x1082  }
0x22: {  	[simem:s7], [sflag:s8] =	dma.local @!p0 [hbm:s6], $0xF7A  }
0x23: {  	s9 =	sor.u32 $0xD0000000, s2;
	s6 =	simm.s32 $0x108;
	_ =	swait.ge @!p0 [sflag:s8], $0x0  }
0x24: {  	s3 =	sadd.s32 $0x88, s3;
	s6 =	simm.s32 @!p1 $0x1082;
	[sflag:s4] =	ssyncset.s32 $0xFFFFF086  }
0x25: {  	[simem:s6], [sflag:s4] =	dma.local [hbm:s3], $0xF7A  }
0x26: {  	[smem:$0x3F97] =	sst s1;
	(tag) =	ssettag s2;
	_ =	strace s9  }
0x27: {  	s1 =	sld [smem:$0x3FA7]  }
0x28: {  	s2 =	sld [smem:$0x3FA8]  }
0x29: {  	s4 =	sld [smem:$0x3FAA]  }
0x2a: {  	p0 =	seq.s32 s5, $0x0;
	s5 =	sld [smem:$0x3FAB]  }
0x2b: {  	s6 =	sld [smem:$0x3FAC]  }
0x2c: {  	s7 =	sld [smem:$0x3FAD]  }
0x2d: {  	s3 =	simm.s32 $0x108;
	s8 =	sld [smem:$0x3FAE]  }
0x2e: {  	s3 =	simm.s32 @!p0 $0x1082;
	s9 =	sld [smem:$0x3FAF]  }
0x2f: {  	lr =	sadd.s32 s0, s3;
	s0 =	sld [smem:$0x3FA6]  }
0x30: {  	s3 =	sld [smem:$0x3FA9]  }
0x31: {  	[smem:$0x3FB2] =	sst s10  }
0x32: {  	s10 =	sld [smem:$0x3FB0];
	_ =	sdelay $0x3  }
0x33: {  	p0 =	seq.s32 s10, $0x1;
	s10 =	sld [smem:$0x3FB2];
	_ =	sdelay $0x3  }
0x34: {  	[smem:$0x3FB2] =	sst s10  }
0x35: {  	s10 =	sld [smem:$0x3FB1];
	_ =	sdelay $0x3  }
0x36: {  	p1 =	seq.s32 s10, $0x1;
	s10 =	sld [smem:$0x3FB2];
	_ =	sdelay $0x3  }
0x37: {  	[smem:$0x3FB2] =	sst s10  }
0x38: {  	s10 =	sld [smem:$0x3FB3]  }
0x39: {  	_ = 	snop;
	(pc) =	sbr.ind lr, $3  }
0x3a: {  	_ = 	snop  }
0x3b: {  	_ = 	snop  }
0x3c: {  	p2 =	seq.s32 s10, $0x1;
	s10 =	sld [smem:$0x3FB2]  }
0x3d: {  	_ =	shalt  }
0x3e: {  	_ =	shalt  }
0x3f: {  	_ =	shalt  }
0x40: {  	_ =	shalt  }
0x41: {  	_ =	shalt  }
0x42: {  	_ =	shalt  }
0x43: {  	_ =	shalt  }
0x44: {  	_ =	shalt  }
0x45: {  	_ =	shalt  }
0x46: {  	_ =	shalt  }
0x47: {  	_ =	shalt  }
0x48: {  	_ =	shalt  }
0x49: {  	_ =	shalt  }
0x4a: {  	_ =	shalt  }
0x4b: {  	_ =	shalt  }
0x4c: {  	_ =	shalt  }
0x4d: {  	_ =	shalt  }
0x4e: {  	_ =	shalt  }
0x4f: {  	_ =	shalt  }
0x50: {  	_ =	shalt  }
0x51: {  	_ =	shalt  }
0x52: {  	_ =	shalt  }
0x53: {  	_ =	shalt  }
0x54: {  	_ =	shalt  }
0x55: {  	_ =	shalt  }
0x56: {  	_ =	shalt  }
0x57: {  	_ =	shalt  }
0x58: {  	_ =	shalt  }
0x59: {  	_ =	shalt  }
0x5a: {  	_ =	shalt  }
0x5b: {  	_ =	shalt  }
0x5c: {  	_ =	shalt  }
0x5d: {  	_ =	shalt  }
0x5e: {  	_ =	shalt  }
0x5f: {  	_ =	shalt  }
0x60: {  	_ =	shalt  }
0x61: {  	_ =	shalt  }
0x62: {  	_ =	shalt  }
0x63: {  	_ =	shalt  }
0x64: {  	_ =	shalt  }
0x65: {  	_ =	shalt  }
0x66: {  	_ =	shalt  }
0x67: {  	_ =	shalt  }
0x68: {  	_ =	shalt  }
0x69: {  	_ =	shalt  }
0x6a: {  	_ =	shalt  }
0x6b: {  	_ =	shalt  }
0x6c: {  	_ =	shalt  }
0x6d: {  	_ =	shalt  }
0x6e: {  	_ =	shalt  }
0x6f: {  	_ =	shalt  }
0x70: {  	_ =	shalt  }
0x71: {  	_ =	shalt  }
0x72: {  	_ =	shalt  }
0x73: {  	_ =	shalt  }
0x74: {  	_ =	shalt  }
0x75: {  	_ =	shalt  }
0x76: {  	_ =	shalt  }
0x77: {  	_ =	shalt  }
0x78: {  	_ =	shalt  }
0x79: {  	_ =	shalt  }
0x7a: {  	_ =	shalt  }
0x7b: {  	_ =	shalt  }
0x7c: {  	_ =	shalt  }
0x7d: {  	_ =	shalt  }
0x7e: {  	_ =	shalt  }
0x7f: {  	_ =	shalt  }
0x80: {  	_ =	shalt  }
0x81: {  	_ =	shalt  }
0x82: {  	_ =	shalt  }
0x83: {  	_ =	shalt  }
0x84: {  	_ =	shalt  }
0x85: {  	_ =	shalt  }
0x86: {  	_ =	shalt  }
0x87: {  	_ =	shalt  }
.Lfunc_end0:
.L_simem_size_0:
called_computation.1_lowered:
.L_overlay_start_0:
0x88: {  	s2 =	sld [smem:$0x3FD9]  }
0x89: {  	s3 =	sld [smem:$0x3FFE];
	_ =	sdelay $0x1  }
0x8a: {  	s1 =	srdreg.scid  }
0x8b: {  	s0 =	sand.u32 $0x1, s1  }
0x8c: {  	s17 =	sshll.u32 s0, $0xA;
	s2 =	sadd.s32 s3, s2  }
0x8d: {  	s2 =	sadd.s32 s2, s17  }
0x8e: {  	[smem:$0x3FBE] =	sst s2  }
0x8f: {  	_ = 	snop  }
0x90: {  	s2 =	sld [smem:$0x3FD0];
	(tm) =	ssettm $0x1  }
0x91: {  	s18 =	sld [smem:$0x3FFB];
	_ =	sdelay $0x3  }
0x92: {  	_ =	strace s18  }
0x93: {  	s3 =	sld [smem:$0x3FFC];
	_ =	sdelay $0x3  }
0x94: {  	_ =	strace s3  }
0x95: {  	s3 =	sld [smem:$0x3FFD];
	_ =	sdelay $0x3  }
0x96: {  	_ =	strace s3  }
0x97: {  	_ =	strace $0x8FFFFFFF  }
0x98: {  	s19 =	sld [smem:$0x3FDB];
	_ =	sdelay $0x1  }
0x99: {  	s4 =	simm.s32 $_scs_section_size  }
0x9a: {  	s5 =	simm.s32 $_size__tile_overlayer_lowered;
	s6 =	simm.s32 $_tile_overlayer_lowered  }
0x9b: {  	s22 =	simm.s32 $0x1BFF;
	s21 =	sshll.u32 s6, $0x1;
	s3 =	sadd.s32 s4, s19  }
0x9c: {  	s7 =	simm.s32 $0x0;
	s20 =	sshll.u32 s5, $0x1;
	s5 =	sadd.s32 s21, s3  }
0x9d: {  	[timem:s7], [sflag:s22] =	dma.local [hbm:s5], s20  }
0x9e: {  	_ =	swait.ge [sflag:s22], s20  }
0x9f: {  	s4 =	ssub.s32 $0x0, s20;
	[sflag:s22] =	ssyncset.done $0x0  }
0xa0: {  	[sflag:s22] =	ssyncadd.s32 s4;
	_ =	sdelay $0x1  }
0xa1: {  	s23 =	simm.s32 $0x1B8B  }
0xa2: {  	_ =	swait.ge [sflag:s23], $0x1  }
0xa3: {  	[sflag:s23] =	ssyncset.done $0x0  }
0xa4: {  	s25 =	simm.s32 $0x1B8E;
	s24 =	sld [smem:$0x3FFE];
	[sflag:s23] =	ssyncadd.s32 $0xFFFFFFFF  }
0xa5: {  	s26 =	simm.s32 $execute0_lowered;
	[smem:$0x3FD2] =	sst s25  }
0xa6: {  	s5 =	sshll.u32 s26, $0x1;
	_ =	strace $0x80000049;
	[dreg:$0x1] =	wrdreg $0xFFFFFFFF  }
0xa7: {  	s28 =	simm.s32 $_size_execute0_lowered;
	s3 =	sadd.s32 s3, s5;
	[dreg:$0x0] =	wrdreg $0x0  }
0xa8: {  	s5 =	sshll.u32 s28, $0x1;
	[dreg:$0x2] =	wrdreg s3  }
0xa9: {  	[dreg:$0x3] =	wrdreg s5  }
0xaa: {  	[dreg:$0x4] =	wrdreg $0xC0  }
0xab: {  	_ =	task [dreg:s7], $0x5FFFF  }
0xac: {  	[dreg:$0x1] =	wrdreg $0xFFFFFFFF  }
0xad: {  	[dreg:$0x0] =	wrdreg $0x60  }
0xae: {  	[dreg:$0x2] =	wrdreg s24  }
0xaf: {  	[dreg:$0x3] =	wrdreg s2  }
0xb0: {  	[dreg:$0x4] =	wrdreg $0x9  }
0xb1: {  	_ =	task.clear_ibuf [dreg:s7], $0x5FFFF;
	_ =	strace $0x90000049  }
0xb2: {  	s29 =	simm.s32 $0x9;
	_ =	strace $0x8000004B  }
0xb3: {  	_ =	swait.ge [sflag:s29], $0x1  }
0xb4: {  	[sflag:s29] =	ssyncadd.s32 $0xFFFFFFFF  }
0xb5: {  	_ =	strace $0x9000004B  }
0xb6: {  	_ =	sfence  }
0xb7: {  	s30 =	sld [smem:$0x0];
	_ =	sdelay $0x2  }
0xb8: {  	s31 =	sshll.u32 s1, $0xD;
	s1 =	sshrl.u32 s1, $0x2  }
0xb9: {  	s3 =	sand.u32 $0x4000, s31;
	s1 =	sadd.s32 s1, s30  }
0xba: {  	s0 =	sor.u32 s3, s0;
	s1 =	sshll.u32 s1, $0x11  }
0xbb: {  	s0 =	sor.u32 s1, s0  }
0xbc: {  	s0 =	sadd.s32 $0x8F2B, s0  }
0xbd: {  	[sflag:s0] =	ssyncadd.remote.s32 $0x1  }
0xbe: {  	_ =	sfence.sel $0xFFFF  }
0xbf: {  	[dreg:$0x0] =	wrdreg $0xFFFFFFFF;
	(pc) =	sbr.abs _section_cstart, $3  }
0xc0: {  	[dreg:$0x1] =	wrdreg $0xFFFFFFFF  }
0xc1: {  	_ =	task.clear_ibuf [dreg:s7], $0x2FFFF;
	_ =	strace $0x9FFFFFFF  }
0xc2: {  	(tm) =	ssettm $0x7FFFFFFF  }
0xc3: {  	_ =	shalt  }
tec
execute0_lowered:
.L_overlay_start_1:
0x0: {  	(tag) =	ssettag $0x1  }
0x1: {  	s0 =	srdreg.scid  }
0x2: {  	s2 =	stileid.u32;
	s1 =	rddreg [dreg:$0x0]  }
0x3: {  	s5 =	rddreg [dreg:$0x1];
	s4 =	simm.s32 $0x0;
	s11 =	simm.s32 $0x4  }
0x4: {  	p0 =	por $0x0, $0x0;
	s12 =	simm.s32 $0x5;
	s10 =	simm.s32 $0x7  }
0x5: {  	s0 =	sand.u32 $0x1, s0;
	s2 =	sshll.u32 s2, $0x1;
	[smem:$0x7FF] =	sst s4  }
0x6: {  	s3 =	sadd.s32 $0x1E00, s1;
	s2 =	sor.u32 s0, s2;
	s0 =	ssub.s32 $0x2, s0  }
0x7: {  	s7 =	sadd.s32 $0x1EA400, s1;
	s2 =	smul.u32 $0x3400, s2;
	s9 =	sshrl.u32 s0, $0x1  }
0x8: {  	_ =	strace $0x8000004A;
	s0 =	ssub.s32 s0, s9;
	s9 =	simm.s32 $0x2700  }
0x9: {  	s6 =	sshrl.u32 s2, $0x3;
	s2 =	sadd.s32 $0x1F7400, s1;
	s0 =	smax.u32 s0, $0x1  }
0xa: {  	s13 =	sadd.s32 s5, s6;
	s14 =	sadd.s32 s7, s6;
	s8 =	sadd.s32 $0xD0, s6  }
0xb: {  	s17 =	sadd.s32 $0x1A0, s6;
	s19 =	sadd.s32 $0x270, s6;
	s20 =	sadd.s32 $0x340, s6  }
0xc: {  	s21 =	sadd.s32 $0x410, s6;
	s23 =	sadd.s32 $0x4E0, s6;
	s26 =	sadd.s32 $0x5B0, s6  }
0xd: {  	s6 =	simm.s32 $0x1A00;
	p1 =	sne.s32 s0, $0x1;
	[dreg:$0x3] =	wrdreg s13  }
0xe: {  	[dreg:$0x4] =	wrdreg s14;
	s15 =	sadd.s32 s5, s8;
	s16 =	sadd.s32 s7, s8  }
0xf: {  	s18 =	sadd.s32 s5, s17;
	s31 =	sadd.s32 s7, s17;
	s29 =	sadd.s32 s5, s19  }
0x10: {  	s30 =	sadd.s32 s7, s19;
	s25 =	sadd.s32 s5, s20;
	s28 =	sadd.s32 s7, s20  }
0x11: {  	s22 =	sadd.s32 s5, s21;
	s24 =	sadd.s32 s7, s21;
	s19 =	sadd.s32 s5, s23  }
0x12: {  	s21 =	sadd.s32 s7, s23;
	s8 =	simm.s32 $0x1380;
	s17 =	simm.s32 $0x1  }
.Ltmp0:
0x13: {  	s13 =	simm.s32 $0x2;
	[dreg:$0x5] =	wrdreg s15;
	(pc) =	sbr.rel @!p1 .LBB2_1-.Ltmp0, $4  }
0x14: {  	s23 =	simm.s32 $0xD00;
	s20 =	simm.s32 $0x2080;
	[dreg:$0x6] =	wrdreg s16  }
0x15: {  	s14 =	simm.s32 $0x6;
	[dreg:$0x7] =	wrdreg s18;
	s16 =	sadd.s32 s5, s26  }
0x16: {  	s18 =	sadd.s32 s7, s26;
	s5 =	simm.s32 $0x680;
	s7 =	simm.s32 $0x8F00  }
0x17: {  	s15 =	sadd.s32 $0xFFFFFFFF, s0;
	s26 =	simm.s32 $0x3;
	s0 =	rddreg [dreg:$0x3]  }
0x18: {  	[tilespmem:s4], [sflag:$0x1] =	stream.linear.gather [hbm4b:s0+s4], $0x680, $0x38;
	[tilespmem:$0xF700] =	vst v63  }
0x19: {  	s1 =	rddreg [dreg:$0x4]  }
0x1a: {  	[tilespmem:s8], [sflag:$0x1] =	stream.linear.gather [hbm4b:s1+s4], $0x680, $0x38;
	[tilespmem:$0xF700] =	vst v63  }
0x1b: {  	s0 =	rddreg [dreg:$0x5]  }
0x1c: {  	[tilespmem:s5], [sflag:$0x2] =	stream.linear.gather [hbm4b:s0+s4], $0x680, $0x38;
	[tilespmem:$0xF700] =	vst v63  }
0x1d: {  	s1 =	rddreg [dreg:$0x6]  }
0x1e: {  	[tilespmem:s6], [sflag:$0x2] =	stream.linear.gather [hbm4b:s1+s4], $0x680, $0x38;
	[tilespmem:$0xF700] =	vst v63  }
0x1f: {  	_ =	swait.ge [sflag:s17], $0x680  }
0x20: {  	[sflag:s17] =	ssyncset.done $0x0  }
0x21: {  	[sflag:s17] =	ssyncadd.s32 $0xFFFFF980  }
0x22: {  	_ =	swait.ge [sflag:s17], $0x680  }
0x23: {  	[sflag:s17] =	ssyncset.done $0x0  }
0x24: {  	[sflag:s17] =	ssyncadd.s32 $0xFFFFF980  }
0x25: {  	[tilespmem:s9], [sflag:$0x4] =	stream.indirect.gather [hbm4b:s3+s5], $0x10, s4, s5, $0xb8;
	[tilespmem:$0xF700] =	vst v63  }
0x26: {  	_ =	swait.ge [sflag:s13], $0x680  }
0x27: {  	[sflag:s13] =	ssyncset.done $0x0  }
0x28: {  	[sflag:s13] =	ssyncadd.s32 $0xFFFFF980  }
0x29: {  	_ =	swait.ge [sflag:s13], $0x680  }
0x2a: {  	[sflag:s13] =	ssyncset.done $0x0  }
0x2b: {  	[sflag:s13] =	ssyncadd.s32 $0xFFFFF980  }
0x2c: {  	[tilespmem:s7], [sflag:$0x5] =	stream.indirect.gather [hbm4b:s3+s5], $0x10, s5, s5, $0xb8;
	[tilespmem:$0xF700] =	vst v63  }
0x2d: {  	_ =	swait.ge [sflag:s11], $0x6800  }
0x2e: {  	[sflag:s11] =	ssyncset.done $0x0  }
0x2f: {  	[sflag:s11] =	ssyncadd.s32 $0xFFFF9800  }
0x30: {  	[hbm4b:s2+s5] =	stream.indirect.scatter [tilespmem:s9], [sflag:$0x6], $0x10, s8, s5, $0xb8;
	[tilespmem:$0xF700] =	vst v63  }
0x31: {  	s1 =	rddreg [dreg:$0x7]  }
0x32: {  	[tilespmem:s23], [sflag:$0x3] =	stream.linear.gather [hbm4b:s1+s4], $0x680, $0x38;
	[tilespmem:$0xF700] =	vst v63  }
0x33: {  	_ = 	snop  }
0x34: {  	[tilespmem:s20], [sflag:$0x3] =	stream.linear.gather [hbm4b:s31+s4], $0x680, $0x38;
	[tilespmem:$0xF700] =	vst v63  }
0x35: {  	_ =	swait.ge [sflag:s14], $0x6800  }
0x36: {  	[sflag:s14] =	ssyncset.done $0x0  }
0x37: {  	[sflag:s14] =	ssyncadd.s32 $0xFFFF9800  }
0x38: {  	_ =	swait.ge [sflag:s26], $0x680  }
0x39: {  	[sflag:s26] =	ssyncset.done $0x0  }
0x3a: {  	[sflag:s26] =	ssyncadd.s32 $0xFFFFF980  }
0x3b: {  	_ =	swait.ge [sflag:s26], $0x680  }
0x3c: {  	[sflag:s26] =	ssyncset.done $0x0  }
0x3d: {  	[sflag:s26] =	ssyncadd.s32 $0xFFFFF980  }
0x3e: {  	[tilespmem:s9], [sflag:$0x4] =	stream.indirect.gather [hbm4b:s3+s5], $0x10, s23, s5, $0xb8;
	[tilespmem:$0xF700] =	vst v63  }
0x3f: {  	_ =	swait.ge [sflag:s12], $0x6800  }
0x40: {  	[sflag:s12] =	ssyncset.done $0x0  }
0x41: {  	[sflag:s12] =	ssyncadd.s32 $0xFFFF9800  }
0x42: {  	[hbm4b:s2+s5] =	stream.indirect.scatter [tilespmem:s7], [sflag:$0x7], $0x10, s6, s5, $0xb8;
	[tilespmem:$0xF700] =	vst v63  }
0x43: {  	_ = 	snop  }
0x44: {  	[tilespmem:s4], [sflag:$0x1] =	stream.linear.gather [hbm4b:s29+s4], $0x680, $0x38;
	[tilespmem:$0xF700] =	vst v63  }
0x45: {  	_ = 	snop  }
0x46: {  	[tilespmem:s8], [sflag:$0x1] =	stream.linear.gather [hbm4b:s30+s4], $0x680, $0x38;
	[tilespmem:$0xF700] =	vst v63  }
0x47: {  	_ =	swait.ge [sflag:s10], $0x6800  }
0x48: {  	[sflag:s10] =	ssyncset.done $0x0  }
0x49: {  	[sflag:s10] =	ssyncadd.s32 $0xFFFF9800  }
0x4a: {  	_ =	swait.ge [sflag:s17], $0x680  }
0x4b: {  	[sflag:s17] =	ssyncset.done $0x0  }
0x4c: {  	[sflag:s17] =	ssyncadd.s32 $0xFFFFF980  }
0x4d: {  	_ =	swait.ge [sflag:s17], $0x680  }
0x4e: {  	[sflag:s17] =	ssyncset.done $0x0  }
0x4f: {  	[sflag:s17] =	ssyncadd.s32 $0xFFFFF980  }
0x50: {  	[tilespmem:s7], [sflag:$0x5] =	stream.indirect.gather [hbm4b:s3+s5], $0x10, s4, s5, $0xb8;
	[tilespmem:$0xF700] =	vst v63  }
0x51: {  	_ =	swait.ge [sflag:s11], $0x6800  }
0x52: {  	[sflag:s11] =	ssyncset.done $0x0  }
0x53: {  	[sflag:s11] =	ssyncadd.s32 $0xFFFF9800  }
0x54: {  	[hbm4b:s2+s5] =	stream.indirect.scatter [tilespmem:s9], [sflag:$0x6], $0x10, s20, s5, $0xb8;
	[tilespmem:$0xF700] =	vst v63  }
0x55: {  	_ = 	snop  }
0x56: {  	[tilespmem:s5], [sflag:$0x2] =	stream.linear.gather [hbm4b:s25+s4], $0x680, $0x38;
	[tilespmem:$0xF700] =	vst v63  }
0x57: {  	_ = 	snop  }
0x58: {  	[tilespmem:s6], [sflag:$0x2] =	stream.linear.gather [hbm4b:s28+s4], $0x680, $0x38;
	[tilespmem:$0xF700] =	vst v63  }
0x59: {  	_ =	swait.ge [sflag:s14], $0x6800  }
0x5a: {  	[sflag:s14] =	ssyncset.done $0x0  }
0x5b: {  	[sflag:s14] =	ssyncadd.s32 $0xFFFF9800  }
0x5c: {  	_ =	swait.ge [sflag:s13], $0x680  }
0x5d: {  	[sflag:s13] =	ssyncset.done $0x0  }
0x5e: {  	[sflag:s13] =	ssyncadd.s32 $0xFFFFF980  }
0x5f: {  	_ =	swait.ge [sflag:s13], $0x680  }
0x60: {  	[sflag:s13] =	ssyncset.done $0x0  }
0x61: {  	[sflag:s13] =	ssyncadd.s32 $0xFFFFF980  }
0x62: {  	[tilespmem:s9], [sflag:$0x4] =	stream.indirect.gather [hbm4b:s3+s5], $0x10, s5, s5, $0xb8;
	[tilespmem:$0xF700] =	vst v63  }
0x63: {  	_ =	swait.ge [sflag:s12], $0x6800  }
0x64: {  	[sflag:s12] =	ssyncset.done $0x0  }
0x65: {  	[sflag:s12] =	ssyncadd.s32 $0xFFFF9800  }
0x66: {  	[hbm4b:s2+s5] =	stream.indirect.scatter [tilespmem:s7], [sflag:$0x7], $0x10, s8, s5, $0xb8;
	[tilespmem:$0xF700] =	vst v63  }
0x67: {  	_ = 	snop  }
0x68: {  	[tilespmem:s23], [sflag:$0x3] =	stream.linear.gather [hbm4b:s22+s4], $0x680, $0x38;
	[tilespmem:$0xF700] =	vst v63  }
0x69: {  	_ = 	snop  }
0x6a: {  	[tilespmem:s20], [sflag:$0x3] =	stream.linear.gather [hbm4b:s24+s4], $0x680, $0x38;
	[tilespmem:$0xF700] =	vst v63  }
0x6b: {  	_ =	swait.ge [sflag:s10], $0x6800  }
0x6c: {  	[sflag:s10] =	ssyncset.done $0x0  }
0x6d: {  	[sflag:s10] =	ssyncadd.s32 $0xFFFF9800  }
0x6e: {  	_ =	swait.ge [sflag:s26], $0x680  }
0x6f: {  	[sflag:s26] =	ssyncset.done $0x0  }
0x70: {  	[sflag:s26] =	ssyncadd.s32 $0xFFFFF980  }
0x71: {  	_ =	swait.ge [sflag:s26], $0x680  }
0x72: {  	[sflag:s26] =	ssyncset.done $0x0  }
0x73: {  	[sflag:s26] =	ssyncadd.s32 $0xFFFFF980  }
0x74: {  	[tilespmem:s7], [sflag:$0x5] =	stream.indirect.gather [hbm4b:s3+s5], $0x10, s23, s5, $0xb8;
	[tilespmem:$0xF700] =	vst v63  }
0x75: {  	_ =	swait.ge [sflag:s11], $0x6800  }
0x76: {  	[sflag:s11] =	ssyncset.done $0x0  }
0x77: {  	[sflag:s11] =	ssyncadd.s32 $0xFFFF9800  }
0x78: {  	[hbm4b:s2+s5] =	stream.indirect.scatter [tilespmem:s9], [sflag:$0x6], $0x10, s6, s5, $0xb8;
	[tilespmem:$0xF700] =	vst v63  }
0x79: {  	_ = 	snop  }
0x7a: {  	[tilespmem:s4], [sflag:$0x1] =	stream.linear.gather [hbm4b:s19+s4], $0x680, $0x38;
	[tilespmem:$0xF700] =	vst v63  }
0x7b: {  	_ = 	snop  }
0x7c: {  	[tilespmem:s8], [sflag:$0x1] =	stream.linear.gather [hbm4b:s21+s4], $0x680, $0x38;
	[tilespmem:$0xF700] =	vst v63  }
0x7d: {  	_ =	swait.ge [sflag:s14], $0x6800  }
0x7e: {  	[sflag:s14] =	ssyncset.done $0x0  }
0x7f: {  	[sflag:s14] =	ssyncadd.s32 $0xFFFF9800  }
0x80: {  	_ =	swait.ge [sflag:s17], $0x680  }
0x81: {  	[sflag:s17] =	ssyncset.done $0x0  }
0x82: {  	[sflag:s17] =	ssyncadd.s32 $0xFFFFF980  }
0x83: {  	_ =	swait.ge [sflag:s17], $0x680  }
0x84: {  	[sflag:s17] =	ssyncset.done $0x0  }
0x85: {  	[sflag:s17] =	ssyncadd.s32 $0xFFFFF980  }
0x86: {  	[tilespmem:s9], [sflag:$0x4] =	stream.indirect.gather [hbm4b:s3+s5], $0x10, s4, s5, $0xb8;
	[tilespmem:$0xF700] =	vst v63  }
0x87: {  	_ =	swait.ge [sflag:s12], $0x6800  }
0x88: {  	[sflag:s12] =	ssyncset.done $0x0  }
0x89: {  	[sflag:s12] =	ssyncadd.s32 $0xFFFF9800  }
0x8a: {  	[hbm4b:s2+s5] =	stream.indirect.scatter [tilespmem:s7], [sflag:$0x7], $0x10, s20, s5, $0xb8;
	[tilespmem:$0xF700] =	vst v63  }
0x8b: {  	_ = 	snop  }
0x8c: {  	[tilespmem:s5], [sflag:$0x2] =	stream.linear.gather [hbm4b:s16+s4], $0x680, $0x38;
	[tilespmem:$0xF700] =	vst v63  }
0x8d: {  	_ = 	snop  }
0x8e: {  	[tilespmem:s6], [sflag:$0x2] =	stream.linear.gather [hbm4b:s18+s4], $0x680, $0x38;
	[tilespmem:$0xF700] =	vst v63  }
0x8f: {  	_ =	swait.ge [sflag:s10], $0x6800  }
0x90: {  	[sflag:s10] =	ssyncset.done $0x0  }
0x91: {  	[sflag:s10] =	ssyncadd.s32 $0xFFFF9800  }
0x92: {  	_ =	swait.ge [sflag:s13], $0x680  }
0x93: {  	[sflag:s13] =	ssyncset.done $0x0  }
0x94: {  	[sflag:s13] =	ssyncadd.s32 $0xFFFFF980  }
0x95: {  	_ =	swait.ge [sflag:s13], $0x680  }
0x96: {  	[sflag:s13] =	ssyncset.done $0x0  }
0x97: {  	[sflag:s13] =	ssyncadd.s32 $0xFFFFF980  }
0x98: {  	[tilespmem:s7], [sflag:$0x5] =	stream.indirect.gather [hbm4b:s3+s5], $0x10, s5, s5, $0xb8;
	[tilespmem:$0xF700] =	vst v63  }
0x99: {  	_ =	swait.ge [sflag:s11], $0x6800  }
0x9a: {  	[sflag:s11] =	ssyncset.done $0x0  }
0x9b: {  	[sflag:s11] =	ssyncadd.s32 $0xFFFF9800  }
0x9c: {  	[hbm4b:s2+s5] =	stream.indirect.scatter [tilespmem:s9], [sflag:$0x6], $0x10, s8, s5, $0xb8;
	[tilespmem:$0xF700] =	vst v63  }
0x9d: {  	_ =	swait.ge [sflag:s14], $0x6800  }
0x9e: {  	[sflag:s14] =	ssyncset.done $0x0  }
0x9f: {  	[sflag:s14] =	ssyncadd.s32 $0xFFFF9800  }
0xa0: {  	p1 =	sne.s32 s15, $0x1;
	_ =	swait.ge [sflag:s12], $0x6800  }
.Ltmp1:
0xa1: {  	[sflag:s12] =	ssyncset.done $0x0;
	(pc) =	sbr.rel @!p1 .LBB2_3-.Ltmp1, $4  }
0xa2: {  	[sflag:s12] =	ssyncadd.s32 $0xFFFF9800  }
0xa3: {  	[hbm4b:s2+s5] =	stream.indirect.scatter [tilespmem:s7], [sflag:$0x7], $0x10, s6, s5, $0xb8;
	[tilespmem:$0xF700] =	vst v63  }
0xa4: {  	p0 =	por $0x1, $0x1;
	_ =	swait.ge [sflag:s10], $0x6800  }
0xa5: {  	s1 =	sadd.s32 $0xFFFFFFFF, s15;
	s0 =	rddreg [dreg:$0x3];
	[sflag:s10] =	ssyncset.done $0x0  }
.LBB2_4:
0xa6: {  	[sflag:s10] =	ssyncadd.s32 $0xFFFF9800  }
0xa7: {  	[tilespmem:s4], [sflag:$0x1] =	stream.linear.gather [hbm4b:s0+s4], $0x680, $0x38;
	[tilespmem:$0xF700] =	vst v63  }
0xa8: {  	s15 =	rddreg [dreg:$0x4]  }
0xa9: {  	[tilespmem:s8], [sflag:$0x1] =	stream.linear.gather [hbm4b:s15+s4], $0x680, $0x38;
	[tilespmem:$0xF700] =	vst v63  }
0xaa: {  	s0 =	rddreg [dreg:$0x5]  }
0xab: {  	[tilespmem:s5], [sflag:$0x2] =	stream.linear.gather [hbm4b:s0+s4], $0x680, $0x38;
	[tilespmem:$0xF700] =	vst v63  }
0xac: {  	s15 =	rddreg [dreg:$0x6]  }
0xad: {  	[tilespmem:s6], [sflag:$0x2] =	stream.linear.gather [hbm4b:s15+s4], $0x680, $0x38;
	[tilespmem:$0xF700] =	vst v63  }
0xae: {  	_ =	swait.ge [sflag:s17], $0x680  }
0xaf: {  	[sflag:s17] =	ssyncset.done $0x0  }
0xb0: {  	[sflag:s17] =	ssyncadd.s32 $0xFFFFF980  }
0xb1: {  	_ =	swait.ge [sflag:s17], $0x680  }
0xb2: {  	[sflag:s17] =	ssyncset.done $0x0  }
0xb3: {  	[sflag:s17] =	ssyncadd.s32 $0xFFFFF980  }
0xb4: {  	[tilespmem:s9], [sflag:$0x4] =	stream.indirect.gather [hbm4b:s3+s5], $0x10, s4, s5, $0xb8;
	[tilespmem:$0xF700] =	vst v63  }
0xb5: {  	_ =	swait.ge [sflag:s13], $0x680  }
0xb6: {  	[sflag:s13] =	ssyncset.done $0x0  }
0xb7: {  	[sflag:s13] =	ssyncadd.s32 $0xFFFFF980  }
0xb8: {  	_ =	swait.ge [sflag:s13], $0x680  }
0xb9: {  	[sflag:s13] =	ssyncset.done $0x0  }
0xba: {  	[sflag:s13] =	ssyncadd.s32 $0xFFFFF980  }
0xbb: {  	[tilespmem:s7], [sflag:$0x5] =	stream.indirect.gather [hbm4b:s3+s5], $0x10, s5, s5, $0xb8;
	[tilespmem:$0xF700] =	vst v63  }
0xbc: {  	_ =	swait.ge [sflag:s11], $0x6800  }
0xbd: {  	[sflag:s11] =	ssyncset.done $0x0  }
0xbe: {  	[sflag:s11] =	ssyncadd.s32 $0xFFFF9800  }
0xbf: {  	[hbm4b:s2+s5] =	stream.indirect.scatter [tilespmem:s9], [sflag:$0x6], $0x10, s8, s5, $0xb8;
	[tilespmem:$0xF700] =	vst v63  }
0xc0: {  	s15 =	rddreg [dreg:$0x7]  }
0xc1: {  	[tilespmem:s23], [sflag:$0x3] =	stream.linear.gather [hbm4b:s15+s4], $0x680, $0x38;
	[tilespmem:$0xF700] =	vst v63  }
0xc2: {  	_ = 	snop  }
0xc3: {  	[tilespmem:s20], [sflag:$0x3] =	stream.linear.gather [hbm4b:s31+s4], $0x680, $0x38;
	[tilespmem:$0xF700] =	vst v63  }
0xc4: {  	_ =	swait.ge [sflag:s14], $0x6800  }
0xc5: {  	[sflag:s14] =	ssyncset.done $0x0  }
0xc6: {  	[sflag:s14] =	ssyncadd.s32 $0xFFFF9800  }
0xc7: {  	_ =	swait.ge [sflag:s26], $0x680  }
0xc8: {  	[sflag:s26] =	ssyncset.done $0x0  }
0xc9: {  	[sflag:s26] =	ssyncadd.s32 $0xFFFFF980  }
0xca: {  	_ =	swait.ge [sflag:s26], $0x680  }
0xcb: {  	[sflag:s26] =	ssyncset.done $0x0  }
0xcc: {  	[sflag:s26] =	ssyncadd.s32 $0xFFFFF980  }
0xcd: {  	[tilespmem:s9], [sflag:$0x4] =	stream.indirect.gather [hbm4b:s3+s5], $0x10, s23, s5, $0xb8;
	[tilespmem:$0xF700] =	vst v63  }
0xce: {  	_ =	swait.ge [sflag:s12], $0x6800  }
0xcf: {  	[sflag:s12] =	ssyncset.done $0x0  }
0xd0: {  	[sflag:s12] =	ssyncadd.s32 $0xFFFF9800  }
0xd1: {  	[hbm4b:s2+s5] =	stream.indirect.scatter [tilespmem:s7], [sflag:$0x7], $0x10, s6, s5, $0xb8;
	[tilespmem:$0xF700] =	vst v63  }
0xd2: {  	_ = 	snop  }
0xd3: {  	[tilespmem:s4], [sflag:$0x1] =	stream.linear.gather [hbm4b:s29+s4], $0x680, $0x38;
	[tilespmem:$0xF700] =	vst v63  }
0xd4: {  	_ = 	snop  }
0xd5: {  	[tilespmem:s8], [sflag:$0x1] =	stream.linear.gather [hbm4b:s30+s4], $0x680, $0x38;
	[tilespmem:$0xF700] =	vst v63  }
0xd6: {  	_ =	swait.ge [sflag:s10], $0x6800  }
0xd7: {  	[sflag:s10] =	ssyncset.done $0x0  }
0xd8: {  	[sflag:s10] =	ssyncadd.s32 $0xFFFF9800  }
0xd9: {  	_ =	swait.ge [sflag:s17], $0x680  }
0xda: {  	[sflag:s17] =	ssyncset.done $0x0  }
0xdb: {  	[sflag:s17] =	ssyncadd.s32 $0xFFFFF980  }
0xdc: {  	_ =	swait.ge [sflag:s17], $0x680  }
0xdd: {  	[sflag:s17] =	ssyncset.done $0x0  }
0xde: {  	[sflag:s17] =	ssyncadd.s32 $0xFFFFF980  }
0xdf: {  	[tilespmem:s7], [sflag:$0x5] =	stream.indirect.gather [hbm4b:s3+s5], $0x10, s4, s5, $0xb8;
	[tilespmem:$0xF700] =	vst v63  }
0xe0: {  	_ =	swait.ge [sflag:s11], $0x6800  }
0xe1: {  	[sflag:s11] =	ssyncset.done $0x0  }
0xe2: {  	[sflag:s11] =	ssyncadd.s32 $0xFFFF9800  }
0xe3: {  	[hbm4b:s2+s5] =	stream.indirect.scatter [tilespmem:s9], [sflag:$0x6], $0x10, s20, s5, $0xb8;
	[tilespmem:$0xF700] =	vst v63  }
0xe4: {  	_ = 	snop  }
0xe5: {  	[tilespmem:s5], [sflag:$0x2] =	stream.linear.gather [hbm4b:s25+s4], $0x680, $0x38;
	[tilespmem:$0xF700] =	vst v63  }
0xe6: {  	_ = 	snop  }
0xe7: {  	[tilespmem:s6], [sflag:$0x2] =	stream.linear.gather [hbm4b:s28+s4], $0x680, $0x38;
	[tilespmem:$0xF700] =	vst v63  }
0xe8: {  	_ =	swait.ge [sflag:s14], $0x6800  }
0xe9: {  	[sflag:s14] =	ssyncset.done $0x0  }
0xea: {  	[sflag:s14] =	ssyncadd.s32 $0xFFFF9800  }
0xeb: {  	_ =	swait.ge [sflag:s13], $0x680  }
0xec: {  	[sflag:s13] =	ssyncset.done $0x0  }
0xed: {  	[sflag:s13] =	ssyncadd.s32 $0xFFFFF980  }
0xee: {  	_ =	swait.ge [sflag:s13], $0x680  }
0xef: {  	[sflag:s13] =	ssyncset.done $0x0  }
0xf0: {  	[sflag:s13] =	ssyncadd.s32 $0xFFFFF980  }
0xf1: {  	[tilespmem:s9], [sflag:$0x4] =	stream.indirect.gather [hbm4b:s3+s5], $0x10, s5, s5, $0xb8;
	[tilespmem:$0xF700] =	vst v63  }
0xf2: {  	_ =	swait.ge [sflag:s12], $0x6800  }
0xf3: {  	[sflag:s12] =	ssyncset.done $0x0  }
0xf4: {  	[sflag:s12] =	ssyncadd.s32 $0xFFFF9800  }
0xf5: {  	[hbm4b:s2+s5] =	stream.indirect.scatter [tilespmem:s7], [sflag:$0x7], $0x10, s8, s5, $0xb8;
	[tilespmem:$0xF700] =	vst v63  }
0xf6: {  	_ = 	snop  }
0xf7: {  	[tilespmem:s23], [sflag:$0x3] =	stream.linear.gather [hbm4b:s22+s4], $0x680, $0x38;
	[tilespmem:$0xF700] =	vst v63  }
0xf8: {  	_ = 	snop  }
0xf9: {  	[tilespmem:s20], [sflag:$0x3] =	stream.linear.gather [hbm4b:s24+s4], $0x680, $0x38;
	[tilespmem:$0xF700] =	vst v63  }
0xfa: {  	_ =	swait.ge [sflag:s10], $0x6800  }
0xfb: {  	[sflag:s10] =	ssyncset.done $0x0  }
0xfc: {  	[sflag:s10] =	ssyncadd.s32 $0xFFFF9800  }
0xfd: {  	_ =	swait.ge [sflag:s26], $0x680  }
0xfe: {  	[sflag:s26] =	ssyncset.done $0x0  }
0xff: {  	[sflag:s26] =	ssyncadd.s32 $0xFFFFF980  }
0x100: {  	_ =	swait.ge [sflag:s26], $0x680  }
0x101: {  	[sflag:s26] =	ssyncset.done $0x0  }
0x102: {  	[sflag:s26] =	ssyncadd.s32 $0xFFFFF980  }
0x103: {  	[tilespmem:s7], [sflag:$0x5] =	stream.indirect.gather [hbm4b:s3+s5], $0x10, s23, s5, $0xb8;
	[tilespmem:$0xF700] =	vst v63  }
0x104: {  	_ =	swait.ge [sflag:s11], $0x6800  }
0x105: {  	[sflag:s11] =	ssyncset.done $0x0  }
0x106: {  	[sflag:s11] =	ssyncadd.s32 $0xFFFF9800  }
0x107: {  	[hbm4b:s2+s5] =	stream.indirect.scatter [tilespmem:s9], [sflag:$0x6], $0x10, s6, s5, $0xb8;
	[tilespmem:$0xF700] =	vst v63  }
0x108: {  	_ = 	snop  }
0x109: {  	[tilespmem:s4], [sflag:$0x1] =	stream.linear.gather [hbm4b:s19+s4], $0x680, $0x38;
	[tilespmem:$0xF700] =	vst v63  }
0x10a: {  	_ = 	snop  }
0x10b: {  	[tilespmem:s8], [sflag:$0x1] =	stream.linear.gather [hbm4b:s21+s4], $0x680, $0x38;
	[tilespmem:$0xF700] =	vst v63  }
0x10c: {  	_ =	swait.ge [sflag:s14], $0x6800  }
0x10d: {  	[sflag:s14] =	ssyncset.done $0x0  }
0x10e: {  	[sflag:s14] =	ssyncadd.s32 $0xFFFF9800  }
0x10f: {  	_ =	swait.ge [sflag:s17], $0x680  }
0x110: {  	[sflag:s17] =	ssyncset.done $0x0  }
0x111: {  	[sflag:s17] =	ssyncadd.s32 $0xFFFFF980  }
0x112: {  	_ =	swait.ge [sflag:s17], $0x680  }
0x113: {  	[sflag:s17] =	ssyncset.done $0x0  }
0x114: {  	[sflag:s17] =	ssyncadd.s32 $0xFFFFF980  }
0x115: {  	[tilespmem:s9], [sflag:$0x4] =	stream.indirect.gather [hbm4b:s3+s5], $0x10, s4, s5, $0xb8;
	[tilespmem:$0xF700] =	vst v63  }
0x116: {  	_ =	swait.ge [sflag:s12], $0x6800  }
0x117: {  	[sflag:s12] =	ssyncset.done $0x0  }
0x118: {  	[sflag:s12] =	ssyncadd.s32 $0xFFFF9800  }
0x119: {  	[hbm4b:s2+s5] =	stream.indirect.scatter [tilespmem:s7], [sflag:$0x7], $0x10, s20, s5, $0xb8;
	[tilespmem:$0xF700] =	vst v63  }
0x11a: {  	_ = 	snop  }
0x11b: {  	[tilespmem:s5], [sflag:$0x2] =	stream.linear.gather [hbm4b:s16+s4], $0x680, $0x38;
	[tilespmem:$0xF700] =	vst v63  }
0x11c: {  	_ = 	snop  }
0x11d: {  	[tilespmem:s6], [sflag:$0x2] =	stream.linear.gather [hbm4b:s18+s4], $0x680, $0x38;
	[tilespmem:$0xF700] =	vst v63  }
0x11e: {  	_ =	swait.ge [sflag:s10], $0x6800  }
0x11f: {  	[sflag:s10] =	ssyncset.done $0x0  }
0x120: {  	[sflag:s10] =	ssyncadd.s32 $0xFFFF9800  }
0x121: {  	_ =	swait.ge [sflag:s13], $0x680  }
0x122: {  	[sflag:s13] =	ssyncset.done $0x0  }
0x123: {  	[sflag:s13] =	ssyncadd.s32 $0xFFFFF980  }
0x124: {  	_ =	swait.ge [sflag:s13], $0x680  }
0x125: {  	[sflag:s13] =	ssyncset.done $0x0  }
0x126: {  	[sflag:s13] =	ssyncadd.s32 $0xFFFFF980  }
0x127: {  	[tilespmem:s7], [sflag:$0x5] =	stream.indirect.gather [hbm4b:s3+s5], $0x10, s5, s5, $0xb8;
	[tilespmem:$0xF700] =	vst v63  }
0x128: {  	_ =	swait.ge [sflag:s11], $0x6800  }
0x129: {  	[sflag:s11] =	ssyncset.done $0x0  }
0x12a: {  	[sflag:s11] =	ssyncadd.s32 $0xFFFF9800  }
0x12b: {  	[hbm4b:s2+s5] =	stream.indirect.scatter [tilespmem:s9], [sflag:$0x6], $0x10, s8, s5, $0xb8;
	[tilespmem:$0xF700] =	vst v63  }
0x12c: {  	_ =	swait.ge [sflag:s14], $0x6800  }
0x12d: {  	[sflag:s14] =	ssyncset.done $0x0  }
0x12e: {  	[sflag:s14] =	ssyncadd.s32 $0xFFFF9800  }
0x12f: {  	p1 =	sne.s32 s1, $0x1;
	_ =	swait.ge [sflag:s12], $0x6800  }
.Ltmp2:
0x130: {  	[sflag:s12] =	ssyncset.done $0x0;
	(pc) =	sbr.rel @p1 .LBB2_4-.Ltmp2, $4  }
0x131: {  	[sflag:s12] =	ssyncadd.s32 $0xFFFF9800  }
0x132: {  	[hbm4b:s2+s5] =	stream.indirect.scatter [tilespmem:s7], [sflag:$0x7], $0x10, s6, s5, $0xb8;
	[tilespmem:$0xF700] =	vst v63  }
0x133: {  	_ =	swait.ge [sflag:s10], $0x6800  }
0x134: {  	s1 =	sadd.s32 $0xFFFFFFFF, s1;
	s0 =	rddreg [dreg:$0x3];
	[sflag:s10] =	ssyncset.done $0x0  }
0x135: {  	s15 =	smov.u32 s31;
	s31 =	rddreg [dreg:$0x7]  }
.LBB2_6:
0x136: {  	[sflag:s10] =	ssyncadd.s32 @p0 $0xFFFF9800  }
0x137: {  	[tilespmem:s4], [sflag:$0x1] =	stream.linear.gather [hbm4b:s0+s4], $0x680, $0x38;
	[tilespmem:$0xF700] =	vst v63  }
0x138: {  	s1 =	rddreg [dreg:$0x4]  }
0x139: {  	[tilespmem:s8], [sflag:$0x1] =	stream.linear.gather [hbm4b:s1+s4], $0x680, $0x38;
	[tilespmem:$0xF700] =	vst v63  }
0x13a: {  	s0 =	rddreg [dreg:$0x5]  }
0x13b: {  	[tilespmem:s5], [sflag:$0x2] =	stream.linear.gather [hbm4b:s0+s4], $0x680, $0x38;
	[tilespmem:$0xF700] =	vst v63  }
0x13c: {  	s1 =	rddreg [dreg:$0x6]  }
0x13d: {  	[tilespmem:s6], [sflag:$0x2] =	stream.linear.gather [hbm4b:s1+s4], $0x680, $0x38;
	[tilespmem:$0xF700] =	vst v63  }
0x13e: {  	_ =	swait.ge [sflag:s17], $0x680  }
0x13f: {  	[sflag:s17] =	ssyncset.done $0x0  }
0x140: {  	[sflag:s17] =	ssyncadd.s32 $0xFFFFF980  }
0x141: {  	_ =	swait.ge [sflag:s17], $0x680  }
0x142: {  	[sflag:s17] =	ssyncset.done $0x0  }
0x143: {  	[sflag:s17] =	ssyncadd.s32 $0xFFFFF980  }
0x144: {  	[tilespmem:s9], [sflag:$0x4] =	stream.indirect.gather [hbm4b:s3+s5], $0x10, s4, s5, $0xb8;
	[tilespmem:$0xF700] =	vst v63  }
0x145: {  	_ =	swait.ge [sflag:s13], $0x680  }
0x146: {  	[sflag:s13] =	ssyncset.done $0x0  }
0x147: {  	[sflag:s13] =	ssyncadd.s32 $0xFFFFF980  }
0x148: {  	_ =	swait.ge [sflag:s13], $0x680  }
0x149: {  	[sflag:s13] =	ssyncset.done $0x0  }
0x14a: {  	[sflag:s13] =	ssyncadd.s32 $0xFFFFF980  }
0x14b: {  	[tilespmem:s7], [sflag:$0x5] =	stream.indirect.gather [hbm4b:s3+s5], $0x10, s5, s5, $0xb8;
	[tilespmem:$0xF700] =	vst v63  }
0x14c: {  	_ =	swait.ge [sflag:s11], $0x6800  }
0x14d: {  	[sflag:s11] =	ssyncset.done $0x0  }
0x14e: {  	[sflag:s11] =	ssyncadd.s32 $0xFFFF9800  }
0x14f: {  	[hbm4b:s2+s5] =	stream.indirect.scatter [tilespmem:s9], [sflag:$0x6], $0x10, s8, s5, $0xb8;
	[tilespmem:$0xF700] =	vst v63  }
0x150: {  	_ = 	snop  }
0x151: {  	[tilespmem:s23], [sflag:$0x3] =	stream.linear.gather [hbm4b:s31+s4], $0x680, $0x38;
	[tilespmem:$0xF700] =	vst v63  }
0x152: {  	_ = 	snop  }
0x153: {  	[tilespmem:s20], [sflag:$0x3] =	stream.linear.gather [hbm4b:s15+s4], $0x680, $0x38;
	[tilespmem:$0xF700] =	vst v63  }
0x154: {  	_ =	swait.ge [sflag:s14], $0x6800  }
0x155: {  	[sflag:s14] =	ssyncset.done $0x0  }
0x156: {  	[sflag:s14] =	ssyncadd.s32 $0xFFFF9800  }
0x157: {  	_ =	swait.ge [sflag:s26], $0x680  }
0x158: {  	[sflag:s26] =	ssyncset.done $0x0  }
0x159: {  	[sflag:s26] =	ssyncadd.s32 $0xFFFFF980  }
0x15a: {  	_ =	swait.ge [sflag:s26], $0x680  }
0x15b: {  	[sflag:s26] =	ssyncset.done $0x0  }
0x15c: {  	[sflag:s26] =	ssyncadd.s32 $0xFFFFF980  }
0x15d: {  	[tilespmem:s9], [sflag:$0x4] =	stream.indirect.gather [hbm4b:s3+s5], $0x10, s23, s5, $0xb8;
	[tilespmem:$0xF700] =	vst v63  }
0x15e: {  	_ =	swait.ge [sflag:s12], $0x6800  }
0x15f: {  	[sflag:s12] =	ssyncset.done $0x0  }
0x160: {  	[sflag:s12] =	ssyncadd.s32 $0xFFFF9800  }
0x161: {  	[hbm4b:s2+s5] =	stream.indirect.scatter [tilespmem:s7], [sflag:$0x7], $0x10, s6, s5, $0xb8;
	[tilespmem:$0xF700] =	vst v63  }
0x162: {  	_ = 	snop  }
0x163: {  	[tilespmem:s4], [sflag:$0x1] =	stream.linear.gather [hbm4b:s29+s4], $0x680, $0x38;
	[tilespmem:$0xF700] =	vst v63  }
0x164: {  	_ = 	snop  }
0x165: {  	[tilespmem:s8], [sflag:$0x1] =	stream.linear.gather [hbm4b:s30+s4], $0x680, $0x38;
	[tilespmem:$0xF700] =	vst v63  }
0x166: {  	_ =	swait.ge [sflag:s10], $0x6800  }
0x167: {  	[sflag:s10] =	ssyncset.done $0x0  }
0x168: {  	[sflag:s10] =	ssyncadd.s32 $0xFFFF9800  }
0x169: {  	_ =	swait.ge [sflag:s17], $0x680  }
0x16a: {  	[sflag:s17] =	ssyncset.done $0x0  }
0x16b: {  	[sflag:s17] =	ssyncadd.s32 $0xFFFFF980  }
0x16c: {  	_ =	swait.ge [sflag:s17], $0x680  }
0x16d: {  	[sflag:s17] =	ssyncset.done $0x0  }
0x16e: {  	[sflag:s17] =	ssyncadd.s32 $0xFFFFF980  }
0x16f: {  	[tilespmem:s7], [sflag:$0x5] =	stream.indirect.gather [hbm4b:s3+s5], $0x10, s4, s5, $0xb8;
	[tilespmem:$0xF700] =	vst v63  }
0x170: {  	_ =	swait.ge [sflag:s11], $0x6800  }
0x171: {  	[sflag:s11] =	ssyncset.done $0x0  }
0x172: {  	[sflag:s11] =	ssyncadd.s32 $0xFFFF9800  }
0x173: {  	[hbm4b:s2+s5] =	stream.indirect.scatter [tilespmem:s9], [sflag:$0x6], $0x10, s20, s5, $0xb8;
	[tilespmem:$0xF700] =	vst v63  }
0x174: {  	_ = 	snop  }
0x175: {  	[tilespmem:s5], [sflag:$0x2] =	stream.linear.gather [hbm4b:s25+s4], $0x680, $0x38;
	[tilespmem:$0xF700] =	vst v63  }
0x176: {  	_ = 	snop  }
0x177: {  	[tilespmem:s6], [sflag:$0x2] =	stream.linear.gather [hbm4b:s28+s4], $0x680, $0x38;
	[tilespmem:$0xF700] =	vst v63  }
0x178: {  	_ =	swait.ge [sflag:s14], $0x6800  }
0x179: {  	[sflag:s14] =	ssyncset.done $0x0  }
0x17a: {  	[sflag:s14] =	ssyncadd.s32 $0xFFFF9800  }
0x17b: {  	_ =	swait.ge [sflag:s13], $0x680  }
0x17c: {  	[sflag:s13] =	ssyncset.done $0x0  }
0x17d: {  	[sflag:s13] =	ssyncadd.s32 $0xFFFFF980  }
0x17e: {  	_ =	swait.ge [sflag:s13], $0x680  }
0x17f: {  	[sflag:s13] =	ssyncset.done $0x0  }
0x180: {  	[sflag:s13] =	ssyncadd.s32 $0xFFFFF980  }
0x181: {  	[tilespmem:s9], [sflag:$0x4] =	stream.indirect.gather [hbm4b:s3+s5], $0x10, s5, s5, $0xb8;
	[tilespmem:$0xF700] =	vst v63  }
0x182: {  	_ =	swait.ge [sflag:s12], $0x6800  }
0x183: {  	[sflag:s12] =	ssyncset.done $0x0  }
0x184: {  	[sflag:s12] =	ssyncadd.s32 $0xFFFF9800  }
0x185: {  	[hbm4b:s2+s5] =	stream.indirect.scatter [tilespmem:s7], [sflag:$0x7], $0x10, s8, s5, $0xb8;
	[tilespmem:$0xF700] =	vst v63  }
0x186: {  	_ = 	snop  }
0x187: {  	[tilespmem:s23], [sflag:$0x3] =	stream.linear.gather [hbm4b:s22+s4], $0x680, $0x38;
	[tilespmem:$0xF700] =	vst v63  }
0x188: {  	_ = 	snop  }
0x189: {  	[tilespmem:s20], [sflag:$0x3] =	stream.linear.gather [hbm4b:s24+s4], $0x680, $0x38;
	[tilespmem:$0xF700] =	vst v63  }
0x18a: {  	_ =	swait.ge [sflag:s10], $0x6800  }
0x18b: {  	[sflag:s10] =	ssyncset.done $0x0  }
0x18c: {  	[sflag:s10] =	ssyncadd.s32 $0xFFFF9800  }
0x18d: {  	_ =	swait.ge [sflag:s26], $0x680  }
0x18e: {  	[sflag:s26] =	ssyncset.done $0x0  }
0x18f: {  	[sflag:s26] =	ssyncadd.s32 $0xFFFFF980  }
0x190: {  	_ =	swait.ge [sflag:s26], $0x680  }
0x191: {  	[sflag:s26] =	ssyncset.done $0x0  }
0x192: {  	[sflag:s26] =	ssyncadd.s32 $0xFFFFF980  }
0x193: {  	[tilespmem:s7], [sflag:$0x5] =	stream.indirect.gather [hbm4b:s3+s5], $0x10, s23, s5, $0xb8;
	[tilespmem:$0xF700] =	vst v63  }
0x194: {  	_ =	swait.ge [sflag:s11], $0x6800  }
0x195: {  	[sflag:s11] =	ssyncset.done $0x0  }
0x196: {  	[sflag:s11] =	ssyncadd.s32 $0xFFFF9800  }
0x197: {  	[hbm4b:s2+s5] =	stream.indirect.scatter [tilespmem:s9], [sflag:$0x6], $0x10, s6, s5, $0xb8;
	[tilespmem:$0xF700] =	vst v63  }
0x198: {  	_ = 	snop  }
0x199: {  	[tilespmem:s4], [sflag:$0x1] =	stream.linear.gather [hbm4b:s19+s4], $0x680, $0x38;
	[tilespmem:$0xF700] =	vst v63  }
0x19a: {  	_ = 	snop  }
0x19b: {  	[tilespmem:s8], [sflag:$0x1] =	stream.linear.gather [hbm4b:s21+s4], $0x680, $0x38;
	[tilespmem:$0xF700] =	vst v63  }
0x19c: {  	_ =	swait.ge [sflag:s14], $0x6800  }
0x19d: {  	[sflag:s14] =	ssyncset.done $0x0  }
0x19e: {  	[sflag:s14] =	ssyncadd.s32 $0xFFFF9800  }
0x19f: {  	_ =	swait.ge [sflag:s17], $0x680  }
0x1a0: {  	[sflag:s17] =	ssyncset.done $0x0  }
0x1a1: {  	[sflag:s17] =	ssyncadd.s32 $0xFFFFF980  }
0x1a2: {  	_ =	swait.ge [sflag:s17], $0x680  }
0x1a3: {  	[sflag:s17] =	ssyncset.done $0x0  }
0x1a4: {  	[sflag:s17] =	ssyncadd.s32 $0xFFFFF980  }
0x1a5: {  	[tilespmem:s9], [sflag:$0x4] =	stream.indirect.gather [hbm4b:s3+s5], $0x10, s4, s5, $0xb8;
	[tilespmem:$0xF700] =	vst v63  }
0x1a6: {  	_ =	swait.ge [sflag:s12], $0x6800  }
0x1a7: {  	[sflag:s12] =	ssyncset.done $0x0  }
0x1a8: {  	[sflag:s12] =	ssyncadd.s32 $0xFFFF9800  }
0x1a9: {  	[hbm4b:s2+s5] =	stream.indirect.scatter [tilespmem:s7], [sflag:$0x7], $0x10, s20, s5, $0xb8;
	[tilespmem:$0xF700] =	vst v63  }
0x1aa: {  	_ = 	snop  }
0x1ab: {  	[tilespmem:s5], [sflag:$0x2] =	stream.linear.gather [hbm4b:s16+s4], $0x680, $0x38;
	[tilespmem:$0xF700] =	vst v63  }
0x1ac: {  	_ = 	snop  }
0x1ad: {  	[tilespmem:s6], [sflag:$0x2] =	stream.linear.gather [hbm4b:s18+s4], $0x680, $0x38;
	[tilespmem:$0xF700] =	vst v63  }
0x1ae: {  	_ =	swait.ge [sflag:s10], $0x6800  }
0x1af: {  	[sflag:s10] =	ssyncset.done $0x0  }
0x1b0: {  	[sflag:s10] =	ssyncadd.s32 $0xFFFF9800  }
0x1b1: {  	_ =	swait.ge [sflag:s13], $0x680  }
0x1b2: {  	[sflag:s13] =	ssyncset.done $0x0  }
0x1b3: {  	[sflag:s13] =	ssyncadd.s32 $0xFFFFF980  }
0x1b4: {  	_ =	swait.ge [sflag:s13], $0x680  }
0x1b5: {  	[sflag:s13] =	ssyncset.done $0x0  }
0x1b6: {  	[sflag:s13] =	ssyncadd.s32 $0xFFFFF980  }
0x1b7: {  	[tilespmem:s7], [sflag:$0x5] =	stream.indirect.gather [hbm4b:s3+s5], $0x10, s5, s5, $0xb8;
	[tilespmem:$0xF700] =	vst v63  }
0x1b8: {  	_ =	swait.ge [sflag:s11], $0x6800  }
0x1b9: {  	[sflag:s11] =	ssyncset.done $0x0  }
0x1ba: {  	[sflag:s11] =	ssyncadd.s32 $0xFFFF9800  }
0x1bb: {  	[hbm4b:s2+s5] =	stream.indirect.scatter [tilespmem:s9], [sflag:$0x6], $0x10, s8, s5, $0xb8;
	[tilespmem:$0xF700] =	vst v63  }
0x1bc: {  	_ =	swait.ge [sflag:s14], $0x6800  }
0x1bd: {  	[sflag:s14] =	ssyncset.done $0x0  }
0x1be: {  	[sflag:s14] =	ssyncadd.s32 $0xFFFF9800  }
0x1bf: {  	_ =	swait.ge [sflag:s12], $0x6800  }
0x1c0: {  	[sflag:s12] =	ssyncset.done $0x0  }
0x1c1: {  	[sflag:s12] =	ssyncadd.s32 $0xFFFF9800  }
0x1c2: {  	[hbm4b:s2+s5] =	stream.indirect.scatter [tilespmem:s7], [sflag:$0x7], $0x10, s6, s5, $0xb8;
	[tilespmem:$0xF700] =	vst v63  }
0x1c3: {  	_ =	swait.ge [sflag:s10], $0x6800  }
0x1c4: {  	[sflag:s10] =	ssyncset.done $0x0  }
0x1c5: {  	[sflag:s10] =	ssyncadd.s32 $0xFFFF9800  }
0x1c6: {  	_ =	sfence.sel $0x180000  }
0x1c7: {  	[bflag:$0x0] =	sbarrier.arrive $0xFFFF  }
0x1c8: {  	_ =	strace $0x9000004A  }
0x1c9: {  	s31 =	stileid.u32;
	[bflag:$0x2] =	sbarrier.arrive $0xFFFF  }
0x1ca: {  	p0 =	sne.s32 s31, $0x0;
	s0 =	rddreg [dreg:$0x2]  }
0x1cb: {  	s0 =	sadd.s32 @!p0 $0x100000, s0  }
0x1cc: {  	[sflag:s0] =	ssyncadd.tile.s32 @!p0 $0x1;
	_ =	shalt  }
.LBB2_1:
.Ltmp3:
0x1cd: {  	(pc) =	sbr.rel .LBB2_6-.Ltmp3, $2  }
0x1ce: {  	_ =	sdelay $0x2  }
0x1cf: {  	s15 =	smov.u32 s31;
	s31 =	rddreg [dreg:$0x7]  }
.LBB2_3:
.Ltmp4:
0x1d0: {  	(pc) =	sbr.rel .LBB2_6-.Ltmp4, $2  }
0x1d1: {  	_ =	sdelay $0x2  }
0x1d2: {  	s15 =	smov.u32 s31;
	s31 =	rddreg [dreg:$0x7]  }
.Lfunc_end2:
_tile_overlayer_lowered:
.L_overlay_start_2:
0x1d3: {  	(tag) =	ssettag $0x2  }
0x1d4: {  	s0 =	rddreg [dreg:$0x0];
	s2 =	stileid.u32  }
0x1d5: {  	s1 =	rddreg [dreg:$0x1];
	p0 =	sne.s32 s2, $0x0  }
0x1d6: {  	s3 =	rddreg [dreg:$0x2];
	[bflag:$0x3] =	sbarrier.arrive $0xFFFF;
	s2 =	simm.s32 @!p0 $0x1C08  }
0x1d7: {  	[timem:s3], [sflag:s2] =	dma.local @!p0 [hbm:s0], s1  }
0x1d8: {  	s0 =	simm.s32 @!p0 $0x8  }
0x1d9: {  	_ =	swait.ge @!p0 [sflag:s0], s1  }
0x1da: {  	s1 =	ssub.s32 @!p0 $0x0, s1;
	[sflag:s0] =	ssyncset.done @!p0 $0x0  }
0x1db: {  	[sflag:s0] =	ssyncadd.s32 @!p0 s1  }
0x1dc: {  	[bflag:$0x3] =	sbarrier.arrive $0xFFFF  }
0x1dd: {  	_ =	shalt  }

</sc_bundles>
